<compile_context>
chip_gen: v7x
topology: tpu7x:2x2x1
jax: 0.10.2.dev20260603
libtpu: 0.0.44.dev20260713+nightly
codegen_flags: <defaults>
</compile_context>

<pallas_src>
import functools

import jax
import jax.numpy as jnp
from jax import lax
from jax.experimental import pallas as pl
from jax.experimental.pallas import tpu as pltpu
from jax.experimental.pallas import tpu_sc as plsc

D = 128
HID = 64

_NC, _NS = 2, 16
_NW = _NC * _NS
_SUB = 96
_TOTCH = 640
_NPAD = _SUB * _TOTCH
_N0, _N1 = 27, 13
_NMAX = max(_N0, _N1)
_TOTCH_PAD = _TOTCH + _NMAX + 5

_BA = 1000
_BC = 1024


def _project_body(x_ref, wproj_ref, w1a_ref, b1a_ref, wh1_ref, bh1_ref,
                  v2_ref, v3_ref, u3_ref, v4a_ref, v4b_ref, o1_ref):
    x = x_ref[...]
    p = jnp.dot(x, wproj_ref[...], preferred_element_type=jnp.float32)
    v2_ref[...] = p[:, 0:128]
    v3_ref[...] = p[:, 128:256]
    u3_ref[...] = p[:, 256:384]
    v4a_ref[...] = p[:, 384:512]
    v4b_ref[...] = p[:, 512:640]
    s1 = jnp.maximum(
        jnp.dot(x, w1a_ref[...], preferred_element_type=jnp.float32)
        + b1a_ref[...], 0.0)
    o1_ref[...] = (jnp.dot(s1, wh1_ref[...], preferred_element_type=jnp.float32)
                   + bh1_ref[...])


def _project(h, wproj, w1a, b1a, wh1, bh1):
    n1 = h.shape[0]
    grid = (n1 // _BA,)
    row = lambda i: (i, 0)
    rep = lambda i: (0, 0)
    return pl.pallas_call(
        _project_body,
        grid=grid,
        in_specs=[
            pl.BlockSpec((_BA, D), row),
            pl.BlockSpec((D, 640), rep),
            pl.BlockSpec((D, HID), rep),
            pl.BlockSpec((1, HID), rep),
            pl.BlockSpec((HID, 3), rep),
            pl.BlockSpec((1, 3), rep),
        ],
        out_specs=[
            pl.BlockSpec((_BA, 128), row),
            pl.BlockSpec((_BA, 128), row),
            pl.BlockSpec((_BA, 128), row),
            pl.BlockSpec((_BA, 128), row),
            pl.BlockSpec((_BA, 128), row),
            pl.BlockSpec((_BA, 3), row),
        ],
        out_shape=[
            jax.ShapeDtypeStruct((n1, 128), jnp.float32),
            jax.ShapeDtypeStruct((n1, 128), jnp.float32),
            jax.ShapeDtypeStruct((n1, 128), jnp.float32),
            jax.ShapeDtypeStruct((n1, 128), jnp.float32),
            jax.ShapeDtypeStruct((n1, 128), jnp.float32),
            jax.ShapeDtypeStruct((n1, 3), jnp.float32),
        ],
    )(h, wproj, w1a, b1a, wh1, bh1)


_GATHER_CFG = {
    2: ((128, 128), (0, 0), 1),
    3: ((128, 128, 128), (0, 1, 0), 2),
    4: ((128, 128, 128, 128), (0, 1, 1, 0), 2),
}


@functools.lru_cache(maxsize=None)
def _make_gather(level):
    widths, tab_of_col, n_tabs = _GATHER_CFG[level]
    mesh = plsc.VectorSubcoreMesh(core_axis_name="c", subcore_axis_name="s",
                                  num_cores=_NC, num_subcores=_NS)
    out_type = tuple(
        jax.ShapeDtypeStruct((_NPAD, widths[c]), jnp.float32)
        for c in range(level))
    scratch = (
        [pltpu.VMEM((_NMAX * _SUB,), jnp.int32) for _ in range(level)]
        + [pltpu.VMEM((2, _SUB, widths[c]), jnp.float32) for c in range(level)]
        + [pltpu.SemaphoreType.DMA for _ in range(level)]
        + [pltpu.SemaphoreType.DMA for _ in range(level)]
    )

    def body(idx_hbm, *refs):
        tabs = refs[:n_tabs]
        outs = refs[n_tabs:n_tabs + level]
        idxv = refs[n_tabs + level:n_tabs + 2 * level]
        gbuf = refs[n_tabs + 2 * level:n_tabs + 3 * level]
        gsem = refs[n_tabs + 3 * level:n_tabs + 4 * level]
        osem = refs[n_tabs + 4 * level:n_tabs + 5 * level]
        cc = lax.axis_index("c")
        ss = lax.axis_index("s")
        nch = jnp.where(cc == 0, _N0, _N1)
        cb = jnp.where(cc == 0, ss * _N0, _NS * _N0 + ss * _N1)
        for c in range(level):
            off = pl.multiple_of((c * _TOTCH_PAD + cb) * _SUB, _SUB)
            pltpu.sync_copy(idx_hbm.at[pl.ds(off, _NMAX * _SUB)], idxv[c])

        def gather_cp(c, k, slot):
            koff = pl.multiple_of(k * _SUB, _SUB)
            return pltpu.make_async_copy(
                tabs[tab_of_col[c]].at[idxv[c].at[pl.ds(koff, _SUB)]],
                gbuf[c].at[slot], gsem[c])

        def out_cp(c, k, slot):
            roff = pl.multiple_of((cb + k) * _SUB, _SUB)
            return pltpu.make_async_copy(
                gbuf[c].at[slot],
                outs[c].at[pl.ds(roff, _SUB)], osem[c])

        for c in range(level):
            gather_cp(c, 0, 0).start()

        def step(k, _):
            par = lax.rem(k, 2)
            for c in range(level):
                gather_cp(c, k, par).wait()

            @pl.when(k > 0)
            def _():
                for c in range(level):
                    out_cp(c, k - 1, 1 - par).wait()

            @pl.when(k + 1 < nch)
            def _():
                for c in range(level):
                    gather_cp(c, k + 1, 1 - par).start()
            for c in range(level):
                out_cp(c, k, par).start()
            return None

        lax.fori_loop(0, nch, step, None)
        last = nch - 1
        for c in range(level):
            out_cp(c, last, lax.rem(last, 2)).wait()

    return pl.kernel(body, out_type=out_type, mesh=mesh,
                     scratch_types=scratch, name="sc_gather_l%d" % level)


def _gather2(idx, v2):
    return _make_gather(2)(idx, v2)


def _gather3(idx, v3, u3):
    return _make_gather(3)(idx, v3, u3)


def _gather4(idx, v4a, v4b):
    return _make_gather(4)(idx, v4a, v4b)


def _post_body(g20_ref, g21_ref, g30_ref, g31_ref, g32_ref,
               g40_ref, g41_ref, g42_ref, g43_ref,
               b2_ref, w2_ref, c2_ref, b3_ref, w3_ref, c3_ref,
               b4_ref, w4_ref, c4_ref,
               o2_ref, o3_ref, o4_ref):
    def head(af, ab, b_ref, w_ref, c_ref):
        b = b_ref[...]
        m = jnp.maximum(af + b, 0.0) + jnp.maximum(ab + b, 0.0)
        return (jnp.dot(m, w_ref[...], preferred_element_type=jnp.float32)
                + c_ref[...])

    g20 = g20_ref[...]
    g21 = g21_ref[...]
    o2_ref[...] = head(g20[:, :64] + g21[:, 64:], g20[:, 64:] + g21[:, :64],
                       b2_ref, w2_ref, c2_ref)
    g30 = g30_ref[...]
    g31 = g31_ref[...]
    g32 = g32_ref[...]
    o3_ref[...] = head(g30[:, :64] + g31[:, :64] + g32[:, 64:],
                       g30[:, 64:] + g31[:, 64:] + g32[:, :64],
                       b3_ref, w3_ref, c3_ref)
    g40 = g40_ref[...]
    g41 = g41_ref[...]
    g42 = g42_ref[...]
    g43 = g43_ref[...]
    o4_ref[...] = head(g40[:, :64] + g41[:, :64] + g42[:, 64:] + g43[:, 64:],
                       g40[:, 64:] + g41[:, 64:] + g42[:, :64] + g43[:, :64],
                       b4_ref, w4_ref, c4_ref)


def _post(gs, wcs):
    grid = (_NPAD // _BC,)
    row = lambda i: (i, 0)
    rep = lambda i: (0, 0)
    g_specs = [pl.BlockSpec((_BC, g.shape[1]), row) for g in gs]
    w_specs = []
    for b, w, c in wcs:
        w_specs += [pl.BlockSpec((1, HID), rep),
                    pl.BlockSpec((HID, 2), rep),
                    pl.BlockSpec((1, 2), rep)]
    flat_w = [a for bwc in wcs for a in bwc]
    return pl.pallas_call(
        _post_body,
        grid=grid,
        in_specs=g_specs + w_specs,
        out_specs=[pl.BlockSpec((_BC, 2), row)] * 3,
        out_shape=[jax.ShapeDtypeStruct((_NPAD, 2), jnp.float32)] * 3,
    )(*gs, *flat_w)


def kernel(h, idx2, idx3, idx4, params):
    p = params
    w2, w3, w4 = p['W2a'], p['W3a'], p['W4a']
    wproj = jnp.concatenate([
        w2[0:128], w2[128:256],
        w3[0:128], w3[256:384],
        w3[128:256], w3[128:256],
        w4[0:128], w4[384:512],
        w4[128:256], w4[256:384],
    ], axis=1)
    wh1 = jnp.concatenate([p['W1_sigma'], p['W1_epsilon'], p['W1_q']], axis=1)
    bh1 = jnp.stack([p['b1_sigma'], p['b1_epsilon'], p['b1_q']], axis=1)
    v2, v3, u3, v4a, v4b, o1 = _project(
        h, wproj, p['W1a'], p['b1a'].reshape(1, HID), wh1, bh1.reshape(1, 3))

    def prep_idx(idx, level):
        it = jnp.pad(idx.T, ((0, 0), (0, _TOTCH_PAD * _SUB - idx.shape[0])))
        return it.reshape(level * _TOTCH_PAD * _SUB)

    g2 = _gather2(prep_idx(idx2, 2), v2)
    g3 = _gather3(prep_idx(idx3, 3), v3, u3)
    g4 = _gather4(prep_idx(idx4, 4), v4a, v4b)
    gs = list(g2) + list(g3) + list(g4)

    wcs = []
    for L in (2, 3, 4):
        wcs.append((p['b%da' % L].reshape(1, HID),
                    jnp.concatenate([p['W%d_k' % L], p['W%d_eq' % L]], axis=1),
                    jnp.stack([p['b%d_k' % L], p['b%d_eq' % L]],
                              axis=1).reshape(1, 2)))
    o2, o3, o4 = _post(list(gs), wcs)

    n2, n3, n4 = idx2.shape[0], idx3.shape[0], idx4.shape[0]
    return (o2[:n2, 0:1], o2[:n2, 1:2],
            o3[:n3, 0:1], o3[:n3, 1:2],
            o4[:n4, 0:1], o4[:n4, 1:2],
            o1[:, 0:1], o1[:, 1:2], o1[:, 2:3])

# --- scband reference (transcript-rebuilt; emitter-appended) ---
"""Pipeline reference for scband-janossy-pooling-31361851195593 (READ-ONLY COPY).

The authoritative reference and input builder live on the scoring server;
editing this copy changes nothing except your own understanding.
"""

import jax, jax.numpy as jnp
import numpy as np

D = 128
HID = 64
N1, N2, N3, N4 = 100000, 60000, 60000, 60000


def _dense_init(key, fan_in, fan_out):
    scale = 1.0 / np.sqrt(fan_in)
    W = jax.random.uniform(key, (fan_in, fan_out), minval=-scale, maxval=scale, dtype=jnp.float32)
    b = jnp.zeros((fan_out,), dtype=jnp.float32)
    return W, b


def _seq(x, W, b):
    # _Sequential with config [64, 'relu']: Dense(in->64) followed by relu
    return jax.nn.relu(x @ W + b)


def _forward(h, idx2, idx3, idx4, params):
    p = params
    outs = []
    # Levels 2,3,4: dgl multi_update_all copies n1 'h' along relation r and mean-reduces
    # into h{r} on n{L}. In the espaloma heterograph each n{L} node has exactly one n1
    # source per relation, so the mean reduction is exactly a gather h[idx[:, r]].
    for L, idx in ((2, idx2), (3, idx3), (4, idx4)):
        hs = [jnp.take(h, idx[:, r], axis=0) for r in range(L)]
        cat_f = jnp.concatenate(hs, axis=1)            # order 0..L-1
        cat_b = jnp.concatenate(hs[::-1], axis=1)      # order L-1..0
        m = _seq(cat_f, p['W%da' % L], p['b%da' % L]) + _seq(cat_b, p['W%da' % L], p['b%da' % L])  # pool = jnp.add
        for name in ('k', 'eq'):
            outs.append(m @ p['W%d_%s' % (L, name)] + p['b%d_%s' % (L, name)])
    # Level 1 heads applied to n1 node features directly
    s1 = _seq(h, p['W1a'], p['b1a'])
    for name in ('sigma', 'epsilon', 'q'):
        outs.append(s1 @ p['W1_%s' % name] + p['b1_%s' % name])
    return tuple(outs)


def setup_inputs(seed: int = 0):
    key = jax.random.key(seed)
    ks = jax.random.split(key, 24)
    inp = {}
    inp['h'] = jax.random.normal(ks[0], (N1, D), dtype=jnp.float32)
    inp['idx2'] = jax.random.randint(ks[1], (N2, 2), 0, N1, dtype=jnp.int32)
    inp['idx3'] = jax.random.randint(ks[2], (N3, 3), 0, N1, dtype=jnp.int32)
    inp['idx4'] = jax.random.randint(ks[3], (N4, 4), 0, N1, dtype=jnp.int32)
    params = {}
    i = 4
    for L in (1, 2, 3, 4):
        W, b = _dense_init(ks[i], D * L, HID); i += 1
        params['W%da' % L] = W
        params['b%da' % L] = b
    for L in (2, 3, 4):
        for name in ('k', 'eq'):
            W, b = _dense_init(ks[i], HID, 1); i += 1
            params['W%d_%s' % (L, name)] = W
            params['b%d_%s' % (L, name)] = b
    for name in ('sigma', 'epsilon', 'q'):
        W, b = _dense_init(ks[i], HID, 1); i += 1
        params['W1_%s' % name] = W
        params['b1_%s' % name] = b
    inp['params'] = params
    return inp


def reference(h, idx2, idx3, idx4, params):
    return _forward(h, idx2, idx3, idx4, params)

if __name__ == "__main__":
    import jax
    _d = setup_inputs()
    print(jax.jit(kernel)(*tuple(_d.values())))

</pallas_src>

<mosaic_0001>
#map = affine_map<(d0, d1) -> (0)>
#map1 = affine_map<(d0, d1) -> (0, 0)>
module attributes {stable_mosaic.version = 14 : i64} {
  func.func @sc_gather_l3(%arg0: i32, %arg1: i32, %arg2: memref<193536xi32, #tpu.memory_space<hbm>>, %arg3: memref<100000x128xf32, #tpu.memory_space<hbm>>, %arg4: memref<100000x128xf32, #tpu.memory_space<hbm>>, %arg5: memref<61440x128xf32, #tpu.memory_space<hbm>>, %arg6: memref<61440x128xf32, #tpu.memory_space<hbm>>, %arg7: memref<61440x128xf32, #tpu.memory_space<hbm>>, %arg8: memref<2592xi32, #tpu.memory_space<vmem>>, %arg9: memref<2592xi32, #tpu.memory_space<vmem>>, %arg10: memref<2592xi32, #tpu.memory_space<vmem>>, %arg11: memref<2x96x128xf32, #tpu.memory_space<vmem>>, %arg12: memref<2x96x128xf32, #tpu.memory_space<vmem>>, %arg13: memref<2x96x128xf32, #tpu.memory_space<vmem>>, %arg14: memref<!tpu.dma_semaphore, #tpu.memory_space<semaphore_mem>>, %arg15: memref<!tpu.dma_semaphore, #tpu.memory_space<semaphore_mem>>, %arg16: memref<!tpu.dma_semaphore, #tpu.memory_space<semaphore_mem>>, %arg17: memref<!tpu.dma_semaphore, #tpu.memory_space<semaphore_mem>>, %arg18: memref<!tpu.dma_semaphore, #tpu.memory_space<semaphore_mem>>, %arg19: memref<!tpu.dma_semaphore, #tpu.memory_space<semaphore_mem>>) attributes {dimension_semantics = [#tpu.dimension_semantics<core_parallel>, #tpu.dimension_semantics<subcore_parallel>], iteration_bounds = array<i64: 2, 16>, scalar_prefetch = 0 : i64, scratch_operands = 12 : i64, tpu.core_type = #tpu.core_type<sc_vector_subcore>, window_params = [{transform_indices = #map}, {transform_indices = #map1}, {transform_indices = #map1}, {transform_indices = #map1}, {transform_indices = #map1}, {transform_indices = #map1}]} {
    %eq3A = arith.constant 0 : i32
    %eq3A_0 = arith.cmpi eq, %arg0, %eq3A : i32
    %jit3A = arith.constant 27 : i32
    %jit3A_1 = arith.constant 13 : i32
    %select_n3A = arith.select %eq3A_0, %jit3A, %jit3A_1 : i32
    %eq3A_2 = arith.constant 0 : i32
    %eq3A_3 = arith.cmpi eq, %arg0, %eq3A_2 : i32
    %mul3A = arith.constant 27 : i32
    %mul3A_4 = arith.muli %arg1, %mul3A : i32
    %mul3A_5 = arith.constant 13 : i32
    %mul3A_6 = arith.muli %arg1, %mul3A_5 : i32
    %add3A = arith.constant 432 : i32
    %add3A_7 = arith.addi %add3A, %mul3A_6 : i32
    %select_n3A_8 = arith.select %eq3A_3, %mul3A_4, %add3A_7 : i32
    %add3A_9 = arith.constant 0 : i32
    %add3A_10 = arith.addi %add3A_9, %select_n3A_8 : i32
    %mul3A_11 = arith.constant 96 : i32
    %mul3A_12 = arith.muli %add3A_10, %mul3A_11 : i32
    %multiple_of3A = tpu.assume_multiple %mul3A_12, 96 : i32
    "tpu.region"() ({
      %run_scoped3A = tpu.sem_alloc : memref<!tpu.dma_semaphore, #tpu.memory_space<semaphore_mem>>
      %dma_start3A_116 = tpu.memref_slice %arg2[%multiple_of3A] : memref<193536xi32, #tpu.memory_space<hbm>> -> memref<2592xi32, #tpu.memory_space<hbm>>
      %dma_start3A_117 = tpu.memref_slice %arg2[%multiple_of3A] : memref<193536xi32, #tpu.memory_space<hbm>> -> memref<2592xi32, #tpu.memory_space<hbm>>
      tpu.enqueue_dma source(%dma_start3A_117 : memref<2592xi32, #tpu.memory_space<hbm>>) target(%arg8 : memref<2592xi32, #tpu.memory_space<vmem>>) target_semaphore(%run_scoped3A : memref<!tpu.dma_semaphore, #tpu.memory_space<semaphore_mem>>)
      %dma_wait3A_118 = tpu.memref_slice %arg2[%multiple_of3A] : memref<193536xi32, #tpu.memory_space<hbm>> -> memref<2592xi32, #tpu.memory_space<hbm>>
      %dma_wait3A_119 = tpu.memref_slice %arg2[%multiple_of3A] : memref<193536xi32, #tpu.memory_space<hbm>> -> memref<2592xi32, #tpu.memory_space<hbm>>
      tpu.wait_dma2 semaphore(%run_scoped3A : memref<!tpu.dma_semaphore, #tpu.memory_space<semaphore_mem>>) src(%dma_wait3A_119 : memref<2592xi32, #tpu.memory_space<hbm>>) dst(%arg8 : memref<2592xi32, #tpu.memory_space<vmem>>)
      tpu.yield
    }) : () -> ()
    %add3A_13 = arith.constant 672 : i32
    %add3A_14 = arith.addi %add3A_13, %select_n3A_8 : i32
    %mul3A_15 = arith.constant 96 : i32
    %mul3A_16 = arith.muli %add3A_14, %mul3A_15 : i32
    %multiple_of3A_17 = tpu.assume_multiple %mul3A_16, 96 : i32
    "tpu.region"() ({
      %run_scoped3A = tpu.sem_alloc : memref<!tpu.dma_semaphore, #tpu.memory_space<semaphore_mem>>
      %dma_start3A_116 = tpu.memref_slice %arg2[%multiple_of3A_17] : memref<193536xi32, #tpu.memory_space<hbm>> -> memref<2592xi32, #tpu.memory_space<hbm>>
      %dma_start3A_117 = tpu.memref_slice %arg2[%multiple_of3A_17] : memref<193536xi32, #tpu.memory_space<hbm>> -> memref<2592xi32, #tpu.memory_space<hbm>>
      tpu.enqueue_dma source(%dma_start3A_117 : memref<2592xi32, #tpu.memory_space<hbm>>) target(%arg9 : memref<2592xi32, #tpu.memory_space<vmem>>) target_semaphore(%run_scoped3A : memref<!tpu.dma_semaphore, #tpu.memory_space<semaphore_mem>>)
      %dma_wait3A_118 = tpu.memref_slice %arg2[%multiple_of3A_17] : memref<193536xi32, #tpu.memory_space<hbm>> -> memref<2592xi32, #tpu.memory_space<hbm>>
      %dma_wait3A_119 = tpu.memref_slice %arg2[%multiple_of3A_17] : memref<193536xi32, #tpu.memory_space<hbm>> -> memref<2592xi32, #tpu.memory_space<hbm>>
      tpu.wait_dma2 semaphore(%run_scoped3A : memref<!tpu.dma_semaphore, #tpu.memory_space<semaphore_mem>>) src(%dma_wait3A_119 : memref<2592xi32, #tpu.memory_space<hbm>>) dst(%arg9 : memref<2592xi32, #tpu.memory_space<vmem>>)
      tpu.yield
    }) : () -> ()
    %add3A_18 = arith.constant 1344 : i32
    %add3A_19 = arith.addi %add3A_18, %select_n3A_8 : i32
    %mul3A_20 = arith.constant 96 : i32
    %mul3A_21 = arith.muli %add3A_19, %mul3A_20 : i32
    %multiple_of3A_22 = tpu.assume_multiple %mul3A_21, 96 : i32
    "tpu.region"() ({
      %run_scoped3A = tpu.sem_alloc : memref<!tpu.dma_semaphore, #tpu.memory_space<semaphore_mem>>
      %dma_start3A_116 = tpu.memref_slice %arg2[%multiple_of3A_22] : memref<193536xi32, #tpu.memory_space<hbm>> -> memref<2592xi32, #tpu.memory_space<hbm>>
      %dma_start3A_117 = tpu.memref_slice %arg2[%multiple_of3A_22] : memref<193536xi32, #tpu.memory_space<hbm>> -> memref<2592xi32, #tpu.memory_space<hbm>>
      tpu.enqueue_dma source(%dma_start3A_117 : memref<2592xi32, #tpu.memory_space<hbm>>) target(%arg10 : memref<2592xi32, #tpu.memory_space<vmem>>) target_semaphore(%run_scoped3A : memref<!tpu.dma_semaphore, #tpu.memory_space<semaphore_mem>>)
      %dma_wait3A_118 = tpu.memref_slice %arg2[%multiple_of3A_22] : memref<193536xi32, #tpu.memory_space<hbm>> -> memref<2592xi32, #tpu.memory_space<hbm>>
      %dma_wait3A_119 = tpu.memref_slice %arg2[%multiple_of3A_22] : memref<193536xi32, #tpu.memory_space<hbm>> -> memref<2592xi32, #tpu.memory_space<hbm>>
      tpu.wait_dma2 semaphore(%run_scoped3A : memref<!tpu.dma_semaphore, #tpu.memory_space<semaphore_mem>>) src(%dma_wait3A_119 : memref<2592xi32, #tpu.memory_space<hbm>>) dst(%arg10 : memref<2592xi32, #tpu.memory_space<vmem>>)
      tpu.yield
    }) : () -> ()
    %multiple_of3A_23 = arith.constant 0 : i32
    %multiple_of3A_24 = tpu.assume_multiple %multiple_of3A_23, 96 : i32
    %dma_start3A = arith.constant 0 : i32
    %dma_start3A_25 = arith.constant 0 : i32
    %dma_start3A_26 = arith.constant 0 : i32
    %dma_start3A_27 = tpu.memref_slice %arg11[%dma_start3A, %dma_start3A_25, %dma_start3A_26] : memref<2x96x128xf32, #tpu.memory_space<vmem>> -> memref<1x96x128xf32, #tpu.memory_space<vmem>>
    %dma_start3A_28 = tpu.memref_squeeze %dma_start3A_27 : memref<1x96x128xf32, #tpu.memory_space<vmem>> -> memref<96x128xf32, #tpu.memory_space<vmem>>
    %dma_start3A_29 = tpu.memref_slice %arg8[%multiple_of3A_24] : memref<2592xi32, #tpu.memory_space<vmem>> -> memref<96xi32, #tpu.memory_space<vmem>>
    %dma_start3A_30 = arith.constant 0 : i32
    %dma_start3A_31 = arith.constant 0 : i32
    %dma_start3A_32 = tpu.memref_slice %arg3[%dma_start3A_30, %dma_start3A_31] : memref<100000x128xf32, #tpu.memory_space<hbm>> -> memref<100000x128xf32, #tpu.memory_space<hbm>>
    tpu.enqueue_indirect_dma source(%dma_start3A_32 : memref<100000x128xf32, #tpu.memory_space<hbm>>) target(%dma_start3A_28 : memref<96x128xf32, #tpu.memory_space<vmem>>) offsets(%dma_start3A_29 : memref<96xi32, #tpu.memory_space<vmem>>) semaphore(%arg14 : memref<!tpu.dma_semaphore, #tpu.memory_space<semaphore_mem>>)
    %multiple_of3A_33 = arith.constant 0 : i32
    %multiple_of3A_34 = tpu.assume_multiple %multiple_of3A_33, 96 : i32
    %dma_start3A_35 = arith.constant 0 : i32
    %dma_start3A_36 = arith.constant 0 : i32
    %dma_start3A_37 = arith.constant 0 : i32
    %dma_start3A_38 = tpu.memref_slice %arg12[%dma_start3A_35, %dma_start3A_36, %dma_start3A_37] : memref<2x96x128xf32, #tpu.memory_space<vmem>> -> memref<1x96x128xf32, #tpu.memory_space<vmem>>
    %dma_start3A_39 = tpu.memref_squeeze %dma_start3A_38 : memref<1x96x128xf32, #tpu.memory_space<vmem>> -> memref<96x128xf32, #tpu.memory_space<vmem>>
    %dma_start3A_40 = tpu.memref_slice %arg9[%multiple_of3A_34] : memref<2592xi32, #tpu.memory_space<vmem>> -> memref<96xi32, #tpu.memory_space<vmem>>
    %dma_start3A_41 = arith.constant 0 : i32
    %dma_start3A_42 = arith.constant 0 : i32
    %dma_start3A_43 = tpu.memref_slice %arg4[%dma_start3A_41, %dma_start3A_42] : memref<100000x128xf32, #tpu.memory_space<hbm>> -> memref<100000x128xf32, #tpu.memory_space<hbm>>
    tpu.enqueue_indirect_dma source(%dma_start3A_43 : memref<100000x128xf32, #tpu.memory_space<hbm>>) target(%dma_start3A_39 : memref<96x128xf32, #tpu.memory_space<vmem>>) offsets(%dma_start3A_40 : memref<96xi32, #tpu.memory_space<vmem>>) semaphore(%arg15 : memref<!tpu.dma_semaphore, #tpu.memory_space<semaphore_mem>>)
    %multiple_of3A_44 = arith.constant 0 : i32
    %multiple_of3A_45 = tpu.assume_multiple %multiple_of3A_44, 96 : i32
    %dma_start3A_46 = arith.constant 0 : i32
    %dma_start3A_47 = arith.constant 0 : i32
    %dma_start3A_48 = arith.constant 0 : i32
    %dma_start3A_49 = tpu.memref_slice %arg13[%dma_start3A_46, %dma_start3A_47, %dma_start3A_48] : memref<2x96x128xf32, #tpu.memory_space<vmem>> -> memref<1x96x128xf32, #tpu.memory_space<vmem>>
    %dma_start3A_50 = tpu.memref_squeeze %dma_start3A_49 : memref<1x96x128xf32, #tpu.memory_space<vmem>> -> memref<96x128xf32, #tpu.memory_space<vmem>>
    %dma_start3A_51 = tpu.memref_slice %arg10[%multiple_of3A_45] : memref<2592xi32, #tpu.memory_space<vmem>> -> memref<96xi32, #tpu.memory_space<vmem>>
    %dma_start3A_52 = arith.constant 0 : i32
    %dma_start3A_53 = arith.constant 0 : i32
    %dma_start3A_54 = tpu.memref_slice %arg3[%dma_start3A_52, %dma_start3A_53] : memref<100000x128xf32, #tpu.memory_space<hbm>> -> memref<100000x128xf32, #tpu.memory_space<hbm>>
    tpu.enqueue_indirect_dma source(%dma_start3A_54 : memref<100000x128xf32, #tpu.memory_space<hbm>>) target(%dma_start3A_50 : memref<96x128xf32, #tpu.memory_space<vmem>>) offsets(%dma_start3A_51 : memref<96xi32, #tpu.memory_space<vmem>>) semaphore(%arg16 : memref<!tpu.dma_semaphore, #tpu.memory_space<semaphore_mem>>)
    %while3A = arith.constant 0 : i32
    %while3A_55 = arith.subi %select_n3A, %while3A : i32
    %while3A_56 = arith.addi %while3A, %while3A_55 : i32
    %while3A_57 = arith.constant 1 : i32
    %while3A_58 = arith.divsi %while3A_55, %while3A_57 : i32
    %while3A_59 = arith.muli %while3A_58, %while3A_57 : i32
    %while3A_60 = arith.addi %while3A, %while3A_59 : i32
    %while3A_61 = arith.constant 1 : i32
    scf.for %while3A_116 = %while3A to %while3A_60 step %while3A_61  : i32 {
      %rem3A_117 = arith.constant 2 : i32
      %rem3A_118 = arith.remsi %while3A_116, %rem3A_117 : i32
      %mul3A_119 = arith.constant 96 : i32
      %mul3A_120 = arith.muli %while3A_116, %mul3A_119 : i32
      %multiple_of3A_121 = tpu.assume_multiple %mul3A_120, 96 : i32
      %dma_wait3A_122 = arith.constant 0 : i32
      %dma_wait3A_123 = arith.constant 0 : i32
      %dma_wait3A_124 = tpu.memref_slice %arg11[%rem3A_118, %dma_wait3A_122, %dma_wait3A_123] : memref<2x96x128xf32, #tpu.memory_space<vmem>> -> memref<1x96x128xf32, #tpu.memory_space<vmem>>
      %dma_wait3A_125 = tpu.memref_squeeze %dma_wait3A_124 : memref<1x96x128xf32, #tpu.memory_space<vmem>> -> memref<96x128xf32, #tpu.memory_space<vmem>>
      %dma_wait3A_126 = tpu.memref_slice %arg8[%multiple_of3A_121] : memref<2592xi32, #tpu.memory_space<vmem>> -> memref<96xi32, #tpu.memory_space<vmem>>
      %dma_wait3A_127 = arith.constant 0 : i32
      %dma_wait3A_128 = arith.constant 0 : i32
      %dma_wait3A_129 = tpu.memref_slice %arg3[%dma_wait3A_127, %dma_wait3A_128] : memref<100000x128xf32, #tpu.memory_space<hbm>> -> memref<100000x128xf32, #tpu.memory_space<hbm>>
      tpu.wait_indirect_dma semaphore(%arg14 : memref<!tpu.dma_semaphore, #tpu.memory_space<semaphore_mem>>) src(%dma_wait3A_129 : memref<100000x128xf32, #tpu.memory_space<hbm>>) dst(%dma_wait3A_125 : memref<96x128xf32, #tpu.memory_space<vmem>>)
      %mul3A_130 = arith.constant 96 : i32
      %mul3A_131 = arith.muli %while3A_116, %mul3A_130 : i32
      %multiple_of3A_132 = tpu.assume_multiple %mul3A_131, 96 : i32
      %dma_wait3A_133 = arith.constant 0 : i32
      %dma_wait3A_134 = arith.constant 0 : i32
      %dma_wait3A_135 = tpu.memref_slice %arg12[%rem3A_118, %dma_wait3A_133, %dma_wait3A_134] : memref<2x96x128xf32, #tpu.memory_space<vmem>> -> memref<1x96x128xf32, #tpu.memory_space<vmem>>
      %dma_wait3A_136 = tpu.memref_squeeze %dma_wait3A_135 : memref<1x96x128xf32, #tpu.memory_space<vmem>> -> memref<96x128xf32, #tpu.memory_space<vmem>>
      %dma_wait3A_137 = tpu.memref_slice %arg9[%multiple_of3A_132] : memref<2592xi32, #tpu.memory_space<vmem>> -> memref<96xi32, #tpu.memory_space<vmem>>
      %dma_wait3A_138 = arith.constant 0 : i32
      %dma_wait3A_139 = arith.constant 0 : i32
      %dma_wait3A_140 = tpu.memref_slice %arg4[%dma_wait3A_138, %dma_wait3A_139] : memref<100000x128xf32, #tpu.memory_space<hbm>> -> memref<100000x128xf32, #tpu.memory_space<hbm>>
      tpu.wait_indirect_dma semaphore(%arg15 : memref<!tpu.dma_semaphore, #tpu.memory_space<semaphore_mem>>) src(%dma_wait3A_140 : memref<100000x128xf32, #tpu.memory_space<hbm>>) dst(%dma_wait3A_136 : memref<96x128xf32, #tpu.memory_space<vmem>>)
      %mul3A_141 = arith.constant 96 : i32
      %mul3A_142 = arith.muli %while3A_116, %mul3A_141 : i32
      %multiple_of3A_143 = tpu.assume_multiple %mul3A_142, 96 : i32
      %dma_wait3A_144 = arith.constant 0 : i32
      %dma_wait3A_145 = arith.constant 0 : i32
      %dma_wait3A_146 = tpu.memref_slice %arg13[%rem3A_118, %dma_wait3A_144, %dma_wait3A_145] : memref<2x96x128xf32, #tpu.memory_space<vmem>> -> memref<1x96x128xf32, #tpu.memory_space<vmem>>
      %dma_wait3A_147 = tpu.memref_squeeze %dma_wait3A_146 : memref<1x96x128xf32, #tpu.memory_space<vmem>> -> memref<96x128xf32, #tpu.memory_space<vmem>>
      %dma_wait3A_148 = tpu.memref_slice %arg10[%multiple_of3A_143] : memref<2592xi32, #tpu.memory_space<vmem>> -> memref<96xi32, #tpu.memory_space<vmem>>
      %dma_wait3A_149 = arith.constant 0 : i32
      %dma_wait3A_150 = arith.constant 0 : i32
      %dma_wait3A_151 = tpu.memref_slice %arg3[%dma_wait3A_149, %dma_wait3A_150] : memref<100000x128xf32, #tpu.memory_space<hbm>> -> memref<100000x128xf32, #tpu.memory_space<hbm>>
      tpu.wait_indirect_dma semaphore(%arg16 : memref<!tpu.dma_semaphore, #tpu.memory_space<semaphore_mem>>) src(%dma_wait3A_151 : memref<100000x128xf32, #tpu.memory_space<hbm>>) dst(%dma_wait3A_147 : memref<96x128xf32, #tpu.memory_space<vmem>>)
      %gt3A = arith.constant 0 : i32
      %gt3A_152 = arith.cmpi sgt, %while3A_116, %gt3A : i32
      %convert_element_type3A = arith.extui %gt3A_152 : i1 to i32
      %cond3A = arith.constant 0 : i32
      %cond3A_153 = arith.cmpi ne, %convert_element_type3A, %cond3A : i32
      scf.if %cond3A_153 {
        %sub3A_207 = arith.constant 1 : i32
        %sub3A_208 = arith.subi %while3A_116, %sub3A_207 : i32
        %sub3A_209 = arith.constant 1 : i32
        %sub3A_210 = arith.subi %sub3A_209, %rem3A_118 : i32
        %add3A_211 = arith.addi %select_n3A_8, %sub3A_208 : i32
        %mul3A_212 = arith.constant 96 : i32
        %mul3A_213 = arith.muli %add3A_211, %mul3A_212 : i32
        %multiple_of3A_214 = tpu.assume_multiple %mul3A_213, 96 : i32
        %dma_wait3A_215 = arith.constant 0 : i32
        %dma_wait3A_216 = arith.constant 0 : i32
        %dma_wait3A_217 = tpu.memref_slice %arg11[%sub3A_210, %dma_wait3A_215, %dma_wait3A_216] : memref<2x96x128xf32, #tpu.memory_space<vmem>> -> memref<1x96x128xf32, #tpu.memory_space<vmem>>
        %dma_wait3A_218 = tpu.memref_squeeze %dma_wait3A_217 : memref<1x96x128xf32, #tpu.memory_space<vmem>> -> memref<96x128xf32, #tpu.memory_space<vmem>>
        %dma_wait3A_219 = arith.constant 0 : i32
        %dma_wait3A_220 = tpu.memref_slice %arg5[%multiple_of3A_214, %dma_wait3A_219] : memref<61440x128xf32, #tpu.memory_space<hbm>> -> memref<96x128xf32, #tpu.memory_space<hbm>>
        %dma_wait3A_221 = arith.constant 0 : i32
        %dma_wait3A_222 = tpu.memref_slice %arg5[%multiple_of3A_214, %dma_wait3A_221] : memref<61440x128xf32, #tpu.memory_space<hbm>> -> memref<96x128xf32, #tpu.memory_space<hbm>>
        %dma_wait3A_223 = arith.constant 0 : i32
        %dma_wait3A_224 = arith.constant 0 : i32
        %dma_wait3A_225 = tpu.memref_slice %arg11[%sub3A_210, %dma_wait3A_223, %dma_wait3A_224] : memref<2x96x128xf32, #tpu.memory_space<vmem>> -> memref<1x96x128xf32, #tpu.memory_space<vmem>>
        %dma_wait3A_226 = tpu.memref_squeeze %dma_wait3A_225 : memref<1x96x128xf32, #tpu.memory_space<vmem>> -> memref<96x128xf32, #tpu.memory_space<vmem>>
        tpu.wait_dma2 semaphore(%arg17 : memref<!tpu.dma_semaphore, #tpu.memory_space<semaphore_mem>>) src(%dma_wait3A_226 : memref<96x128xf32, #tpu.memory_space<vmem>>) dst(%dma_wait3A_222 : memref<96x128xf32, #tpu.memory_space<hbm>>)
        %sub3A_227 = arith.constant 1 : i32
        %sub3A_228 = arith.subi %while3A_116, %sub3A_227 : i32
        %sub3A_229 = arith.constant 1 : i32
        %sub3A_230 = arith.subi %sub3A_229, %rem3A_118 : i32
        %add3A_231 = arith.addi %select_n3A_8, %sub3A_228 : i32
        %mul3A_232 = arith.constant 96 : i32
        %mul3A_233 = arith.muli %add3A_231, %mul3A_232 : i32
        %multiple_of3A_234 = tpu.assume_multiple %mul3A_233, 96 : i32
        %dma_wait3A_235 = arith.constant 0 : i32
        %dma_wait3A_236 = arith.constant 0 : i32
        %dma_wait3A_237 = tpu.memref_slice %arg12[%sub3A_230, %dma_wait3A_235, %dma_wait3A_236] : memref<2x96x128xf32, #tpu.memory_space<vmem>> -> memref<1x96x128xf32, #tpu.memory_space<vmem>>
        %dma_wait3A_238 = tpu.memref_squeeze %dma_wait3A_237 : memref<1x96x128xf32, #tpu.memory_space<vmem>> -> memref<96x128xf32, #tpu.memory_space<vmem>>
        %dma_wait3A_239 = arith.constant 0 : i32
        %dma_wait3A_240 = tpu.memref_slice %arg6[%multiple_of3A_234, %dma_wait3A_239] : memref<61440x128xf32, #tpu.memory_space<hbm>> -> memref<96x128xf32, #tpu.memory_space<hbm>>
        %dma_wait3A_241 = arith.constant 0 : i32
        %dma_wait3A_242 = tpu.memref_slice %arg6[%multiple_of3A_234, %dma_wait3A_241] : memref<61440x128xf32, #tpu.memory_space<hbm>> -> memref<96x128xf32, #tpu.memory_space<hbm>>
        %dma_wait3A_243 = arith.constant 0 : i32
        %dma_wait3A_244 = arith.constant 0 : i32
        %dma_wait3A_245 = tpu.memref_slice %arg12[%sub3A_230, %dma_wait3A_243, %dma_wait3A_244] : memref<2x96x128xf32, #tpu.memory_space<vmem>> -> memref<1x96x128xf32, #tpu.memory_space<vmem>>
        %dma_wait3A_246 = tpu.memref_squeeze %dma_wait3A_245 : memref<1x96x128xf32, #tpu.memory_space<vmem>> -> memref<96x128xf32, #tpu.memory_space<vmem>>
        tpu.wait_dma2 semaphore(%arg18 : memref<!tpu.dma_semaphore, #tpu.memory_space<semaphore_mem>>) src(%dma_wait3A_246 : memref<96x128xf32, #tpu.memory_space<vmem>>) dst(%dma_wait3A_242 : memref<96x128xf32, #tpu.memory_space<hbm>>)
        %sub3A_247 = arith.constant 1 : i32
        %sub3A_248 = arith.subi %while3A_116, %sub3A_247 : i32
        %sub3A_249 = arith.constant 1 : i32
        %sub3A_250 = arith.subi %sub3A_249, %rem3A_118 : i32
        %add3A_251 = arith.addi %select_n3A_8, %sub3A_248 : i32
        %mul3A_252 = arith.constant 96 : i32
        %mul3A_253 = arith.muli %add3A_251, %mul3A_252 : i32
        %multiple_of3A_254 = tpu.assume_multiple %mul3A_253, 96 : i32
        %dma_wait3A_255 = arith.constant 0 : i32
        %dma_wait3A_256 = arith.constant 0 : i32
        %dma_wait3A_257 = tpu.memref_slice %arg13[%sub3A_250, %dma_wait3A_255, %dma_wait3A_256] : memref<2x96x128xf32, #tpu.memory_space<vmem>> -> memref<1x96x128xf32, #tpu.memory_space<vmem>>
        %dma_wait3A_258 = tpu.memref_squeeze %dma_wait3A_257 : memref<1x96x128xf32, #tpu.memory_space<vmem>> -> memref<96x128xf32, #tpu.memory_space<vmem>>
        %dma_wait3A_259 = arith.constant 0 : i32
        %dma_wait3A_260 = tpu.memref_slice %arg7[%multiple_of3A_254, %dma_wait3A_259] : memref<61440x128xf32, #tpu.memory_space<hbm>> -> memref<96x128xf32, #tpu.memory_space<hbm>>
        %dma_wait3A_261 = arith.constant 0 : i32
        %dma_wait3A_262 = tpu.memref_slice %arg7[%multiple_of3A_254, %dma_wait3A_261] : memref<61440x128xf32, #tpu.memory_space<hbm>> -> memref<96x128xf32, #tpu.memory_space<hbm>>
        %dma_wait3A_263 = arith.constant 0 : i32
        %dma_wait3A_264 = arith.constant 0 : i32
        %dma_wait3A_265 = tpu.memref_slice %arg13[%sub3A_250, %dma_wait3A_263, %dma_wait3A_264] : memref<2x96x128xf32, #tpu.memory_space<vmem>> -> memref<1x96x128xf32, #tpu.memory_space<vmem>>
        %dma_wait3A_266 = tpu.memref_squeeze %dma_wait3A_265 : memref<1x96x128xf32, #tpu.memory_space<vmem>> -> memref<96x128xf32, #tpu.memory_space<vmem>>
        tpu.wait_dma2 semaphore(%arg19 : memref<!tpu.dma_semaphore, #tpu.memory_space<semaphore_mem>>) src(%dma_wait3A_266 : memref<96x128xf32, #tpu.memory_space<vmem>>) dst(%dma_wait3A_262 : memref<96x128xf32, #tpu.memory_space<hbm>>)
      } else {
      }
      %add3A_154 = arith.constant 1 : i32
      %add3A_155 = arith.addi %while3A_116, %add3A_154 : i32
      %lt3A = arith.cmpi slt, %add3A_155, %select_n3A : i32
      %convert_element_type3A_156 = arith.extui %lt3A : i1 to i32
      %cond3A_157 = arith.constant 0 : i32
      %cond3A_158 = arith.cmpi ne, %convert_element_type3A_156, %cond3A_157 : i32
      scf.if %cond3A_158 {
        %add3A_207 = arith.constant 1 : i32
        %add3A_208 = arith.addi %while3A_116, %add3A_207 : i32
        %sub3A_209 = arith.constant 1 : i32
        %sub3A_210 = arith.subi %sub3A_209, %rem3A_118 : i32
        %mul3A_211 = arith.constant 96 : i32
        %mul3A_212 = arith.muli %add3A_208, %mul3A_211 : i32
        %multiple_of3A_213 = tpu.assume_multiple %mul3A_212, 96 : i32
        %dma_start3A_214 = arith.constant 0 : i32
        %dma_start3A_215 = arith.constant 0 : i32
        %dma_start3A_216 = tpu.memref_slice %arg11[%sub3A_210, %dma_start3A_214, %dma_start3A_215] : memref<2x96x128xf32, #tpu.memory_space<vmem>> -> memref<1x96x128xf32, #tpu.memory_space<vmem>>
        %dma_start3A_217 = tpu.memref_squeeze %dma_start3A_216 : memref<1x96x128xf32, #tpu.memory_space<vmem>> -> memref<96x128xf32, #tpu.memory_space<vmem>>
        %dma_start3A_218 = tpu.memref_slice %arg8[%multiple_of3A_213] : memref<2592xi32, #tpu.memory_space<vmem>> -> memref<96xi32, #tpu.memory_space<vmem>>
        %dma_start3A_219 = arith.constant 0 : i32
        %dma_start3A_220 = arith.constant 0 : i32
        %dma_start3A_221 = tpu.memref_slice %arg3[%dma_start3A_219, %dma_start3A_220] : memref<100000x128xf32, #tpu.memory_space<hbm>> -> memref<100000x128xf32, #tpu.memory_space<hbm>>
        tpu.enqueue_indirect_dma source(%dma_start3A_221 : memref<100000x128xf32, #tpu.memory_space<hbm>>) target(%dma_start3A_217 : memref<96x128xf32, #tpu.memory_space<vmem>>) offsets(%dma_start3A_218 : memref<96xi32, #tpu.memory_space<vmem>>) semaphore(%arg14 : memref<!tpu.dma_semaphore, #tpu.memory_space<semaphore_mem>>)
        %add3A_222 = arith.constant 1 : i32
        %add3A_223 = arith.addi %while3A_116, %add3A_222 : i32
        %sub3A_224 = arith.constant 1 : i32
        %sub3A_225 = arith.subi %sub3A_224, %rem3A_118 : i32
        %mul3A_226 = arith.constant 96 : i32
        %mul3A_227 = arith.muli %add3A_223, %mul3A_226 : i32
        %multiple_of3A_228 = tpu.assume_multiple %mul3A_227, 96 : i32
        %dma_start3A_229 = arith.constant 0 : i32
        %dma_start3A_230 = arith.constant 0 : i32
        %dma_start3A_231 = tpu.memref_slice %arg12[%sub3A_225, %dma_start3A_229, %dma_start3A_230] : memref<2x96x128xf32, #tpu.memory_space<vmem>> -> memref<1x96x128xf32, #tpu.memory_space<vmem>>
        %dma_start3A_232 = tpu.memref_squeeze %dma_start3A_231 : memref<1x96x128xf32, #tpu.memory_space<vmem>> -> memref<96x128xf32, #tpu.memory_space<vmem>>
        %dma_start3A_233 = tpu.memref_slice %arg9[%multiple_of3A_228] : memref<2592xi32, #tpu.memory_space<vmem>> -> memref<96xi32, #tpu.memory_space<vmem>>
        %dma_start3A_234 = arith.constant 0 : i32
        %dma_start3A_235 = arith.constant 0 : i32
        %dma_start3A_236 = tpu.memref_slice %arg4[%dma_start3A_234, %dma_start3A_235] : memref<100000x128xf32, #tpu.memory_space<hbm>> -> memref<100000x128xf32, #tpu.memory_space<hbm>>
        tpu.enqueue_indirect_dma source(%dma_start3A_236 : memref<100000x128xf32, #tpu.memory_space<hbm>>) target(%dma_start3A_232 : memref<96x128xf32, #tpu.memory_space<vmem>>) offsets(%dma_start3A_233 : memref<96xi32, #tpu.memory_space<vmem>>) semaphore(%arg15 : memref<!tpu.dma_semaphore, #tpu.memory_space<semaphore_mem>>)
        %add3A_237 = arith.constant 1 : i32
        %add3A_238 = arith.addi %while3A_116, %add3A_237 : i32
        %sub3A_239 = arith.constant 1 : i32
        %sub3A_240 = arith.subi %sub3A_239, %rem3A_118 : i32
        %mul3A_241 = arith.constant 96 : i32
        %mul3A_242 = arith.muli %add3A_238, %mul3A_241 : i32
        %multiple_of3A_243 = tpu.assume_multiple %mul3A_242, 96 : i32
        %dma_start3A_244 = arith.constant 0 : i32
        %dma_start3A_245 = arith.constant 0 : i32
        %dma_start3A_246 = tpu.memref_slice %arg13[%sub3A_240, %dma_start3A_244, %dma_start3A_245] : memref<2x96x128xf32, #tpu.memory_space<vmem>> -> memref<1x96x128xf32, #tpu.memory_space<vmem>>
        %dma_start3A_247 = tpu.memref_squeeze %dma_start3A_246 : memref<1x96x128xf32, #tpu.memory_space<vmem>> -> memref<96x128xf32, #tpu.memory_space<vmem>>
        %dma_start3A_248 = tpu.memref_slice %arg10[%multiple_of3A_243] : memref<2592xi32, #tpu.memory_space<vmem>> -> memref<96xi32, #tpu.memory_space<vmem>>
        %dma_start3A_249 = arith.constant 0 : i32
        %dma_start3A_250 = arith.constant 0 : i32
        %dma_start3A_251 = tpu.memref_slice %arg3[%dma_start3A_249, %dma_start3A_250] : memref<100000x128xf32, #tpu.memory_space<hbm>> -> memref<100000x128xf32, #tpu.memory_space<hbm>>
        tpu.enqueue_indirect_dma source(%dma_start3A_251 : memref<100000x128xf32, #tpu.memory_space<hbm>>) target(%dma_start3A_247 : memref<96x128xf32, #tpu.memory_space<vmem>>) offsets(%dma_start3A_248 : memref<96xi32, #tpu.memory_space<vmem>>) semaphore(%arg16 : memref<!tpu.dma_semaphore, #tpu.memory_space<semaphore_mem>>)
      } else {
      }
      %add3A_159 = arith.addi %select_n3A_8, %while3A_116 : i32
      %mul3A_160 = arith.constant 96 : i32
      %mul3A_161 = arith.muli %add3A_159, %mul3A_160 : i32
      %multiple_of3A_162 = tpu.assume_multiple %mul3A_161, 96 : i32
      %dma_start3A_163 = arith.constant 0 : i32
      %dma_start3A_164 = arith.constant 0 : i32
      %dma_start3A_165 = tpu.memref_slice %arg11[%rem3A_118, %dma_start3A_163, %dma_start3A_164] : memref<2x96x128xf32, #tpu.memory_space<vmem>> -> memref<1x96x128xf32, #tpu.memory_space<vmem>>
      %dma_start3A_166 = tpu.memref_squeeze %dma_start3A_165 : memref<1x96x128xf32, #tpu.memory_space<vmem>> -> memref<96x128xf32, #tpu.memory_space<vmem>>
      %dma_start3A_167 = arith.constant 0 : i32
      %dma_start3A_168 = tpu.memref_slice %arg5[%multiple_of3A_162, %dma_start3A_167] : memref<61440x128xf32, #tpu.memory_space<hbm>> -> memref<96x128xf32, #tpu.memory_space<hbm>>
      %dma_start3A_169 = arith.constant 0 : i32
      %dma_start3A_170 = tpu.memref_slice %arg5[%multiple_of3A_162, %dma_start3A_169] : memref<61440x128xf32, #tpu.memory_space<hbm>> -> memref<96x128xf32, #tpu.memory_space<hbm>>
      %dma_start3A_171 = arith.constant 0 : i32
      %dma_start3A_172 = arith.constant 0 : i32
      %dma_start3A_173 = tpu.memref_slice %arg11[%rem3A_118, %dma_start3A_171, %dma_start3A_172] : memref<2x96x128xf32, #tpu.memory_space<vmem>> -> memref<1x96x128xf32, #tpu.memory_space<vmem>>
      %dma_start3A_174 = tpu.memref_squeeze %dma_start3A_173 : memref<1x96x128xf32, #tpu.memory_space<vmem>> -> memref<96x128xf32, #tpu.memory_space<vmem>>
      tpu.enqueue_dma source(%dma_start3A_174 : memref<96x128xf32, #tpu.memory_space<vmem>>) target(%dma_start3A_170 : memref<96x128xf32, #tpu.memory_space<hbm>>) target_semaphore(%arg17 : memref<!tpu.dma_semaphore, #tpu.memory_space<semaphore_mem>>)
      %add3A_175 = arith.addi %select_n3A_8, %while3A_116 : i32
      %mul3A_176 = arith.constant 96 : i32
      %mul3A_177 = arith.muli %add3A_175, %mul3A_176 : i32
      %multiple_of3A_178 = tpu.assume_multiple %mul3A_177, 96 : i32
      %dma_start3A_179 = arith.constant 0 : i32
      %dma_start3A_180 = arith.constant 0 : i32
      %dma_start3A_181 = tpu.memref_slice %arg12[%rem3A_118, %dma_start3A_179, %dma_start3A_180] : memref<2x96x128xf32, #tpu.memory_space<vmem>> -> memref<1x96x128xf32, #tpu.memory_space<vmem>>
      %dma_start3A_182 = tpu.memref_squeeze %dma_start3A_181 : memref<1x96x128xf32, #tpu.memory_space<vmem>> -> memref<96x128xf32, #tpu.memory_space<vmem>>
      %dma_start3A_183 = arith.constant 0 : i32
      %dma_start3A_184 = tpu.memref_slice %arg6[%multiple_of3A_178, %dma_start3A_183] : memref<61440x128xf32, #tpu.memory_space<hbm>> -> memref<96x128xf32, #tpu.memory_space<hbm>>
      %dma_start3A_185 = arith.constant 0 : i32
      %dma_start3A_186 = tpu.memref_slice %arg6[%multiple_of3A_178, %dma_start3A_185] : memref<61440x128xf32, #tpu.memory_space<hbm>> -> memref<96x128xf32, #tpu.memory_space<hbm>>
      %dma_start3A_187 = arith.constant 0 : i32
      %dma_start3A_188 = arith.constant 0 : i32
      %dma_start3A_189 = tpu.memref_slice %arg12[%rem3A_118, %dma_start3A_187, %dma_start3A_188] : memref<2x96x128xf32, #tpu.memory_space<vmem>> -> memref<1x96x128xf32, #tpu.memory_space<vmem>>
      %dma_start3A_190 = tpu.memref_squeeze %dma_start3A_189 : memref<1x96x128xf32, #tpu.memory_space<vmem>> -> memref<96x128xf32, #tpu.memory_space<vmem>>
      tpu.enqueue_dma source(%dma_start3A_190 : memref<96x128xf32, #tpu.memory_space<vmem>>) target(%dma_start3A_186 : memref<96x128xf32, #tpu.memory_space<hbm>>) target_semaphore(%arg18 : memref<!tpu.dma_semaphore, #tpu.memory_space<semaphore_mem>>)
      %add3A_191 = arith.addi %select_n3A_8, %while3A_116 : i32
      %mul3A_192 = arith.constant 96 : i32
      %mul3A_193 = arith.muli %add3A_191, %mul3A_192 : i32
      %multiple_of3A_194 = tpu.assume_multiple %mul3A_193, 96 : i32
      %dma_start3A_195 = arith.constant 0 : i32
      %dma_start3A_196 = arith.constant 0 : i32
      %dma_start3A_197 = tpu.memref_slice %arg13[%rem3A_118, %dma_start3A_195, %dma_start3A_196] : memref<2x96x128xf32, #tpu.memory_space<vmem>> -> memref<1x96x128xf32, #tpu.memory_space<vmem>>
      %dma_start3A_198 = tpu.memref_squeeze %dma_start3A_197 : memref<1x96x128xf32, #tpu.memory_space<vmem>> -> memref<96x128xf32, #tpu.memory_space<vmem>>
      %dma_start3A_199 = arith.constant 0 : i32
      %dma_start3A_200 = tpu.memref_slice %arg7[%multiple_of3A_194, %dma_start3A_199] : memref<61440x128xf32, #tpu.memory_space<hbm>> -> memref<96x128xf32, #tpu.memory_space<hbm>>
      %dma_start3A_201 = arith.constant 0 : i32
      %dma_start3A_202 = tpu.memref_slice %arg7[%multiple_of3A_194, %dma_start3A_201] : memref<61440x128xf32, #tpu.memory_space<hbm>> -> memref<96x128xf32, #tpu.memory_space<hbm>>
      %dma_start3A_203 = arith.constant 0 : i32
      %dma_start3A_204 = arith.constant 0 : i32
      %dma_start3A_205 = tpu.memref_slice %arg13[%rem3A_118, %dma_start3A_203, %dma_start3A_204] : memref<2x96x128xf32, #tpu.memory_space<vmem>> -> memref<1x96x128xf32, #tpu.memory_space<vmem>>
      %dma_start3A_206 = tpu.memref_squeeze %dma_start3A_205 : memref<1x96x128xf32, #tpu.memory_space<vmem>> -> memref<96x128xf32, #tpu.memory_space<vmem>>
      tpu.enqueue_dma source(%dma_start3A_206 : memref<96x128xf32, #tpu.memory_space<vmem>>) target(%dma_start3A_202 : memref<96x128xf32, #tpu.memory_space<hbm>>) target_semaphore(%arg19 : memref<!tpu.dma_semaphore, #tpu.memory_space<semaphore_mem>>)
    }
    %while3A_62 = arith.constant 1 : i32
    scf.for %while3A_116 = %while3A_60 to %while3A_56 step %while3A_62  : i32 {
      %rem3A_117 = arith.constant 2 : i32
      %rem3A_118 = arith.remsi %while3A_116, %rem3A_117 : i32
      %mul3A_119 = arith.constant 96 : i32
      %mul3A_120 = arith.muli %while3A_116, %mul3A_119 : i32
      %multiple_of3A_121 = tpu.assume_multiple %mul3A_120, 96 : i32
      %dma_wait3A_122 = arith.constant 0 : i32
      %dma_wait3A_123 = arith.constant 0 : i32
      %dma_wait3A_124 = tpu.memref_slice %arg11[%rem3A_118, %dma_wait3A_122, %dma_wait3A_123] : memref<2x96x128xf32, #tpu.memory_space<vmem>> -> memref<1x96x128xf32, #tpu.memory_space<vmem>>
      %dma_wait3A_125 = tpu.memref_squeeze %dma_wait3A_124 : memref<1x96x128xf32, #tpu.memory_space<vmem>> -> memref<96x128xf32, #tpu.memory_space<vmem>>
      %dma_wait3A_126 = tpu.memref_slice %arg8[%multiple_of3A_121] : memref<2592xi32, #tpu.memory_space<vmem>> -> memref<96xi32, #tpu.memory_space<vmem>>
      %dma_wait3A_127 = arith.constant 0 : i32
      %dma_wait3A_128 = arith.constant 0 : i32
      %dma_wait3A_129 = tpu.memref_slice %arg3[%dma_wait3A_127, %dma_wait3A_128] : memref<100000x128xf32, #tpu.memory_space<hbm>> -> memref<100000x128xf32, #tpu.memory_space<hbm>>
      tpu.wait_indirect_dma semaphore(%arg14 : memref<!tpu.dma_semaphore, #tpu.memory_space<semaphore_mem>>) src(%dma_wait3A_129 : memref<100000x128xf32, #tpu.memory_space<hbm>>) dst(%dma_wait3A_125 : memref<96x128xf32, #tpu.memory_space<vmem>>)
      %mul3A_130 = arith.constant 96 : i32
      %mul3A_131 = arith.muli %while3A_116, %mul3A_130 : i32
      %multiple_of3A_132 = tpu.assume_multiple %mul3A_131, 96 : i32
      %dma_wait3A_133 = arith.constant 0 : i32
      %dma_wait3A_134 = arith.constant 0 : i32
      %dma_wait3A_135 = tpu.memref_slice %arg12[%rem3A_118, %dma_wait3A_133, %dma_wait3A_134] : memref<2x96x128xf32, #tpu.memory_space<vmem>> -> memref<1x96x128xf32, #tpu.memory_space<vmem>>
      %dma_wait3A_136 = tpu.memref_squeeze %dma_wait3A_135 : memref<1x96x128xf32, #tpu.memory_space<vmem>> -> memref<96x128xf32, #tpu.memory_space<vmem>>
      %dma_wait3A_137 = tpu.memref_slice %arg9[%multiple_of3A_132] : memref<2592xi32, #tpu.memory_space<vmem>> -> memref<96xi32, #tpu.memory_space<vmem>>
      %dma_wait3A_138 = arith.constant 0 : i32
      %dma_wait3A_139 = arith.constant 0 : i32
      %dma_wait3A_140 = tpu.memref_slice %arg4[%dma_wait3A_138, %dma_wait3A_139] : memref<100000x128xf32, #tpu.memory_space<hbm>> -> memref<100000x128xf32, #tpu.memory_space<hbm>>
      tpu.wait_indirect_dma semaphore(%arg15 : memref<!tpu.dma_semaphore, #tpu.memory_space<semaphore_mem>>) src(%dma_wait3A_140 : memref<100000x128xf32, #tpu.memory_space<hbm>>) dst(%dma_wait3A_136 : memref<96x128xf32, #tpu.memory_space<vmem>>)
      %mul3A_141 = arith.constant 96 : i32
      %mul3A_142 = arith.muli %while3A_116, %mul3A_141 : i32
      %multiple_of3A_143 = tpu.assume_multiple %mul3A_142, 96 : i32
      %dma_wait3A_144 = arith.constant 0 : i32
      %dma_wait3A_145 = arith.constant 0 : i32
      %dma_wait3A_146 = tpu.memref_slice %arg13[%rem3A_118, %dma_wait3A_144, %dma_wait3A_145] : memref<2x96x128xf32, #tpu.memory_space<vmem>> -> memref<1x96x128xf32, #tpu.memory_space<vmem>>
      %dma_wait3A_147 = tpu.memref_squeeze %dma_wait3A_146 : memref<1x96x128xf32, #tpu.memory_space<vmem>> -> memref<96x128xf32, #tpu.memory_space<vmem>>
      %dma_wait3A_148 = tpu.memref_slice %arg10[%multiple_of3A_143] : memref<2592xi32, #tpu.memory_space<vmem>> -> memref<96xi32, #tpu.memory_space<vmem>>
      %dma_wait3A_149 = arith.constant 0 : i32
      %dma_wait3A_150 = arith.constant 0 : i32
      %dma_wait3A_151 = tpu.memref_slice %arg3[%dma_wait3A_149, %dma_wait3A_150] : memref<100000x128xf32, #tpu.memory_space<hbm>> -> memref<100000x128xf32, #tpu.memory_space<hbm>>
      tpu.wait_indirect_dma semaphore(%arg16 : memref<!tpu.dma_semaphore, #tpu.memory_space<semaphore_mem>>) src(%dma_wait3A_151 : memref<100000x128xf32, #tpu.memory_space<hbm>>) dst(%dma_wait3A_147 : memref<96x128xf32, #tpu.memory_space<vmem>>)
      %gt3A = arith.constant 0 : i32
      %gt3A_152 = arith.cmpi sgt, %while3A_116, %gt3A : i32
      %convert_element_type3A = arith.extui %gt3A_152 : i1 to i32
      %cond3A = arith.constant 0 : i32
      %cond3A_153 = arith.cmpi ne, %convert_element_type3A, %cond3A : i32
      scf.if %cond3A_153 {
        %sub3A_207 = arith.constant 1 : i32
        %sub3A_208 = arith.subi %while3A_116, %sub3A_207 : i32
        %sub3A_209 = arith.constant 1 : i32
        %sub3A_210 = arith.subi %sub3A_209, %rem3A_118 : i32
        %add3A_211 = arith.addi %select_n3A_8, %sub3A_208 : i32
        %mul3A_212 = arith.constant 96 : i32
        %mul3A_213 = arith.muli %add3A_211, %mul3A_212 : i32
        %multiple_of3A_214 = tpu.assume_multiple %mul3A_213, 96 : i32
        %dma_wait3A_215 = arith.constant 0 : i32
        %dma_wait3A_216 = arith.constant 0 : i32
        %dma_wait3A_217 = tpu.memref_slice %arg11[%sub3A_210, %dma_wait3A_215, %dma_wait3A_216] : memref<2x96x128xf32, #tpu.memory_space<vmem>> -> memref<1x96x128xf32, #tpu.memory_space<vmem>>
        %dma_wait3A_218 = tpu.memref_squeeze %dma_wait3A_217 : memref<1x96x128xf32, #tpu.memory_space<vmem>> -> memref<96x128xf32, #tpu.memory_space<vmem>>
        %dma_wait3A_219 = arith.constant 0 : i32
        %dma_wait3A_220 = tpu.memref_slice %arg5[%multiple_of3A_214, %dma_wait3A_219] : memref<61440x128xf32, #tpu.memory_space<hbm>> -> memref<96x128xf32, #tpu.memory_space<hbm>>
        %dma_wait3A_221 = arith.constant 0 : i32
        %dma_wait3A_222 = tpu.memref_slice %arg5[%multiple_of3A_214, %dma_wait3A_221] : memref<61440x128xf32, #tpu.memory_space<hbm>> -> memref<96x128xf32, #tpu.memory_space<hbm>>
        %dma_wait3A_223 = arith.constant 0 : i32
        %dma_wait3A_224 = arith.constant 0 : i32
        %dma_wait3A_225 = tpu.memref_slice %arg11[%sub3A_210, %dma_wait3A_223, %dma_wait3A_224] : memref<2x96x128xf32, #tpu.memory_space<vmem>> -> memref<1x96x128xf32, #tpu.memory_space<vmem>>
        %dma_wait3A_226 = tpu.memref_squeeze %dma_wait3A_225 : memref<1x96x128xf32, #tpu.memory_space<vmem>> -> memref<96x128xf32, #tpu.memory_space<vmem>>
        tpu.wait_dma2 semaphore(%arg17 : memref<!tpu.dma_semaphore, #tpu.memory_space<semaphore_mem>>) src(%dma_wait3A_226 : memref<96x128xf32, #tpu.memory_space<vmem>>) dst(%dma_wait3A_222 : memref<96x128xf32, #tpu.memory_space<hbm>>)
        %sub3A_227 = arith.constant 1 : i32
        %sub3A_228 = arith.subi %while3A_116, %sub3A_227 : i32
        %sub3A_229 = arith.constant 1 : i32
        %sub3A_230 = arith.subi %sub3A_229, %rem3A_118 : i32
        %add3A_231 = arith.addi %select_n3A_8, %sub3A_228 : i32
        %mul3A_232 = arith.constant 96 : i32
        %mul3A_233 = arith.muli %add3A_231, %mul3A_232 : i32
        %multiple_of3A_234 = tpu.assume_multiple %mul3A_233, 96 : i32
        %dma_wait3A_235 = arith.constant 0 : i32
        %dma_wait3A_236 = arith.constant 0 : i32
        %dma_wait3A_237 = tpu.memref_slice %arg12[%sub3A_230, %dma_wait3A_235, %dma_wait3A_236] : memref<2x96x128xf32, #tpu.memory_space<vmem>> -> memref<1x96x128xf32, #tpu.memory_space<vmem>>
        %dma_wait3A_238 = tpu.memref_squeeze %dma_wait3A_237 : memref<1x96x128xf32, #tpu.memory_space<vmem>> -> memref<96x128xf32, #tpu.memory_space<vmem>>
        %dma_wait3A_239 = arith.constant 0 : i32
        %dma_wait3A_240 = tpu.memref_slice %arg6[%multiple_of3A_234, %dma_wait3A_239] : memref<61440x128xf32, #tpu.memory_space<hbm>> -> memref<96x128xf32, #tpu.memory_space<hbm>>
        %dma_wait3A_241 = arith.constant 0 : i32
        %dma_wait3A_242 = tpu.memref_slice %arg6[%multiple_of3A_234, %dma_wait3A_241] : memref<61440x128xf32, #tpu.memory_space<hbm>> -> memref<96x128xf32, #tpu.memory_space<hbm>>
        %dma_wait3A_243 = arith.constant 0 : i32
        %dma_wait3A_244 = arith.constant 0 : i32
        %dma_wait3A_245 = tpu.memref_slice %arg12[%sub3A_230, %dma_wait3A_243, %dma_wait3A_244] : memref<2x96x128xf32, #tpu.memory_space<vmem>> -> memref<1x96x128xf32, #tpu.memory_space<vmem>>
        %dma_wait3A_246 = tpu.memref_squeeze %dma_wait3A_245 : memref<1x96x128xf32, #tpu.memory_space<vmem>> -> memref<96x128xf32, #tpu.memory_space<vmem>>
        tpu.wait_dma2 semaphore(%arg18 : memref<!tpu.dma_semaphore, #tpu.memory_space<semaphore_mem>>) src(%dma_wait3A_246 : memref<96x128xf32, #tpu.memory_space<vmem>>) dst(%dma_wait3A_242 : memref<96x128xf32, #tpu.memory_space<hbm>>)
        %sub3A_247 = arith.constant 1 : i32
        %sub3A_248 = arith.subi %while3A_116, %sub3A_247 : i32
        %sub3A_249 = arith.constant 1 : i32
        %sub3A_250 = arith.subi %sub3A_249, %rem3A_118 : i32
        %add3A_251 = arith.addi %select_n3A_8, %sub3A_248 : i32
        %mul3A_252 = arith.constant 96 : i32
        %mul3A_253 = arith.muli %add3A_251, %mul3A_252 : i32
        %multiple_of3A_254 = tpu.assume_multiple %mul3A_253, 96 : i32
        %dma_wait3A_255 = arith.constant 0 : i32
        %dma_wait3A_256 = arith.constant 0 : i32
        %dma_wait3A_257 = tpu.memref_slice %arg13[%sub3A_250, %dma_wait3A_255, %dma_wait3A_256] : memref<2x96x128xf32, #tpu.memory_space<vmem>> -> memref<1x96x128xf32, #tpu.memory_space<vmem>>
        %dma_wait3A_258 = tpu.memref_squeeze %dma_wait3A_257 : memref<1x96x128xf32, #tpu.memory_space<vmem>> -> memref<96x128xf32, #tpu.memory_space<vmem>>
        %dma_wait3A_259 = arith.constant 0 : i32
        %dma_wait3A_260 = tpu.memref_slice %arg7[%multiple_of3A_254, %dma_wait3A_259] : memref<61440x128xf32, #tpu.memory_space<hbm>> -> memref<96x128xf32, #tpu.memory_space<hbm>>
        %dma_wait3A_261 = arith.constant 0 : i32
        %dma_wait3A_262 = tpu.memref_slice %arg7[%multiple_of3A_254, %dma_wait3A_261] : memref<61440x128xf32, #tpu.memory_space<hbm>> -> memref<96x128xf32, #tpu.memory_space<hbm>>
        %dma_wait3A_263 = arith.constant 0 : i32
        %dma_wait3A_264 = arith.constant 0 : i32
        %dma_wait3A_265 = tpu.memref_slice %arg13[%sub3A_250, %dma_wait3A_263, %dma_wait3A_264] : memref<2x96x128xf32, #tpu.memory_space<vmem>> -> memref<1x96x128xf32, #tpu.memory_space<vmem>>
        %dma_wait3A_266 = tpu.memref_squeeze %dma_wait3A_265 : memref<1x96x128xf32, #tpu.memory_space<vmem>> -> memref<96x128xf32, #tpu.memory_space<vmem>>
        tpu.wait_dma2 semaphore(%arg19 : memref<!tpu.dma_semaphore, #tpu.memory_space<semaphore_mem>>) src(%dma_wait3A_266 : memref<96x128xf32, #tpu.memory_space<vmem>>) dst(%dma_wait3A_262 : memref<96x128xf32, #tpu.memory_space<hbm>>)
      } else {
      }
      %add3A_154 = arith.constant 1 : i32
      %add3A_155 = arith.addi %while3A_116, %add3A_154 : i32
      %lt3A = arith.cmpi slt, %add3A_155, %select_n3A : i32
      %convert_element_type3A_156 = arith.extui %lt3A : i1 to i32
      %cond3A_157 = arith.constant 0 : i32
      %cond3A_158 = arith.cmpi ne, %convert_element_type3A_156, %cond3A_157 : i32
      scf.if %cond3A_158 {
        %add3A_207 = arith.constant 1 : i32
        %add3A_208 = arith.addi %while3A_116, %add3A_207 : i32
        %sub3A_209 = arith.constant 1 : i32
        %sub3A_210 = arith.subi %sub3A_209, %rem3A_118 : i32
        %mul3A_211 = arith.constant 96 : i32
        %mul3A_212 = arith.muli %add3A_208, %mul3A_211 : i32
        %multiple_of3A_213 = tpu.assume_multiple %mul3A_212, 96 : i32
        %dma_start3A_214 = arith.constant 0 : i32
        %dma_start3A_215 = arith.constant 0 : i32
        %dma_start3A_216 = tpu.memref_slice %arg11[%sub3A_210, %dma_start3A_214, %dma_start3A_215] : memref<2x96x128xf32, #tpu.memory_space<vmem>> -> memref<1x96x128xf32, #tpu.memory_space<vmem>>
        %dma_start3A_217 = tpu.memref_squeeze %dma_start3A_216 : memref<1x96x128xf32, #tpu.memory_space<vmem>> -> memref<96x128xf32, #tpu.memory_space<vmem>>
        %dma_start3A_218 = tpu.memref_slice %arg8[%multiple_of3A_213] : memref<2592xi32, #tpu.memory_space<vmem>> -> memref<96xi32, #tpu.memory_space<vmem>>
        %dma_start3A_219 = arith.constant 0 : i32
        %dma_start3A_220 = arith.constant 0 : i32
        %dma_start3A_221 = tpu.memref_slice %arg3[%dma_start3A_219, %dma_start3A_220] : memref<100000x128xf32, #tpu.memory_space<hbm>> -> memref<100000x128xf32, #tpu.memory_space<hbm>>
        tpu.enqueue_indirect_dma source(%dma_start3A_221 : memref<100000x128xf32, #tpu.memory_space<hbm>>) target(%dma_start3A_217 : memref<96x128xf32, #tpu.memory_space<vmem>>) offsets(%dma_start3A_218 : memref<96xi32, #tpu.memory_space<vmem>>) semaphore(%arg14 : memref<!tpu.dma_semaphore, #tpu.memory_space<semaphore_mem>>)
        %add3A_222 = arith.constant 1 : i32
        %add3A_223 = arith.addi %while3A_116, %add3A_222 : i32
        %sub3A_224 = arith.constant 1 : i32
        %sub3A_225 = arith.subi %sub3A_224, %rem3A_118 : i32
        %mul3A_226 = arith.constant 96 : i32
        %mul3A_227 = arith.muli %add3A_223, %mul3A_226 : i32
        %multiple_of3A_228 = tpu.assume_multiple %mul3A_227, 96 : i32
        %dma_start3A_229 = arith.constant 0 : i32
        %dma_start3A_230 = arith.constant 0 : i32
        %dma_start3A_231 = tpu.memref_slice %arg12[%sub3A_225, %dma_start3A_229, %dma_start3A_230] : memref<2x96x128xf32, #tpu.memory_space<vmem>> -> memref<1x96x128xf32, #tpu.memory_space<vmem>>
        %dma_start3A_232 = tpu.memref_squeeze %dma_start3A_231 : memref<1x96x128xf32, #tpu.memory_space<vmem>> -> memref<96x128xf32, #tpu.memory_space<vmem>>
        %dma_start3A_233 = tpu.memref_slice %arg9[%multiple_of3A_228] : memref<2592xi32, #tpu.memory_space<vmem>> -> memref<96xi32, #tpu.memory_space<vmem>>
        %dma_start3A_234 = arith.constant 0 : i32
        %dma_start3A_235 = arith.constant 0 : i32
        %dma_start3A_236 = tpu.memref_slice %arg4[%dma_start3A_234, %dma_start3A_235] : memref<100000x128xf32, #tpu.memory_space<hbm>> -> memref<100000x128xf32, #tpu.memory_space<hbm>>
        tpu.enqueue_indirect_dma source(%dma_start3A_236 : memref<100000x128xf32, #tpu.memory_space<hbm>>) target(%dma_start3A_232 : memref<96x128xf32, #tpu.memory_space<vmem>>) offsets(%dma_start3A_233 : memref<96xi32, #tpu.memory_space<vmem>>) semaphore(%arg15 : memref<!tpu.dma_semaphore, #tpu.memory_space<semaphore_mem>>)
        %add3A_237 = arith.constant 1 : i32
        %add3A_238 = arith.addi %while3A_116, %add3A_237 : i32
        %sub3A_239 = arith.constant 1 : i32
        %sub3A_240 = arith.subi %sub3A_239, %rem3A_118 : i32
        %mul3A_241 = arith.constant 96 : i32
        %mul3A_242 = arith.muli %add3A_238, %mul3A_241 : i32
        %multiple_of3A_243 = tpu.assume_multiple %mul3A_242, 96 : i32
        %dma_start3A_244 = arith.constant 0 : i32
        %dma_start3A_245 = arith.constant 0 : i32
        %dma_start3A_246 = tpu.memref_slice %arg13[%sub3A_240, %dma_start3A_244, %dma_start3A_245] : memref<2x96x128xf32, #tpu.memory_space<vmem>> -> memref<1x96x128xf32, #tpu.memory_space<vmem>>
        %dma_start3A_247 = tpu.memref_squeeze %dma_start3A_246 : memref<1x96x128xf32, #tpu.memory_space<vmem>> -> memref<96x128xf32, #tpu.memory_space<vmem>>
        %dma_start3A_248 = tpu.memref_slice %arg10[%multiple_of3A_243] : memref<2592xi32, #tpu.memory_space<vmem>> -> memref<96xi32, #tpu.memory_space<vmem>>
        %dma_start3A_249 = arith.constant 0 : i32
        %dma_start3A_250 = arith.constant 0 : i32
        %dma_start3A_251 = tpu.memref_slice %arg3[%dma_start3A_249, %dma_start3A_250] : memref<100000x128xf32, #tpu.memory_space<hbm>> -> memref<100000x128xf32, #tpu.memory_space<hbm>>
        tpu.enqueue_indirect_dma source(%dma_start3A_251 : memref<100000x128xf32, #tpu.memory_space<hbm>>) target(%dma_start3A_247 : memref<96x128xf32, #tpu.memory_space<vmem>>) offsets(%dma_start3A_248 : memref<96xi32, #tpu.memory_space<vmem>>) semaphore(%arg16 : memref<!tpu.dma_semaphore, #tpu.memory_space<semaphore_mem>>)
      } else {
      }
      %add3A_159 = arith.addi %select_n3A_8, %while3A_116 : i32
      %mul3A_160 = arith.constant 96 : i32
      %mul3A_161 = arith.muli %add3A_159, %mul3A_160 : i32
      %multiple_of3A_162 = tpu.assume_multiple %mul3A_161, 96 : i32
      %dma_start3A_163 = arith.constant 0 : i32
      %dma_start3A_164 = arith.constant 0 : i32
      %dma_start3A_165 = tpu.memref_slice %arg11[%rem3A_118, %dma_start3A_163, %dma_start3A_164] : memref<2x96x128xf32, #tpu.memory_space<vmem>> -> memref<1x96x128xf32, #tpu.memory_space<vmem>>
      %dma_start3A_166 = tpu.memref_squeeze %dma_start3A_165 : memref<1x96x128xf32, #tpu.memory_space<vmem>> -> memref<96x128xf32, #tpu.memory_space<vmem>>
      %dma_start3A_167 = arith.constant 0 : i32
      %dma_start3A_168 = tpu.memref_slice %arg5[%multiple_of3A_162, %dma_start3A_167] : memref<61440x128xf32, #tpu.memory_space<hbm>> -> memref<96x128xf32, #tpu.memory_space<hbm>>
      %dma_start3A_169 = arith.constant 0 : i32
      %dma_start3A_170 = tpu.memref_slice %arg5[%multiple_of3A_162, %dma_start3A_169] : memref<61440x128xf32, #tpu.memory_space<hbm>> -> memref<96x128xf32, #tpu.memory_space<hbm>>
      %dma_start3A_171 = arith.constant 0 : i32
      %dma_start3A_172 = arith.constant 0 : i32
      %dma_start3A_173 = tpu.memref_slice %arg11[%rem3A_118, %dma_start3A_171, %dma_start3A_172] : memref<2x96x128xf32, #tpu.memory_space<vmem>> -> memref<1x96x128xf32, #tpu.memory_space<vmem>>
      %dma_start3A_174 = tpu.memref_squeeze %dma_start3A_173 : memref<1x96x128xf32, #tpu.memory_space<vmem>> -> memref<96x128xf32, #tpu.memory_space<vmem>>
      tpu.enqueue_dma source(%dma_start3A_174 : memref<96x128xf32, #tpu.memory_space<vmem>>) target(%dma_start3A_170 : memref<96x128xf32, #tpu.memory_space<hbm>>) target_semaphore(%arg17 : memref<!tpu.dma_semaphore, #tpu.memory_space<semaphore_mem>>)
      %add3A_175 = arith.addi %select_n3A_8, %while3A_116 : i32
      %mul3A_176 = arith.constant 96 : i32
      %mul3A_177 = arith.muli %add3A_175, %mul3A_176 : i32
      %multiple_of3A_178 = tpu.assume_multiple %mul3A_177, 96 : i32
      %dma_start3A_179 = arith.constant 0 : i32
      %dma_start3A_180 = arith.constant 0 : i32
      %dma_start3A_181 = tpu.memref_slice %arg12[%rem3A_118, %dma_start3A_179, %dma_start3A_180] : memref<2x96x128xf32, #tpu.memory_space<vmem>> -> memref<1x96x128xf32, #tpu.memory_space<vmem>>
      %dma_start3A_182 = tpu.memref_squeeze %dma_start3A_181 : memref<1x96x128xf32, #tpu.memory_space<vmem>> -> memref<96x128xf32, #tpu.memory_space<vmem>>
      %dma_start3A_183 = arith.constant 0 : i32
      %dma_start3A_184 = tpu.memref_slice %arg6[%multiple_of3A_178, %dma_start3A_183] : memref<61440x128xf32, #tpu.memory_space<hbm>> -> memref<96x128xf32, #tpu.memory_space<hbm>>
      %dma_start3A_185 = arith.constant 0 : i32
      %dma_start3A_186 = tpu.memref_slice %arg6[%multiple_of3A_178, %dma_start3A_185] : memref<61440x128xf32, #tpu.memory_space<hbm>> -> memref<96x128xf32, #tpu.memory_space<hbm>>
      %dma_start3A_187 = arith.constant 0 : i32
      %dma_start3A_188 = arith.constant 0 : i32
      %dma_start3A_189 = tpu.memref_slice %arg12[%rem3A_118, %dma_start3A_187, %dma_start3A_188] : memref<2x96x128xf32, #tpu.memory_space<vmem>> -> memref<1x96x128xf32, #tpu.memory_space<vmem>>
      %dma_start3A_190 = tpu.memref_squeeze %dma_start3A_189 : memref<1x96x128xf32, #tpu.memory_space<vmem>> -> memref<96x128xf32, #tpu.memory_space<vmem>>
      tpu.enqueue_dma source(%dma_start3A_190 : memref<96x128xf32, #tpu.memory_space<vmem>>) target(%dma_start3A_186 : memref<96x128xf32, #tpu.memory_space<hbm>>) target_semaphore(%arg18 : memref<!tpu.dma_semaphore, #tpu.memory_space<semaphore_mem>>)
      %add3A_191 = arith.addi %select_n3A_8, %while3A_116 : i32
      %mul3A_192 = arith.constant 96 : i32
      %mul3A_193 = arith.muli %add3A_191, %mul3A_192 : i32
      %multiple_of3A_194 = tpu.assume_multiple %mul3A_193, 96 : i32
      %dma_start3A_195 = arith.constant 0 : i32
      %dma_start3A_196 = arith.constant 0 : i32
      %dma_start3A_197 = tpu.memref_slice %arg13[%rem3A_118, %dma_start3A_195, %dma_start3A_196] : memref<2x96x128xf32, #tpu.memory_space<vmem>> -> memref<1x96x128xf32, #tpu.memory_space<vmem>>
      %dma_start3A_198 = tpu.memref_squeeze %dma_start3A_197 : memref<1x96x128xf32, #tpu.memory_space<vmem>> -> memref<96x128xf32, #tpu.memory_space<vmem>>
      %dma_start3A_199 = arith.constant 0 : i32
      %dma_start3A_200 = tpu.memref_slice %arg7[%multiple_of3A_194, %dma_start3A_199] : memref<61440x128xf32, #tpu.memory_space<hbm>> -> memref<96x128xf32, #tpu.memory_space<hbm>>
      %dma_start3A_201 = arith.constant 0 : i32
      %dma_start3A_202 = tpu.memref_slice %arg7[%multiple_of3A_194, %dma_start3A_201] : memref<61440x128xf32, #tpu.memory_space<hbm>> -> memref<96x128xf32, #tpu.memory_space<hbm>>
      %dma_start3A_203 = arith.constant 0 : i32
      %dma_start3A_204 = arith.constant 0 : i32
      %dma_start3A_205 = tpu.memref_slice %arg13[%rem3A_118, %dma_start3A_203, %dma_start3A_204] : memref<2x96x128xf32, #tpu.memory_space<vmem>> -> memref<1x96x128xf32, #tpu.memory_space<vmem>>
      %dma_start3A_206 = tpu.memref_squeeze %dma_start3A_205 : memref<1x96x128xf32, #tpu.memory_space<vmem>> -> memref<96x128xf32, #tpu.memory_space<vmem>>
      tpu.enqueue_dma source(%dma_start3A_206 : memref<96x128xf32, #tpu.memory_space<vmem>>) target(%dma_start3A_202 : memref<96x128xf32, #tpu.memory_space<hbm>>) target_semaphore(%arg19 : memref<!tpu.dma_semaphore, #tpu.memory_space<semaphore_mem>>)
    }
    %sub3A = arith.constant 1 : i32
    %sub3A_63 = arith.subi %select_n3A, %sub3A : i32
    %rem3A = arith.constant 2 : i32
    %rem3A_64 = arith.remsi %sub3A_63, %rem3A : i32
    %add3A_65 = arith.addi %select_n3A_8, %sub3A_63 : i32
    %mul3A_66 = arith.constant 96 : i32
    %mul3A_67 = arith.muli %add3A_65, %mul3A_66 : i32
    %multiple_of3A_68 = tpu.assume_multiple %mul3A_67, 96 : i32
    %dma_wait3A = arith.constant 0 : i32
    %dma_wait3A_69 = arith.constant 0 : i32
    %dma_wait3A_70 = tpu.memref_slice %arg11[%rem3A_64, %dma_wait3A, %dma_wait3A_69] : memref<2x96x128xf32, #tpu.memory_space<vmem>> -> memref<1x96x128xf32, #tpu.memory_space<vmem>>
    %dma_wait3A_71 = tpu.memref_squeeze %dma_wait3A_70 : memref<1x96x128xf32, #tpu.memory_space<vmem>> -> memref<96x128xf32, #tpu.memory_space<vmem>>
    %dma_wait3A_72 = arith.constant 0 : i32
    %dma_wait3A_73 = tpu.memref_slice %arg5[%multiple_of3A_68, %dma_wait3A_72] : memref<61440x128xf32, #tpu.memory_space<hbm>> -> memref<96x128xf32, #tpu.memory_space<hbm>>
    %dma_wait3A_74 = arith.constant 0 : i32
    %dma_wait3A_75 = tpu.memref_slice %arg5[%multiple_of3A_68, %dma_wait3A_74] : memref<61440x128xf32, #tpu.memory_space<hbm>> -> memref<96x128xf32, #tpu.memory_space<hbm>>
    %dma_wait3A_76 = arith.constant 0 : i32
    %dma_wait3A_77 = arith.constant 0 : i32
    %dma_wait3A_78 = tpu.memref_slice %arg11[%rem3A_64, %dma_wait3A_76, %dma_wait3A_77] : memref<2x96x128xf32, #tpu.memory_space<vmem>> -> memref<1x96x128xf32, #tpu.memory_space<vmem>>
    %dma_wait3A_79 = tpu.memref_squeeze %dma_wait3A_78 : memref<1x96x128xf32, #tpu.memory_space<vmem>> -> memref<96x128xf32, #tpu.memory_space<vmem>>
    tpu.wait_dma2 semaphore(%arg17 : memref<!tpu.dma_semaphore, #tpu.memory_space<semaphore_mem>>) src(%dma_wait3A_79 : memref<96x128xf32, #tpu.memory_space<vmem>>) dst(%dma_wait3A_75 : memref<96x128xf32, #tpu.memory_space<hbm>>)
    %rem3A_80 = arith.constant 2 : i32
    %rem3A_81 = arith.remsi %sub3A_63, %rem3A_80 : i32
    %add3A_82 = arith.addi %select_n3A_8, %sub3A_63 : i32
    %mul3A_83 = arith.constant 96 : i32
    %mul3A_84 = arith.muli %add3A_82, %mul3A_83 : i32
    %multiple_of3A_85 = tpu.assume_multiple %mul3A_84, 96 : i32
    %dma_wait3A_86 = arith.constant 0 : i32
    %dma_wait3A_87 = arith.constant 0 : i32
    %dma_wait3A_88 = tpu.memref_slice %arg12[%rem3A_81, %dma_wait3A_86, %dma_wait3A_87] : memref<2x96x128xf32, #tpu.memory_space<vmem>> -> memref<1x96x128xf32, #tpu.memory_space<vmem>>
    %dma_wait3A_89 = tpu.memref_squeeze %dma_wait3A_88 : memref<1x96x128xf32, #tpu.memory_space<vmem>> -> memref<96x128xf32, #tpu.memory_space<vmem>>
    %dma_wait3A_90 = arith.constant 0 : i32
    %dma_wait3A_91 = tpu.memref_slice %arg6[%multiple_of3A_85, %dma_wait3A_90] : memref<61440x128xf32, #tpu.memory_space<hbm>> -> memref<96x128xf32, #tpu.memory_space<hbm>>
    %dma_wait3A_92 = arith.constant 0 : i32
    %dma_wait3A_93 = tpu.memref_slice %arg6[%multiple_of3A_85, %dma_wait3A_92] : memref<61440x128xf32, #tpu.memory_space<hbm>> -> memref<96x128xf32, #tpu.memory_space<hbm>>
    %dma_wait3A_94 = arith.constant 0 : i32
    %dma_wait3A_95 = arith.constant 0 : i32
    %dma_wait3A_96 = tpu.memref_slice %arg12[%rem3A_81, %dma_wait3A_94, %dma_wait3A_95] : memref<2x96x128xf32, #tpu.memory_space<vmem>> -> memref<1x96x128xf32, #tpu.memory_space<vmem>>
    %dma_wait3A_97 = tpu.memref_squeeze %dma_wait3A_96 : memref<1x96x128xf32, #tpu.memory_space<vmem>> -> memref<96x128xf32, #tpu.memory_space<vmem>>
    tpu.wait_dma2 semaphore(%arg18 : memref<!tpu.dma_semaphore, #tpu.memory_space<semaphore_mem>>) src(%dma_wait3A_97 : memref<96x128xf32, #tpu.memory_space<vmem>>) dst(%dma_wait3A_93 : memref<96x128xf32, #tpu.memory_space<hbm>>)
    %rem3A_98 = arith.constant 2 : i32
    %rem3A_99 = arith.remsi %sub3A_63, %rem3A_98 : i32
    %add3A_100 = arith.addi %select_n3A_8, %sub3A_63 : i32
    %mul3A_101 = arith.constant 96 : i32
    %mul3A_102 = arith.muli %add3A_100, %mul3A_101 : i32
    %multiple_of3A_103 = tpu.assume_multiple %mul3A_102, 96 : i32
    %dma_wait3A_104 = arith.constant 0 : i32
    %dma_wait3A_105 = arith.constant 0 : i32
    %dma_wait3A_106 = tpu.memref_slice %arg13[%rem3A_99, %dma_wait3A_104, %dma_wait3A_105] : memref<2x96x128xf32, #tpu.memory_space<vmem>> -> memref<1x96x128xf32, #tpu.memory_space<vmem>>
    %dma_wait3A_107 = tpu.memref_squeeze %dma_wait3A_106 : memref<1x96x128xf32, #tpu.memory_space<vmem>> -> memref<96x128xf32, #tpu.memory_space<vmem>>
    %dma_wait3A_108 = arith.constant 0 : i32
    %dma_wait3A_109 = tpu.memref_slice %arg7[%multiple_of3A_103, %dma_wait3A_108] : memref<61440x128xf32, #tpu.memory_space<hbm>> -> memref<96x128xf32, #tpu.memory_space<hbm>>
    %dma_wait3A_110 = arith.constant 0 : i32
    %dma_wait3A_111 = tpu.memref_slice %arg7[%multiple_of3A_103, %dma_wait3A_110] : memref<61440x128xf32, #tpu.memory_space<hbm>> -> memref<96x128xf32, #tpu.memory_space<hbm>>
    %dma_wait3A_112 = arith.constant 0 : i32
    %dma_wait3A_113 = arith.constant 0 : i32
    %dma_wait3A_114 = tpu.memref_slice %arg13[%rem3A_99, %dma_wait3A_112, %dma_wait3A_113] : memref<2x96x128xf32, #tpu.memory_space<vmem>> -> memref<1x96x128xf32, #tpu.memory_space<vmem>>
    %dma_wait3A_115 = tpu.memref_squeeze %dma_wait3A_114 : memref<1x96x128xf32, #tpu.memory_space<vmem>> -> memref<96x128xf32, #tpu.memory_space<vmem>>
    tpu.wait_dma2 semaphore(%arg19 : memref<!tpu.dma_semaphore, #tpu.memory_space<semaphore_mem>>) src(%dma_wait3A_115 : memref<96x128xf32, #tpu.memory_space<vmem>>) dst(%dma_wait3A_111 : memref<96x128xf32, #tpu.memory_space<hbm>>)
    return
  }
}

#map = affine_map<(d0, d1) -> (0)>
#map1 = affine_map<(d0, d1) -> (0, 0)>
module attributes {stable_mosaic.version = 14 : i64} {
  func.func @sc_gather_l2(%arg0: i32, %arg1: i32, %arg2: memref<129024xi32, #tpu.memory_space<hbm>>, %arg3: memref<100000x128xf32, #tpu.memory_space<hbm>>, %arg4: memref<61440x128xf32, #tpu.memory_space<hbm>>, %arg5: memref<61440x128xf32, #tpu.memory_space<hbm>>, %arg6: memref<2592xi32, #tpu.memory_space<vmem>>, %arg7: memref<2592xi32, #tpu.memory_space<vmem>>, %arg8: memref<2x96x128xf32, #tpu.memory_space<vmem>>, %arg9: memref<2x96x128xf32, #tpu.memory_space<vmem>>, %arg10: memref<!tpu.dma_semaphore, #tpu.memory_space<semaphore_mem>>, %arg11: memref<!tpu.dma_semaphore, #tpu.memory_space<semaphore_mem>>, %arg12: memref<!tpu.dma_semaphore, #tpu.memory_space<semaphore_mem>>, %arg13: memref<!tpu.dma_semaphore, #tpu.memory_space<semaphore_mem>>) attributes {dimension_semantics = [#tpu.dimension_semantics<core_parallel>, #tpu.dimension_semantics<subcore_parallel>], iteration_bounds = array<i64: 2, 16>, scalar_prefetch = 0 : i64, scratch_operands = 8 : i64, tpu.core_type = #tpu.core_type<sc_vector_subcore>, window_params = [{transform_indices = #map}, {transform_indices = #map1}, {transform_indices = #map1}, {transform_indices = #map1}]} {
    %eq3A = arith.constant 0 : i32
    %eq3A_0 = arith.cmpi eq, %arg0, %eq3A : i32
    %jit3A = arith.constant 27 : i32
    %jit3A_1 = arith.constant 13 : i32
    %select_n3A = arith.select %eq3A_0, %jit3A, %jit3A_1 : i32
    %eq3A_2 = arith.constant 0 : i32
    %eq3A_3 = arith.cmpi eq, %arg0, %eq3A_2 : i32
    %mul3A = arith.constant 27 : i32
    %mul3A_4 = arith.muli %arg1, %mul3A : i32
    %mul3A_5 = arith.constant 13 : i32
    %mul3A_6 = arith.muli %arg1, %mul3A_5 : i32
    %add3A = arith.constant 432 : i32
    %add3A_7 = arith.addi %add3A, %mul3A_6 : i32
    %select_n3A_8 = arith.select %eq3A_3, %mul3A_4, %add3A_7 : i32
    %add3A_9 = arith.constant 0 : i32
    %add3A_10 = arith.addi %add3A_9, %select_n3A_8 : i32
    %mul3A_11 = arith.constant 96 : i32
    %mul3A_12 = arith.muli %add3A_10, %mul3A_11 : i32
    %multiple_of3A = tpu.assume_multiple %mul3A_12, 96 : i32
    "tpu.region"() ({
      %run_scoped3A = tpu.sem_alloc : memref<!tpu.dma_semaphore, #tpu.memory_space<semaphore_mem>>
      %dma_start3A_82 = tpu.memref_slice %arg2[%multiple_of3A] : memref<129024xi32, #tpu.memory_space<hbm>> -> memref<2592xi32, #tpu.memory_space<hbm>>
      %dma_start3A_83 = tpu.memref_slice %arg2[%multiple_of3A] : memref<129024xi32, #tpu.memory_space<hbm>> -> memref<2592xi32, #tpu.memory_space<hbm>>
      tpu.enqueue_dma source(%dma_start3A_83 : memref<2592xi32, #tpu.memory_space<hbm>>) target(%arg6 : memref<2592xi32, #tpu.memory_space<vmem>>) target_semaphore(%run_scoped3A : memref<!tpu.dma_semaphore, #tpu.memory_space<semaphore_mem>>)
      %dma_wait3A_84 = tpu.memref_slice %arg2[%multiple_of3A] : memref<129024xi32, #tpu.memory_space<hbm>> -> memref<2592xi32, #tpu.memory_space<hbm>>
      %dma_wait3A_85 = tpu.memref_slice %arg2[%multiple_of3A] : memref<129024xi32, #tpu.memory_space<hbm>> -> memref<2592xi32, #tpu.memory_space<hbm>>
      tpu.wait_dma2 semaphore(%run_scoped3A : memref<!tpu.dma_semaphore, #tpu.memory_space<semaphore_mem>>) src(%dma_wait3A_85 : memref<2592xi32, #tpu.memory_space<hbm>>) dst(%arg6 : memref<2592xi32, #tpu.memory_space<vmem>>)
      tpu.yield
    }) : () -> ()
    %add3A_13 = arith.constant 672 : i32
    %add3A_14 = arith.addi %add3A_13, %select_n3A_8 : i32
    %mul3A_15 = arith.constant 96 : i32
    %mul3A_16 = arith.muli %add3A_14, %mul3A_15 : i32
    %multiple_of3A_17 = tpu.assume_multiple %mul3A_16, 96 : i32
    "tpu.region"() ({
      %run_scoped3A = tpu.sem_alloc : memref<!tpu.dma_semaphore, #tpu.memory_space<semaphore_mem>>
      %dma_start3A_82 = tpu.memref_slice %arg2[%multiple_of3A_17] : memref<129024xi32, #tpu.memory_space<hbm>> -> memref<2592xi32, #tpu.memory_space<hbm>>
      %dma_start3A_83 = tpu.memref_slice %arg2[%multiple_of3A_17] : memref<129024xi32, #tpu.memory_space<hbm>> -> memref<2592xi32, #tpu.memory_space<hbm>>
      tpu.enqueue_dma source(%dma_start3A_83 : memref<2592xi32, #tpu.memory_space<hbm>>) target(%arg7 : memref<2592xi32, #tpu.memory_space<vmem>>) target_semaphore(%run_scoped3A : memref<!tpu.dma_semaphore, #tpu.memory_space<semaphore_mem>>)
      %dma_wait3A_84 = tpu.memref_slice %arg2[%multiple_of3A_17] : memref<129024xi32, #tpu.memory_space<hbm>> -> memref<2592xi32, #tpu.memory_space<hbm>>
      %dma_wait3A_85 = tpu.memref_slice %arg2[%multiple_of3A_17] : memref<129024xi32, #tpu.memory_space<hbm>> -> memref<2592xi32, #tpu.memory_space<hbm>>
      tpu.wait_dma2 semaphore(%run_scoped3A : memref<!tpu.dma_semaphore, #tpu.memory_space<semaphore_mem>>) src(%dma_wait3A_85 : memref<2592xi32, #tpu.memory_space<hbm>>) dst(%arg7 : memref<2592xi32, #tpu.memory_space<vmem>>)
      tpu.yield
    }) : () -> ()
    %multiple_of3A_18 = arith.constant 0 : i32
    %multiple_of3A_19 = tpu.assume_multiple %multiple_of3A_18, 96 : i32
    %dma_start3A = arith.constant 0 : i32
    %dma_start3A_20 = arith.constant 0 : i32
    %dma_start3A_21 = arith.constant 0 : i32
    %dma_start3A_22 = tpu.memref_slice %arg8[%dma_start3A, %dma_start3A_20, %dma_start3A_21] : memref<2x96x128xf32, #tpu.memory_space<vmem>> -> memref<1x96x128xf32, #tpu.memory_space<vmem>>
    %dma_start3A_23 = tpu.memref_squeeze %dma_start3A_22 : memref<1x96x128xf32, #tpu.memory_space<vmem>> -> memref<96x128xf32, #tpu.memory_space<vmem>>
    %dma_start3A_24 = tpu.memref_slice %arg6[%multiple_of3A_19] : memref<2592xi32, #tpu.memory_space<vmem>> -> memref<96xi32, #tpu.memory_space<vmem>>
    %dma_start3A_25 = arith.constant 0 : i32
    %dma_start3A_26 = arith.constant 0 : i32
    %dma_start3A_27 = tpu.memref_slice %arg3[%dma_start3A_25, %dma_start3A_26] : memref<100000x128xf32, #tpu.memory_space<hbm>> -> memref<100000x128xf32, #tpu.memory_space<hbm>>
    tpu.enqueue_indirect_dma source(%dma_start3A_27 : memref<100000x128xf32, #tpu.memory_space<hbm>>) target(%dma_start3A_23 : memref<96x128xf32, #tpu.memory_space<vmem>>) offsets(%dma_start3A_24 : memref<96xi32, #tpu.memory_space<vmem>>) semaphore(%arg10 : memref<!tpu.dma_semaphore, #tpu.memory_space<semaphore_mem>>)
    %multiple_of3A_28 = arith.constant 0 : i32
    %multiple_of3A_29 = tpu.assume_multiple %multiple_of3A_28, 96 : i32
    %dma_start3A_30 = arith.constant 0 : i32
    %dma_start3A_31 = arith.constant 0 : i32
    %dma_start3A_32 = arith.constant 0 : i32
    %dma_start3A_33 = tpu.memref_slice %arg9[%dma_start3A_30, %dma_start3A_31, %dma_start3A_32] : memref<2x96x128xf32, #tpu.memory_space<vmem>> -> memref<1x96x128xf32, #tpu.memory_space<vmem>>
    %dma_start3A_34 = tpu.memref_squeeze %dma_start3A_33 : memref<1x96x128xf32, #tpu.memory_space<vmem>> -> memref<96x128xf32, #tpu.memory_space<vmem>>
    %dma_start3A_35 = tpu.memref_slice %arg7[%multiple_of3A_29] : memref<2592xi32, #tpu.memory_space<vmem>> -> memref<96xi32, #tpu.memory_space<vmem>>
    %dma_start3A_36 = arith.constant 0 : i32
    %dma_start3A_37 = arith.constant 0 : i32
    %dma_start3A_38 = tpu.memref_slice %arg3[%dma_start3A_36, %dma_start3A_37] : memref<100000x128xf32, #tpu.memory_space<hbm>> -> memref<100000x128xf32, #tpu.memory_space<hbm>>
    tpu.enqueue_indirect_dma source(%dma_start3A_38 : memref<100000x128xf32, #tpu.memory_space<hbm>>) target(%dma_start3A_34 : memref<96x128xf32, #tpu.memory_space<vmem>>) offsets(%dma_start3A_35 : memref<96xi32, #tpu.memory_space<vmem>>) semaphore(%arg11 : memref<!tpu.dma_semaphore, #tpu.memory_space<semaphore_mem>>)
    %while3A = arith.constant 0 : i32
    %while3A_39 = arith.subi %select_n3A, %while3A : i32
    %while3A_40 = arith.addi %while3A, %while3A_39 : i32
    %while3A_41 = arith.constant 1 : i32
    %while3A_42 = arith.divsi %while3A_39, %while3A_41 : i32
    %while3A_43 = arith.muli %while3A_42, %while3A_41 : i32
    %while3A_44 = arith.addi %while3A, %while3A_43 : i32
    %while3A_45 = arith.constant 1 : i32
    scf.for %while3A_82 = %while3A to %while3A_44 step %while3A_45  : i32 {
      %rem3A_83 = arith.constant 2 : i32
      %rem3A_84 = arith.remsi %while3A_82, %rem3A_83 : i32
      %mul3A_85 = arith.constant 96 : i32
      %mul3A_86 = arith.muli %while3A_82, %mul3A_85 : i32
      %multiple_of3A_87 = tpu.assume_multiple %mul3A_86, 96 : i32
      %dma_wait3A_88 = arith.constant 0 : i32
      %dma_wait3A_89 = arith.constant 0 : i32
      %dma_wait3A_90 = tpu.memref_slice %arg8[%rem3A_84, %dma_wait3A_88, %dma_wait3A_89] : memref<2x96x128xf32, #tpu.memory_space<vmem>> -> memref<1x96x128xf32, #tpu.memory_space<vmem>>
      %dma_wait3A_91 = tpu.memref_squeeze %dma_wait3A_90 : memref<1x96x128xf32, #tpu.memory_space<vmem>> -> memref<96x128xf32, #tpu.memory_space<vmem>>
      %dma_wait3A_92 = tpu.memref_slice %arg6[%multiple_of3A_87] : memref<2592xi32, #tpu.memory_space<vmem>> -> memref<96xi32, #tpu.memory_space<vmem>>
      %dma_wait3A_93 = arith.constant 0 : i32
      %dma_wait3A_94 = arith.constant 0 : i32
      %dma_wait3A_95 = tpu.memref_slice %arg3[%dma_wait3A_93, %dma_wait3A_94] : memref<100000x128xf32, #tpu.memory_space<hbm>> -> memref<100000x128xf32, #tpu.memory_space<hbm>>
      tpu.wait_indirect_dma semaphore(%arg10 : memref<!tpu.dma_semaphore, #tpu.memory_space<semaphore_mem>>) src(%dma_wait3A_95 : memref<100000x128xf32, #tpu.memory_space<hbm>>) dst(%dma_wait3A_91 : memref<96x128xf32, #tpu.memory_space<vmem>>)
      %mul3A_96 = arith.constant 96 : i32
      %mul3A_97 = arith.muli %while3A_82, %mul3A_96 : i32
      %multiple_of3A_98 = tpu.assume_multiple %mul3A_97, 96 : i32
      %dma_wait3A_99 = arith.constant 0 : i32
      %dma_wait3A_100 = arith.constant 0 : i32
      %dma_wait3A_101 = tpu.memref_slice %arg9[%rem3A_84, %dma_wait3A_99, %dma_wait3A_100] : memref<2x96x128xf32, #tpu.memory_space<vmem>> -> memref<1x96x128xf32, #tpu.memory_space<vmem>>
      %dma_wait3A_102 = tpu.memref_squeeze %dma_wait3A_101 : memref<1x96x128xf32, #tpu.memory_space<vmem>> -> memref<96x128xf32, #tpu.memory_space<vmem>>
      %dma_wait3A_103 = tpu.memref_slice %arg7[%multiple_of3A_98] : memref<2592xi32, #tpu.memory_space<vmem>> -> memref<96xi32, #tpu.memory_space<vmem>>
      %dma_wait3A_104 = arith.constant 0 : i32
      %dma_wait3A_105 = arith.constant 0 : i32
      %dma_wait3A_106 = tpu.memref_slice %arg3[%dma_wait3A_104, %dma_wait3A_105] : memref<100000x128xf32, #tpu.memory_space<hbm>> -> memref<100000x128xf32, #tpu.memory_space<hbm>>
      tpu.wait_indirect_dma semaphore(%arg11 : memref<!tpu.dma_semaphore, #tpu.memory_space<semaphore_mem>>) src(%dma_wait3A_106 : memref<100000x128xf32, #tpu.memory_space<hbm>>) dst(%dma_wait3A_102 : memref<96x128xf32, #tpu.memory_space<vmem>>)
      %gt3A = arith.constant 0 : i32
      %gt3A_107 = arith.cmpi sgt, %while3A_82, %gt3A : i32
      %convert_element_type3A = arith.extui %gt3A_107 : i1 to i32
      %cond3A = arith.constant 0 : i32
      %cond3A_108 = arith.cmpi ne, %convert_element_type3A, %cond3A : i32
      scf.if %cond3A_108 {
        %sub3A_146 = arith.constant 1 : i32
        %sub3A_147 = arith.subi %while3A_82, %sub3A_146 : i32
        %sub3A_148 = arith.constant 1 : i32
        %sub3A_149 = arith.subi %sub3A_148, %rem3A_84 : i32
        %add3A_150 = arith.addi %select_n3A_8, %sub3A_147 : i32
        %mul3A_151 = arith.constant 96 : i32
        %mul3A_152 = arith.muli %add3A_150, %mul3A_151 : i32
        %multiple_of3A_153 = tpu.assume_multiple %mul3A_152, 96 : i32
        %dma_wait3A_154 = arith.constant 0 : i32
        %dma_wait3A_155 = arith.constant 0 : i32
        %dma_wait3A_156 = tpu.memref_slice %arg8[%sub3A_149, %dma_wait3A_154, %dma_wait3A_155] : memref<2x96x128xf32, #tpu.memory_space<vmem>> -> memref<1x96x128xf32, #tpu.memory_space<vmem>>
        %dma_wait3A_157 = tpu.memref_squeeze %dma_wait3A_156 : memref<1x96x128xf32, #tpu.memory_space<vmem>> -> memref<96x128xf32, #tpu.memory_space<vmem>>
        %dma_wait3A_158 = arith.constant 0 : i32
        %dma_wait3A_159 = tpu.memref_slice %arg4[%multiple_of3A_153, %dma_wait3A_158] : memref<61440x128xf32, #tpu.memory_space<hbm>> -> memref<96x128xf32, #tpu.memory_space<hbm>>
        %dma_wait3A_160 = arith.constant 0 : i32
        %dma_wait3A_161 = tpu.memref_slice %arg4[%multiple_of3A_153, %dma_wait3A_160] : memref<61440x128xf32, #tpu.memory_space<hbm>> -> memref<96x128xf32, #tpu.memory_space<hbm>>
        %dma_wait3A_162 = arith.constant 0 : i32
        %dma_wait3A_163 = arith.constant 0 : i32
        %dma_wait3A_164 = tpu.memref_slice %arg8[%sub3A_149, %dma_wait3A_162, %dma_wait3A_163] : memref<2x96x128xf32, #tpu.memory_space<vmem>> -> memref<1x96x128xf32, #tpu.memory_space<vmem>>
        %dma_wait3A_165 = tpu.memref_squeeze %dma_wait3A_164 : memref<1x96x128xf32, #tpu.memory_space<vmem>> -> memref<96x128xf32, #tpu.memory_space<vmem>>
        tpu.wait_dma2 semaphore(%arg12 : memref<!tpu.dma_semaphore, #tpu.memory_space<semaphore_mem>>) src(%dma_wait3A_165 : memref<96x128xf32, #tpu.memory_space<vmem>>) dst(%dma_wait3A_161 : memref<96x128xf32, #tpu.memory_space<hbm>>)
        %sub3A_166 = arith.constant 1 : i32
        %sub3A_167 = arith.subi %while3A_82, %sub3A_166 : i32
        %sub3A_168 = arith.constant 1 : i32
        %sub3A_169 = arith.subi %sub3A_168, %rem3A_84 : i32
        %add3A_170 = arith.addi %select_n3A_8, %sub3A_167 : i32
        %mul3A_171 = arith.constant 96 : i32
        %mul3A_172 = arith.muli %add3A_170, %mul3A_171 : i32
        %multiple_of3A_173 = tpu.assume_multiple %mul3A_172, 96 : i32
        %dma_wait3A_174 = arith.constant 0 : i32
        %dma_wait3A_175 = arith.constant 0 : i32
        %dma_wait3A_176 = tpu.memref_slice %arg9[%sub3A_169, %dma_wait3A_174, %dma_wait3A_175] : memref<2x96x128xf32, #tpu.memory_space<vmem>> -> memref<1x96x128xf32, #tpu.memory_space<vmem>>
        %dma_wait3A_177 = tpu.memref_squeeze %dma_wait3A_176 : memref<1x96x128xf32, #tpu.memory_space<vmem>> -> memref<96x128xf32, #tpu.memory_space<vmem>>
        %dma_wait3A_178 = arith.constant 0 : i32
        %dma_wait3A_179 = tpu.memref_slice %arg5[%multiple_of3A_173, %dma_wait3A_178] : memref<61440x128xf32, #tpu.memory_space<hbm>> -> memref<96x128xf32, #tpu.memory_space<hbm>>
        %dma_wait3A_180 = arith.constant 0 : i32
        %dma_wait3A_181 = tpu.memref_slice %arg5[%multiple_of3A_173, %dma_wait3A_180] : memref<61440x128xf32, #tpu.memory_space<hbm>> -> memref<96x128xf32, #tpu.memory_space<hbm>>
        %dma_wait3A_182 = arith.constant 0 : i32
        %dma_wait3A_183 = arith.constant 0 : i32
        %dma_wait3A_184 = tpu.memref_slice %arg9[%sub3A_169, %dma_wait3A_182, %dma_wait3A_183] : memref<2x96x128xf32, #tpu.memory_space<vmem>> -> memref<1x96x128xf32, #tpu.memory_space<vmem>>
        %dma_wait3A_185 = tpu.memref_squeeze %dma_wait3A_184 : memref<1x96x128xf32, #tpu.memory_space<vmem>> -> memref<96x128xf32, #tpu.memory_space<vmem>>
        tpu.wait_dma2 semaphore(%arg13 : memref<!tpu.dma_semaphore, #tpu.memory_space<semaphore_mem>>) src(%dma_wait3A_185 : memref<96x128xf32, #tpu.memory_space<vmem>>) dst(%dma_wait3A_181 : memref<96x128xf32, #tpu.memory_space<hbm>>)
      } else {
      }
      %add3A_109 = arith.constant 1 : i32
      %add3A_110 = arith.addi %while3A_82, %add3A_109 : i32
      %lt3A = arith.cmpi slt, %add3A_110, %select_n3A : i32
      %convert_element_type3A_111 = arith.extui %lt3A : i1 to i32
      %cond3A_112 = arith.constant 0 : i32
      %cond3A_113 = arith.cmpi ne, %convert_element_type3A_111, %cond3A_112 : i32
      scf.if %cond3A_113 {
        %add3A_146 = arith.constant 1 : i32
        %add3A_147 = arith.addi %while3A_82, %add3A_146 : i32
        %sub3A_148 = arith.constant 1 : i32
        %sub3A_149 = arith.subi %sub3A_148, %rem3A_84 : i32
        %mul3A_150 = arith.constant 96 : i32
        %mul3A_151 = arith.muli %add3A_147, %mul3A_150 : i32
        %multiple_of3A_152 = tpu.assume_multiple %mul3A_151, 96 : i32
        %dma_start3A_153 = arith.constant 0 : i32
        %dma_start3A_154 = arith.constant 0 : i32
        %dma_start3A_155 = tpu.memref_slice %arg8[%sub3A_149, %dma_start3A_153, %dma_start3A_154] : memref<2x96x128xf32, #tpu.memory_space<vmem>> -> memref<1x96x128xf32, #tpu.memory_space<vmem>>
        %dma_start3A_156 = tpu.memref_squeeze %dma_start3A_155 : memref<1x96x128xf32, #tpu.memory_space<vmem>> -> memref<96x128xf32, #tpu.memory_space<vmem>>
        %dma_start3A_157 = tpu.memref_slice %arg6[%multiple_of3A_152] : memref<2592xi32, #tpu.memory_space<vmem>> -> memref<96xi32, #tpu.memory_space<vmem>>
        %dma_start3A_158 = arith.constant 0 : i32
        %dma_start3A_159 = arith.constant 0 : i32
        %dma_start3A_160 = tpu.memref_slice %arg3[%dma_start3A_158, %dma_start3A_159] : memref<100000x128xf32, #tpu.memory_space<hbm>> -> memref<100000x128xf32, #tpu.memory_space<hbm>>
        tpu.enqueue_indirect_dma source(%dma_start3A_160 : memref<100000x128xf32, #tpu.memory_space<hbm>>) target(%dma_start3A_156 : memref<96x128xf32, #tpu.memory_space<vmem>>) offsets(%dma_start3A_157 : memref<96xi32, #tpu.memory_space<vmem>>) semaphore(%arg10 : memref<!tpu.dma_semaphore, #tpu.memory_space<semaphore_mem>>)
        %add3A_161 = arith.constant 1 : i32
        %add3A_162 = arith.addi %while3A_82, %add3A_161 : i32
        %sub3A_163 = arith.constant 1 : i32
        %sub3A_164 = arith.subi %sub3A_163, %rem3A_84 : i32
        %mul3A_165 = arith.constant 96 : i32
        %mul3A_166 = arith.muli %add3A_162, %mul3A_165 : i32
        %multiple_of3A_167 = tpu.assume_multiple %mul3A_166, 96 : i32
        %dma_start3A_168 = arith.constant 0 : i32
        %dma_start3A_169 = arith.constant 0 : i32
        %dma_start3A_170 = tpu.memref_slice %arg9[%sub3A_164, %dma_start3A_168, %dma_start3A_169] : memref<2x96x128xf32, #tpu.memory_space<vmem>> -> memref<1x96x128xf32, #tpu.memory_space<vmem>>
        %dma_start3A_171 = tpu.memref_squeeze %dma_start3A_170 : memref<1x96x128xf32, #tpu.memory_space<vmem>> -> memref<96x128xf32, #tpu.memory_space<vmem>>
        %dma_start3A_172 = tpu.memref_slice %arg7[%multiple_of3A_167] : memref<2592xi32, #tpu.memory_space<vmem>> -> memref<96xi32, #tpu.memory_space<vmem>>
        %dma_start3A_173 = arith.constant 0 : i32
        %dma_start3A_174 = arith.constant 0 : i32
        %dma_start3A_175 = tpu.memref_slice %arg3[%dma_start3A_173, %dma_start3A_174] : memref<100000x128xf32, #tpu.memory_space<hbm>> -> memref<100000x128xf32, #tpu.memory_space<hbm>>
        tpu.enqueue_indirect_dma source(%dma_start3A_175 : memref<100000x128xf32, #tpu.memory_space<hbm>>) target(%dma_start3A_171 : memref<96x128xf32, #tpu.memory_space<vmem>>) offsets(%dma_start3A_172 : memref<96xi32, #tpu.memory_space<vmem>>) semaphore(%arg11 : memref<!tpu.dma_semaphore, #tpu.memory_space<semaphore_mem>>)
      } else {
      }
      %add3A_114 = arith.addi %select_n3A_8, %while3A_82 : i32
      %mul3A_115 = arith.constant 96 : i32
      %mul3A_116 = arith.muli %add3A_114, %mul3A_115 : i32
      %multiple_of3A_117 = tpu.assume_multiple %mul3A_116, 96 : i32
      %dma_start3A_118 = arith.constant 0 : i32
      %dma_start3A_119 = arith.constant 0 : i32
      %dma_start3A_120 = tpu.memref_slice %arg8[%rem3A_84, %dma_start3A_118, %dma_start3A_119] : memref<2x96x128xf32, #tpu.memory_space<vmem>> -> memref<1x96x128xf32, #tpu.memory_space<vmem>>
      %dma_start3A_121 = tpu.memref_squeeze %dma_start3A_120 : memref<1x96x128xf32, #tpu.memory_space<vmem>> -> memref<96x128xf32, #tpu.memory_space<vmem>>
      %dma_start3A_122 = arith.constant 0 : i32
      %dma_start3A_123 = tpu.memref_slice %arg4[%multiple_of3A_117, %dma_start3A_122] : memref<61440x128xf32, #tpu.memory_space<hbm>> -> memref<96x128xf32, #tpu.memory_space<hbm>>
      %dma_start3A_124 = arith.constant 0 : i32
      %dma_start3A_125 = tpu.memref_slice %arg4[%multiple_of3A_117, %dma_start3A_124] : memref<61440x128xf32, #tpu.memory_space<hbm>> -> memref<96x128xf32, #tpu.memory_space<hbm>>
      %dma_start3A_126 = arith.constant 0 : i32
      %dma_start3A_127 = arith.constant 0 : i32
      %dma_start3A_128 = tpu.memref_slice %arg8[%rem3A_84, %dma_start3A_126, %dma_start3A_127] : memref<2x96x128xf32, #tpu.memory_space<vmem>> -> memref<1x96x128xf32, #tpu.memory_space<vmem>>
      %dma_start3A_129 = tpu.memref_squeeze %dma_start3A_128 : memref<1x96x128xf32, #tpu.memory_space<vmem>> -> memref<96x128xf32, #tpu.memory_space<vmem>>
      tpu.enqueue_dma source(%dma_start3A_129 : memref<96x128xf32, #tpu.memory_space<vmem>>) target(%dma_start3A_125 : memref<96x128xf32, #tpu.memory_space<hbm>>) target_semaphore(%arg12 : memref<!tpu.dma_semaphore, #tpu.memory_space<semaphore_mem>>)
      %add3A_130 = arith.addi %select_n3A_8, %while3A_82 : i32
      %mul3A_131 = arith.constant 96 : i32
      %mul3A_132 = arith.muli %add3A_130, %mul3A_131 : i32
      %multiple_of3A_133 = tpu.assume_multiple %mul3A_132, 96 : i32
      %dma_start3A_134 = arith.constant 0 : i32
      %dma_start3A_135 = arith.constant 0 : i32
      %dma_start3A_136 = tpu.memref_slice %arg9[%rem3A_84, %dma_start3A_134, %dma_start3A_135] : memref<2x96x128xf32, #tpu.memory_space<vmem>> -> memref<1x96x128xf32, #tpu.memory_space<vmem>>
      %dma_start3A_137 = tpu.memref_squeeze %dma_start3A_136 : memref<1x96x128xf32, #tpu.memory_space<vmem>> -> memref<96x128xf32, #tpu.memory_space<vmem>>
      %dma_start3A_138 = arith.constant 0 : i32
      %dma_start3A_139 = tpu.memref_slice %arg5[%multiple_of3A_133, %dma_start3A_138] : memref<61440x128xf32, #tpu.memory_space<hbm>> -> memref<96x128xf32, #tpu.memory_space<hbm>>
      %dma_start3A_140 = arith.constant 0 : i32
      %dma_start3A_141 = tpu.memref_slice %arg5[%multiple_of3A_133, %dma_start3A_140] : memref<61440x128xf32, #tpu.memory_space<hbm>> -> memref<96x128xf32, #tpu.memory_space<hbm>>
      %dma_start3A_142 = arith.constant 0 : i32
      %dma_start3A_143 = arith.constant 0 : i32
      %dma_start3A_144 = tpu.memref_slice %arg9[%rem3A_84, %dma_start3A_142, %dma_start3A_143] : memref<2x96x128xf32, #tpu.memory_space<vmem>> -> memref<1x96x128xf32, #tpu.memory_space<vmem>>
      %dma_start3A_145 = tpu.memref_squeeze %dma_start3A_144 : memref<1x96x128xf32, #tpu.memory_space<vmem>> -> memref<96x128xf32, #tpu.memory_space<vmem>>
      tpu.enqueue_dma source(%dma_start3A_145 : memref<96x128xf32, #tpu.memory_space<vmem>>) target(%dma_start3A_141 : memref<96x128xf32, #tpu.memory_space<hbm>>) target_semaphore(%arg13 : memref<!tpu.dma_semaphore, #tpu.memory_space<semaphore_mem>>)
    }
    %while3A_46 = arith.constant 1 : i32
    scf.for %while3A_82 = %while3A_44 to %while3A_40 step %while3A_46  : i32 {
      %rem3A_83 = arith.constant 2 : i32
      %rem3A_84 = arith.remsi %while3A_82, %rem3A_83 : i32
      %mul3A_85 = arith.constant 96 : i32
      %mul3A_86 = arith.muli %while3A_82, %mul3A_85 : i32
      %multiple_of3A_87 = tpu.assume_multiple %mul3A_86, 96 : i32
      %dma_wait3A_88 = arith.constant 0 : i32
      %dma_wait3A_89 = arith.constant 0 : i32
      %dma_wait3A_90 = tpu.memref_slice %arg8[%rem3A_84, %dma_wait3A_88, %dma_wait3A_89] : memref<2x96x128xf32, #tpu.memory_space<vmem>> -> memref<1x96x128xf32, #tpu.memory_space<vmem>>
      %dma_wait3A_91 = tpu.memref_squeeze %dma_wait3A_90 : memref<1x96x128xf32, #tpu.memory_space<vmem>> -> memref<96x128xf32, #tpu.memory_space<vmem>>
      %dma_wait3A_92 = tpu.memref_slice %arg6[%multiple_of3A_87] : memref<2592xi32, #tpu.memory_space<vmem>> -> memref<96xi32, #tpu.memory_space<vmem>>
      %dma_wait3A_93 = arith.constant 0 : i32
      %dma_wait3A_94 = arith.constant 0 : i32
      %dma_wait3A_95 = tpu.memref_slice %arg3[%dma_wait3A_93, %dma_wait3A_94] : memref<100000x128xf32, #tpu.memory_space<hbm>> -> memref<100000x128xf32, #tpu.memory_space<hbm>>
      tpu.wait_indirect_dma semaphore(%arg10 : memref<!tpu.dma_semaphore, #tpu.memory_space<semaphore_mem>>) src(%dma_wait3A_95 : memref<100000x128xf32, #tpu.memory_space<hbm>>) dst(%dma_wait3A_91 : memref<96x128xf32, #tpu.memory_space<vmem>>)
      %mul3A_96 = arith.constant 96 : i32
      %mul3A_97 = arith.muli %while3A_82, %mul3A_96 : i32
      %multiple_of3A_98 = tpu.assume_multiple %mul3A_97, 96 : i32
      %dma_wait3A_99 = arith.constant 0 : i32
      %dma_wait3A_100 = arith.constant 0 : i32
      %dma_wait3A_101 = tpu.memref_slice %arg9[%rem3A_84, %dma_wait3A_99, %dma_wait3A_100] : memref<2x96x128xf32, #tpu.memory_space<vmem>> -> memref<1x96x128xf32, #tpu.memory_space<vmem>>
      %dma_wait3A_102 = tpu.memref_squeeze %dma_wait3A_101 : memref<1x96x128xf32, #tpu.memory_space<vmem>> -> memref<96x128xf32, #tpu.memory_space<vmem>>
      %dma_wait3A_103 = tpu.memref_slice %arg7[%multiple_of3A_98] : memref<2592xi32, #tpu.memory_space<vmem>> -> memref<96xi32, #tpu.memory_space<vmem>>
      %dma_wait3A_104 = arith.constant 0 : i32
      %dma_wait3A_105 = arith.constant 0 : i32
      %dma_wait3A_106 = tpu.memref_slice %arg3[%dma_wait3A_104, %dma_wait3A_105] : memref<100000x128xf32, #tpu.memory_space<hbm>> -> memref<100000x128xf32, #tpu.memory_space<hbm>>
      tpu.wait_indirect_dma semaphore(%arg11 : memref<!tpu.dma_semaphore, #tpu.memory_space<semaphore_mem>>) src(%dma_wait3A_106 : memref<100000x128xf32, #tpu.memory_space<hbm>>) dst(%dma_wait3A_102 : memref<96x128xf32, #tpu.memory_space<vmem>>)
      %gt3A = arith.constant 0 : i32
      %gt3A_107 = arith.cmpi sgt, %while3A_82, %gt3A : i32
      %convert_element_type3A = arith.extui %gt3A_107 : i1 to i32
      %cond3A = arith.constant 0 : i32
      %cond3A_108 = arith.cmpi ne, %convert_element_type3A, %cond3A : i32
      scf.if %cond3A_108 {
        %sub3A_146 = arith.constant 1 : i32
        %sub3A_147 = arith.subi %while3A_82, %sub3A_146 : i32
        %sub3A_148 = arith.constant 1 : i32
        %sub3A_149 = arith.subi %sub3A_148, %rem3A_84 : i32
        %add3A_150 = arith.addi %select_n3A_8, %sub3A_147 : i32
        %mul3A_151 = arith.constant 96 : i32
        %mul3A_152 = arith.muli %add3A_150, %mul3A_151 : i32
        %multiple_of3A_153 = tpu.assume_multiple %mul3A_152, 96 : i32
        %dma_wait3A_154 = arith.constant 0 : i32
        %dma_wait3A_155 = arith.constant 0 : i32
        %dma_wait3A_156 = tpu.memref_slice %arg8[%sub3A_149, %dma_wait3A_154, %dma_wait3A_155] : memref<2x96x128xf32, #tpu.memory_space<vmem>> -> memref<1x96x128xf32, #tpu.memory_space<vmem>>
        %dma_wait3A_157 = tpu.memref_squeeze %dma_wait3A_156 : memref<1x96x128xf32, #tpu.memory_space<vmem>> -> memref<96x128xf32, #tpu.memory_space<vmem>>
        %dma_wait3A_158 = arith.constant 0 : i32
        %dma_wait3A_159 = tpu.memref_slice %arg4[%multiple_of3A_153, %dma_wait3A_158] : memref<61440x128xf32, #tpu.memory_space<hbm>> -> memref<96x128xf32, #tpu.memory_space<hbm>>
        %dma_wait3A_160 = arith.constant 0 : i32
        %dma_wait3A_161 = tpu.memref_slice %arg4[%multiple_of3A_153, %dma_wait3A_160] : memref<61440x128xf32, #tpu.memory_space<hbm>> -> memref<96x128xf32, #tpu.memory_space<hbm>>
        %dma_wait3A_162 = arith.constant 0 : i32
        %dma_wait3A_163 = arith.constant 0 : i32
        %dma_wait3A_164 = tpu.memref_slice %arg8[%sub3A_149, %dma_wait3A_162, %dma_wait3A_163] : memref<2x96x128xf32, #tpu.memory_space<vmem>> -> memref<1x96x128xf32, #tpu.memory_space<vmem>>
        %dma_wait3A_165 = tpu.memref_squeeze %dma_wait3A_164 : memref<1x96x128xf32, #tpu.memory_space<vmem>> -> memref<96x128xf32, #tpu.memory_space<vmem>>
        tpu.wait_dma2 semaphore(%arg12 : memref<!tpu.dma_semaphore, #tpu.memory_space<semaphore_mem>>) src(%dma_wait3A_165 : memref<96x128xf32, #tpu.memory_space<vmem>>) dst(%dma_wait3A_161 : memref<96x128xf32, #tpu.memory_space<hbm>>)
        %sub3A_166 = arith.constant 1 : i32
        %sub3A_167 = arith.subi %while3A_82, %sub3A_166 : i32
        %sub3A_168 = arith.constant 1 : i32
        %sub3A_169 = arith.subi %sub3A_168, %rem3A_84 : i32
        %add3A_170 = arith.addi %select_n3A_8, %sub3A_167 : i32
        %mul3A_171 = arith.constant 96 : i32
        %mul3A_172 = arith.muli %add3A_170, %mul3A_171 : i32
        %multiple_of3A_173 = tpu.assume_multiple %mul3A_172, 96 : i32
        %dma_wait3A_174 = arith.constant 0 : i32
        %dma_wait3A_175 = arith.constant 0 : i32
        %dma_wait3A_176 = tpu.memref_slice %arg9[%sub3A_169, %dma_wait3A_174, %dma_wait3A_175] : memref<2x96x128xf32, #tpu.memory_space<vmem>> -> memref<1x96x128xf32, #tpu.memory_space<vmem>>
        %dma_wait3A_177 = tpu.memref_squeeze %dma_wait3A_176 : memref<1x96x128xf32, #tpu.memory_space<vmem>> -> memref<96x128xf32, #tpu.memory_space<vmem>>
        %dma_wait3A_178 = arith.constant 0 : i32
        %dma_wait3A_179 = tpu.memref_slice %arg5[%multiple_of3A_173, %dma_wait3A_178] : memref<61440x128xf32, #tpu.memory_space<hbm>> -> memref<96x128xf32, #tpu.memory_space<hbm>>
        %dma_wait3A_180 = arith.constant 0 : i32
        %dma_wait3A_181 = tpu.memref_slice %arg5[%multiple_of3A_173, %dma_wait3A_180] : memref<61440x128xf32, #tpu.memory_space<hbm>> -> memref<96x128xf32, #tpu.memory_space<hbm>>
        %dma_wait3A_182 = arith.constant 0 : i32
        %dma_wait3A_183 = arith.constant 0 : i32
        %dma_wait3A_184 = tpu.memref_slice %arg9[%sub3A_169, %dma_wait3A_182, %dma_wait3A_183] : memref<2x96x128xf32, #tpu.memory_space<vmem>> -> memref<1x96x128xf32, #tpu.memory_space<vmem>>
        %dma_wait3A_185 = tpu.memref_squeeze %dma_wait3A_184 : memref<1x96x128xf32, #tpu.memory_space<vmem>> -> memref<96x128xf32, #tpu.memory_space<vmem>>
        tpu.wait_dma2 semaphore(%arg13 : memref<!tpu.dma_semaphore, #tpu.memory_space<semaphore_mem>>) src(%dma_wait3A_185 : memref<96x128xf32, #tpu.memory_space<vmem>>) dst(%dma_wait3A_181 : memref<96x128xf32, #tpu.memory_space<hbm>>)
      } else {
      }
      %add3A_109 = arith.constant 1 : i32
      %add3A_110 = arith.addi %while3A_82, %add3A_109 : i32
      %lt3A = arith.cmpi slt, %add3A_110, %select_n3A : i32
      %convert_element_type3A_111 = arith.extui %lt3A : i1 to i32
      %cond3A_112 = arith.constant 0 : i32
      %cond3A_113 = arith.cmpi ne, %convert_element_type3A_111, %cond3A_112 : i32
      scf.if %cond3A_113 {
        %add3A_146 = arith.constant 1 : i32
        %add3A_147 = arith.addi %while3A_82, %add3A_146 : i32
        %sub3A_148 = arith.constant 1 : i32
        %sub3A_149 = arith.subi %sub3A_148, %rem3A_84 : i32
        %mul3A_150 = arith.constant 96 : i32
        %mul3A_151 = arith.muli %add3A_147, %mul3A_150 : i32
        %multiple_of3A_152 = tpu.assume_multiple %mul3A_151, 96 : i32
        %dma_start3A_153 = arith.constant 0 : i32
        %dma_start3A_154 = arith.constant 0 : i32
        %dma_start3A_155 = tpu.memref_slice %arg8[%sub3A_149, %dma_start3A_153, %dma_start3A_154] : memref<2x96x128xf32, #tpu.memory_space<vmem>> -> memref<1x96x128xf32, #tpu.memory_space<vmem>>
        %dma_start3A_156 = tpu.memref_squeeze %dma_start3A_155 : memref<1x96x128xf32, #tpu.memory_space<vmem>> -> memref<96x128xf32, #tpu.memory_space<vmem>>
        %dma_start3A_157 = tpu.memref_slice %arg6[%multiple_of3A_152] : memref<2592xi32, #tpu.memory_space<vmem>> -> memref<96xi32, #tpu.memory_space<vmem>>
        %dma_start3A_158 = arith.constant 0 : i32
        %dma_start3A_159 = arith.constant 0 : i32
        %dma_start3A_160 = tpu.memref_slice %arg3[%dma_start3A_158, %dma_start3A_159] : memref<100000x128xf32, #tpu.memory_space<hbm>> -> memref<100000x128xf32, #tpu.memory_space<hbm>>
        tpu.enqueue_indirect_dma source(%dma_start3A_160 : memref<100000x128xf32, #tpu.memory_space<hbm>>) target(%dma_start3A_156 : memref<96x128xf32, #tpu.memory_space<vmem>>) offsets(%dma_start3A_157 : memref<96xi32, #tpu.memory_space<vmem>>) semaphore(%arg10 : memref<!tpu.dma_semaphore, #tpu.memory_space<semaphore_mem>>)
        %add3A_161 = arith.constant 1 : i32
        %add3A_162 = arith.addi %while3A_82, %add3A_161 : i32
        %sub3A_163 = arith.constant 1 : i32
        %sub3A_164 = arith.subi %sub3A_163, %rem3A_84 : i32
        %mul3A_165 = arith.constant 96 : i32
        %mul3A_166 = arith.muli %add3A_162, %mul3A_165 : i32
        %multiple_of3A_167 = tpu.assume_multiple %mul3A_166, 96 : i32
        %dma_start3A_168 = arith.constant 0 : i32
        %dma_start3A_169 = arith.constant 0 : i32
        %dma_start3A_170 = tpu.memref_slice %arg9[%sub3A_164, %dma_start3A_168, %dma_start3A_169] : memref<2x96x128xf32, #tpu.memory_space<vmem>> -> memref<1x96x128xf32, #tpu.memory_space<vmem>>
        %dma_start3A_171 = tpu.memref_squeeze %dma_start3A_170 : memref<1x96x128xf32, #tpu.memory_space<vmem>> -> memref<96x128xf32, #tpu.memory_space<vmem>>
        %dma_start3A_172 = tpu.memref_slice %arg7[%multiple_of3A_167] : memref<2592xi32, #tpu.memory_space<vmem>> -> memref<96xi32, #tpu.memory_space<vmem>>
        %dma_start3A_173 = arith.constant 0 : i32
        %dma_start3A_174 = arith.constant 0 : i32
        %dma_start3A_175 = tpu.memref_slice %arg3[%dma_start3A_173, %dma_start3A_174] : memref<100000x128xf32, #tpu.memory_space<hbm>> -> memref<100000x128xf32, #tpu.memory_space<hbm>>
        tpu.enqueue_indirect_dma source(%dma_start3A_175 : memref<100000x128xf32, #tpu.memory_space<hbm>>) target(%dma_start3A_171 : memref<96x128xf32, #tpu.memory_space<vmem>>) offsets(%dma_start3A_172 : memref<96xi32, #tpu.memory_space<vmem>>) semaphore(%arg11 : memref<!tpu.dma_semaphore, #tpu.memory_space<semaphore_mem>>)
      } else {
      }
      %add3A_114 = arith.addi %select_n3A_8, %while3A_82 : i32
      %mul3A_115 = arith.constant 96 : i32
      %mul3A_116 = arith.muli %add3A_114, %mul3A_115 : i32
      %multiple_of3A_117 = tpu.assume_multiple %mul3A_116, 96 : i32
      %dma_start3A_118 = arith.constant 0 : i32
      %dma_start3A_119 = arith.constant 0 : i32
      %dma_start3A_120 = tpu.memref_slice %arg8[%rem3A_84, %dma_start3A_118, %dma_start3A_119] : memref<2x96x128xf32, #tpu.memory_space<vmem>> -> memref<1x96x128xf32, #tpu.memory_space<vmem>>
      %dma_start3A_121 = tpu.memref_squeeze %dma_start3A_120 : memref<1x96x128xf32, #tpu.memory_space<vmem>> -> memref<96x128xf32, #tpu.memory_space<vmem>>
      %dma_start3A_122 = arith.constant 0 : i32
      %dma_start3A_123 = tpu.memref_slice %arg4[%multiple_of3A_117, %dma_start3A_122] : memref<61440x128xf32, #tpu.memory_space<hbm>> -> memref<96x128xf32, #tpu.memory_space<hbm>>
      %dma_start3A_124 = arith.constant 0 : i32
      %dma_start3A_125 = tpu.memref_slice %arg4[%multiple_of3A_117, %dma_start3A_124] : memref<61440x128xf32, #tpu.memory_space<hbm>> -> memref<96x128xf32, #tpu.memory_space<hbm>>
      %dma_start3A_126 = arith.constant 0 : i32
      %dma_start3A_127 = arith.constant 0 : i32
      %dma_start3A_128 = tpu.memref_slice %arg8[%rem3A_84, %dma_start3A_126, %dma_start3A_127] : memref<2x96x128xf32, #tpu.memory_space<vmem>> -> memref<1x96x128xf32, #tpu.memory_space<vmem>>
      %dma_start3A_129 = tpu.memref_squeeze %dma_start3A_128 : memref<1x96x128xf32, #tpu.memory_space<vmem>> -> memref<96x128xf32, #tpu.memory_space<vmem>>
      tpu.enqueue_dma source(%dma_start3A_129 : memref<96x128xf32, #tpu.memory_space<vmem>>) target(%dma_start3A_125 : memref<96x128xf32, #tpu.memory_space<hbm>>) target_semaphore(%arg12 : memref<!tpu.dma_semaphore, #tpu.memory_space<semaphore_mem>>)
      %add3A_130 = arith.addi %select_n3A_8, %while3A_82 : i32
      %mul3A_131 = arith.constant 96 : i32
      %mul3A_132 = arith.muli %add3A_130, %mul3A_131 : i32
      %multiple_of3A_133 = tpu.assume_multiple %mul3A_132, 96 : i32
      %dma_start3A_134 = arith.constant 0 : i32
      %dma_start3A_135 = arith.constant 0 : i32
      %dma_start3A_136 = tpu.memref_slice %arg9[%rem3A_84, %dma_start3A_134, %dma_start3A_135] : memref<2x96x128xf32, #tpu.memory_space<vmem>> -> memref<1x96x128xf32, #tpu.memory_space<vmem>>
      %dma_start3A_137 = tpu.memref_squeeze %dma_start3A_136 : memref<1x96x128xf32, #tpu.memory_space<vmem>> -> memref<96x128xf32, #tpu.memory_space<vmem>>
      %dma_start3A_138 = arith.constant 0 : i32
      %dma_start3A_139 = tpu.memref_slice %arg5[%multiple_of3A_133, %dma_start3A_138] : memref<61440x128xf32, #tpu.memory_space<hbm>> -> memref<96x128xf32, #tpu.memory_space<hbm>>
      %dma_start3A_140 = arith.constant 0 : i32
      %dma_start3A_141 = tpu.memref_slice %arg5[%multiple_of3A_133, %dma_start3A_140] : memref<61440x128xf32, #tpu.memory_space<hbm>> -> memref<96x128xf32, #tpu.memory_space<hbm>>
      %dma_start3A_142 = arith.constant 0 : i32
      %dma_start3A_143 = arith.constant 0 : i32
      %dma_start3A_144 = tpu.memref_slice %arg9[%rem3A_84, %dma_start3A_142, %dma_start3A_143] : memref<2x96x128xf32, #tpu.memory_space<vmem>> -> memref<1x96x128xf32, #tpu.memory_space<vmem>>
      %dma_start3A_145 = tpu.memref_squeeze %dma_start3A_144 : memref<1x96x128xf32, #tpu.memory_space<vmem>> -> memref<96x128xf32, #tpu.memory_space<vmem>>
      tpu.enqueue_dma source(%dma_start3A_145 : memref<96x128xf32, #tpu.memory_space<vmem>>) target(%dma_start3A_141 : memref<96x128xf32, #tpu.memory_space<hbm>>) target_semaphore(%arg13 : memref<!tpu.dma_semaphore, #tpu.memory_space<semaphore_mem>>)
    }
    %sub3A = arith.constant 1 : i32
    %sub3A_47 = arith.subi %select_n3A, %sub3A : i32
    %rem3A = arith.constant 2 : i32
    %rem3A_48 = arith.remsi %sub3A_47, %rem3A : i32
    %add3A_49 = arith.addi %select_n3A_8, %sub3A_47 : i32
    %mul3A_50 = arith.constant 96 : i32
    %mul3A_51 = arith.muli %add3A_49, %mul3A_50 : i32
    %multiple_of3A_52 = tpu.assume_multiple %mul3A_51, 96 : i32
    %dma_wait3A = arith.constant 0 : i32
    %dma_wait3A_53 = arith.constant 0 : i32
    %dma_wait3A_54 = tpu.memref_slice %arg8[%rem3A_48, %dma_wait3A, %dma_wait3A_53] : memref<2x96x128xf32, #tpu.memory_space<vmem>> -> memref<1x96x128xf32, #tpu.memory_space<vmem>>
    %dma_wait3A_55 = tpu.memref_squeeze %dma_wait3A_54 : memref<1x96x128xf32, #tpu.memory_space<vmem>> -> memref<96x128xf32, #tpu.memory_space<vmem>>
    %dma_wait3A_56 = arith.constant 0 : i32
    %dma_wait3A_57 = tpu.memref_slice %arg4[%multiple_of3A_52, %dma_wait3A_56] : memref<61440x128xf32, #tpu.memory_space<hbm>> -> memref<96x128xf32, #tpu.memory_space<hbm>>
    %dma_wait3A_58 = arith.constant 0 : i32
    %dma_wait3A_59 = tpu.memref_slice %arg4[%multiple_of3A_52, %dma_wait3A_58] : memref<61440x128xf32, #tpu.memory_space<hbm>> -> memref<96x128xf32, #tpu.memory_space<hbm>>
    %dma_wait3A_60 = arith.constant 0 : i32
    %dma_wait3A_61 = arith.constant 0 : i32
    %dma_wait3A_62 = tpu.memref_slice %arg8[%rem3A_48, %dma_wait3A_60, %dma_wait3A_61] : memref<2x96x128xf32, #tpu.memory_space<vmem>> -> memref<1x96x128xf32, #tpu.memory_space<vmem>>
    %dma_wait3A_63 = tpu.memref_squeeze %dma_wait3A_62 : memref<1x96x128xf32, #tpu.memory_space<vmem>> -> memref<96x128xf32, #tpu.memory_space<vmem>>
    tpu.wait_dma2 semaphore(%arg12 : memref<!tpu.dma_semaphore, #tpu.memory_space<semaphore_mem>>) src(%dma_wait3A_63 : memref<96x128xf32, #tpu.memory_space<vmem>>) dst(%dma_wait3A_59 : memref<96x128xf32, #tpu.memory_space<hbm>>)
    %rem3A_64 = arith.constant 2 : i32
    %rem3A_65 = arith.remsi %sub3A_47, %rem3A_64 : i32
    %add3A_66 = arith.addi %select_n3A_8, %sub3A_47 : i32
    %mul3A_67 = arith.constant 96 : i32
    %mul3A_68 = arith.muli %add3A_66, %mul3A_67 : i32
    %multiple_of3A_69 = tpu.assume_multiple %mul3A_68, 96 : i32
    %dma_wait3A_70 = arith.constant 0 : i32
    %dma_wait3A_71 = arith.constant 0 : i32
    %dma_wait3A_72 = tpu.memref_slice %arg9[%rem3A_65, %dma_wait3A_70, %dma_wait3A_71] : memref<2x96x128xf32, #tpu.memory_space<vmem>> -> memref<1x96x128xf32, #tpu.memory_space<vmem>>
    %dma_wait3A_73 = tpu.memref_squeeze %dma_wait3A_72 : memref<1x96x128xf32, #tpu.memory_space<vmem>> -> memref<96x128xf32, #tpu.memory_space<vmem>>
    %dma_wait3A_74 = arith.constant 0 : i32
    %dma_wait3A_75 = tpu.memref_slice %arg5[%multiple_of3A_69, %dma_wait3A_74] : memref<61440x128xf32, #tpu.memory_space<hbm>> -> memref<96x128xf32, #tpu.memory_space<hbm>>
    %dma_wait3A_76 = arith.constant 0 : i32
    %dma_wait3A_77 = tpu.memref_slice %arg5[%multiple_of3A_69, %dma_wait3A_76] : memref<61440x128xf32, #tpu.memory_space<hbm>> -> memref<96x128xf32, #tpu.memory_space<hbm>>
    %dma_wait3A_78 = arith.constant 0 : i32
    %dma_wait3A_79 = arith.constant 0 : i32
    %dma_wait3A_80 = tpu.memref_slice %arg9[%rem3A_65, %dma_wait3A_78, %dma_wait3A_79] : memref<2x96x128xf32, #tpu.memory_space<vmem>> -> memref<1x96x128xf32, #tpu.memory_space<vmem>>
    %dma_wait3A_81 = tpu.memref_squeeze %dma_wait3A_80 : memref<1x96x128xf32, #tpu.memory_space<vmem>> -> memref<96x128xf32, #tpu.memory_space<vmem>>
    tpu.wait_dma2 semaphore(%arg13 : memref<!tpu.dma_semaphore, #tpu.memory_space<semaphore_mem>>) src(%dma_wait3A_81 : memref<96x128xf32, #tpu.memory_space<vmem>>) dst(%dma_wait3A_77 : memref<96x128xf32, #tpu.memory_space<hbm>>)
    return
  }
}

#map = affine_map<(d0, d1) -> (0)>
#map1 = affine_map<(d0, d1) -> (0, 0)>
module attributes {stable_mosaic.version = 14 : i64} {
  func.func @sc_gather_l4(%arg0: i32, %arg1: i32, %arg2: memref<258048xi32, #tpu.memory_space<hbm>>, %arg3: memref<100000x128xf32, #tpu.memory_space<hbm>>, %arg4: memref<100000x128xf32, #tpu.memory_space<hbm>>, %arg5: memref<61440x128xf32, #tpu.memory_space<hbm>>, %arg6: memref<61440x128xf32, #tpu.memory_space<hbm>>, %arg7: memref<61440x128xf32, #tpu.memory_space<hbm>>, %arg8: memref<61440x128xf32, #tpu.memory_space<hbm>>, %arg9: memref<2592xi32, #tpu.memory_space<vmem>>, %arg10: memref<2592xi32, #tpu.memory_space<vmem>>, %arg11: memref<2592xi32, #tpu.memory_space<vmem>>, %arg12: memref<2592xi32, #tpu.memory_space<vmem>>, %arg13: memref<2x96x128xf32, #tpu.memory_space<vmem>>, %arg14: memref<2x96x128xf32, #tpu.memory_space<vmem>>, %arg15: memref<2x96x128xf32, #tpu.memory_space<vmem>>, %arg16: memref<2x96x128xf32, #tpu.memory_space<vmem>>, %arg17: memref<!tpu.dma_semaphore, #tpu.memory_space<semaphore_mem>>, %arg18: memref<!tpu.dma_semaphore, #tpu.memory_space<semaphore_mem>>, %arg19: memref<!tpu.dma_semaphore, #tpu.memory_space<semaphore_mem>>, %arg20: memref<!tpu.dma_semaphore, #tpu.memory_space<semaphore_mem>>, %arg21: memref<!tpu.dma_semaphore, #tpu.memory_space<semaphore_mem>>, %arg22: memref<!tpu.dma_semaphore, #tpu.memory_space<semaphore_mem>>, %arg23: memref<!tpu.dma_semaphore, #tpu.memory_space<semaphore_mem>>, %arg24: memref<!tpu.dma_semaphore, #tpu.memory_space<semaphore_mem>>) attributes {dimension_semantics = [#tpu.dimension_semantics<core_parallel>, #tpu.dimension_semantics<subcore_parallel>], iteration_bounds = array<i64: 2, 16>, scalar_prefetch = 0 : i64, scratch_operands = 16 : i64, tpu.core_type = #tpu.core_type<sc_vector_subcore>, window_params = [{transform_indices = #map}, {transform_indices = #map1}, {transform_indices = #map1}, {transform_indices = #map1}, {transform_indices = #map1}, {transform_indices = #map1}, {transform_indices = #map1}]} {
    %eq3A = arith.constant 0 : i32
    %eq3A_0 = arith.cmpi eq, %arg0, %eq3A : i32
    %jit3A = arith.constant 27 : i32
    %jit3A_1 = arith.constant 13 : i32
    %select_n3A = arith.select %eq3A_0, %jit3A, %jit3A_1 : i32
    %eq3A_2 = arith.constant 0 : i32
    %eq3A_3 = arith.cmpi eq, %arg0, %eq3A_2 : i32
    %mul3A = arith.constant 27 : i32
    %mul3A_4 = arith.muli %arg1, %mul3A : i32
    %mul3A_5 = arith.constant 13 : i32
    %mul3A_6 = arith.muli %arg1, %mul3A_5 : i32
    %add3A = arith.constant 432 : i32
    %add3A_7 = arith.addi %add3A, %mul3A_6 : i32
    %select_n3A_8 = arith.select %eq3A_3, %mul3A_4, %add3A_7 : i32
    %add3A_9 = arith.constant 0 : i32
    %add3A_10 = arith.addi %add3A_9, %select_n3A_8 : i32
    %mul3A_11 = arith.constant 96 : i32
    %mul3A_12 = arith.muli %add3A_10, %mul3A_11 : i32
    %multiple_of3A = tpu.assume_multiple %mul3A_12, 96 : i32
    "tpu.region"() ({
      %run_scoped3A = tpu.sem_alloc : memref<!tpu.dma_semaphore, #tpu.memory_space<semaphore_mem>>
      %dma_start3A_150 = tpu.memref_slice %arg2[%multiple_of3A] : memref<258048xi32, #tpu.memory_space<hbm>> -> memref<2592xi32, #tpu.memory_space<hbm>>
      %dma_start3A_151 = tpu.memref_slice %arg2[%multiple_of3A] : memref<258048xi32, #tpu.memory_space<hbm>> -> memref<2592xi32, #tpu.memory_space<hbm>>
      tpu.enqueue_dma source(%dma_start3A_151 : memref<2592xi32, #tpu.memory_space<hbm>>) target(%arg9 : memref<2592xi32, #tpu.memory_space<vmem>>) target_semaphore(%run_scoped3A : memref<!tpu.dma_semaphore, #tpu.memory_space<semaphore_mem>>)
      %dma_wait3A_152 = tpu.memref_slice %arg2[%multiple_of3A] : memref<258048xi32, #tpu.memory_space<hbm>> -> memref<2592xi32, #tpu.memory_space<hbm>>
      %dma_wait3A_153 = tpu.memref_slice %arg2[%multiple_of3A] : memref<258048xi32, #tpu.memory_space<hbm>> -> memref<2592xi32, #tpu.memory_space<hbm>>
      tpu.wait_dma2 semaphore(%run_scoped3A : memref<!tpu.dma_semaphore, #tpu.memory_space<semaphore_mem>>) src(%dma_wait3A_153 : memref<2592xi32, #tpu.memory_space<hbm>>) dst(%arg9 : memref<2592xi32, #tpu.memory_space<vmem>>)
      tpu.yield
    }) : () -> ()
    %add3A_13 = arith.constant 672 : i32
    %add3A_14 = arith.addi %add3A_13, %select_n3A_8 : i32
    %mul3A_15 = arith.constant 96 : i32
    %mul3A_16 = arith.muli %add3A_14, %mul3A_15 : i32
    %multiple_of3A_17 = tpu.assume_multiple %mul3A_16, 96 : i32
    "tpu.region"() ({
      %run_scoped3A = tpu.sem_alloc : memref<!tpu.dma_semaphore, #tpu.memory_space<semaphore_mem>>
      %dma_start3A_150 = tpu.memref_slice %arg2[%multiple_of3A_17] : memref<258048xi32, #tpu.memory_space<hbm>> -> memref<2592xi32, #tpu.memory_space<hbm>>
      %dma_start3A_151 = tpu.memref_slice %arg2[%multiple_of3A_17] : memref<258048xi32, #tpu.memory_space<hbm>> -> memref<2592xi32, #tpu.memory_space<hbm>>
      tpu.enqueue_dma source(%dma_start3A_151 : memref<2592xi32, #tpu.memory_space<hbm>>) target(%arg10 : memref<2592xi32, #tpu.memory_space<vmem>>) target_semaphore(%run_scoped3A : memref<!tpu.dma_semaphore, #tpu.memory_space<semaphore_mem>>)
      %dma_wait3A_152 = tpu.memref_slice %arg2[%multiple_of3A_17] : memref<258048xi32, #tpu.memory_space<hbm>> -> memref<2592xi32, #tpu.memory_space<hbm>>
      %dma_wait3A_153 = tpu.memref_slice %arg2[%multiple_of3A_17] : memref<258048xi32, #tpu.memory_space<hbm>> -> memref<2592xi32, #tpu.memory_space<hbm>>
      tpu.wait_dma2 semaphore(%run_scoped3A : memref<!tpu.dma_semaphore, #tpu.memory_space<semaphore_mem>>) src(%dma_wait3A_153 : memref<2592xi32, #tpu.memory_space<hbm>>) dst(%arg10 : memref<2592xi32, #tpu.memory_space<vmem>>)
      tpu.yield
    }) : () -> ()
    %add3A_18 = arith.constant 1344 : i32
    %add3A_19 = arith.addi %add3A_18, %select_n3A_8 : i32
    %mul3A_20 = arith.constant 96 : i32
    %mul3A_21 = arith.muli %add3A_19, %mul3A_20 : i32
    %multiple_of3A_22 = tpu.assume_multiple %mul3A_21, 96 : i32
    "tpu.region"() ({
      %run_scoped3A = tpu.sem_alloc : memref<!tpu.dma_semaphore, #tpu.memory_space<semaphore_mem>>
      %dma_start3A_150 = tpu.memref_slice %arg2[%multiple_of3A_22] : memref<258048xi32, #tpu.memory_space<hbm>> -> memref<2592xi32, #tpu.memory_space<hbm>>
      %dma_start3A_151 = tpu.memref_slice %arg2[%multiple_of3A_22] : memref<258048xi32, #tpu.memory_space<hbm>> -> memref<2592xi32, #tpu.memory_space<hbm>>
      tpu.enqueue_dma source(%dma_start3A_151 : memref<2592xi32, #tpu.memory_space<hbm>>) target(%arg11 : memref<2592xi32, #tpu.memory_space<vmem>>) target_semaphore(%run_scoped3A : memref<!tpu.dma_semaphore, #tpu.memory_space<semaphore_mem>>)
      %dma_wait3A_152 = tpu.memref_slice %arg2[%multiple_of3A_22] : memref<258048xi32, #tpu.memory_space<hbm>> -> memref<2592xi32, #tpu.memory_space<hbm>>
      %dma_wait3A_153 = tpu.memref_slice %arg2[%multiple_of3A_22] : memref<258048xi32, #tpu.memory_space<hbm>> -> memref<2592xi32, #tpu.memory_space<hbm>>
      tpu.wait_dma2 semaphore(%run_scoped3A : memref<!tpu.dma_semaphore, #tpu.memory_space<semaphore_mem>>) src(%dma_wait3A_153 : memref<2592xi32, #tpu.memory_space<hbm>>) dst(%arg11 : memref<2592xi32, #tpu.memory_space<vmem>>)
      tpu.yield
    }) : () -> ()
    %add3A_23 = arith.constant 2016 : i32
    %add3A_24 = arith.addi %add3A_23, %select_n3A_8 : i32
    %mul3A_25 = arith.constant 96 : i32
    %mul3A_26 = arith.muli %add3A_24, %mul3A_25 : i32
    %multiple_of3A_27 = tpu.assume_multiple %mul3A_26, 96 : i32
    "tpu.region"() ({
      %run_scoped3A = tpu.sem_alloc : memref<!tpu.dma_semaphore, #tpu.memory_space<semaphore_mem>>
      %dma_start3A_150 = tpu.memref_slice %arg2[%multiple_of3A_27] : memref<258048xi32, #tpu.memory_space<hbm>> -> memref<2592xi32, #tpu.memory_space<hbm>>
      %dma_start3A_151 = tpu.memref_slice %arg2[%multiple_of3A_27] : memref<258048xi32, #tpu.memory_space<hbm>> -> memref<2592xi32, #tpu.memory_space<hbm>>
      tpu.enqueue_dma source(%dma_start3A_151 : memref<2592xi32, #tpu.memory_space<hbm>>) target(%arg12 : memref<2592xi32, #tpu.memory_space<vmem>>) target_semaphore(%run_scoped3A : memref<!tpu.dma_semaphore, #tpu.memory_space<semaphore_mem>>)
      %dma_wait3A_152 = tpu.memref_slice %arg2[%multiple_of3A_27] : memref<258048xi32, #tpu.memory_space<hbm>> -> memref<2592xi32, #tpu.memory_space<hbm>>
      %dma_wait3A_153 = tpu.memref_slice %arg2[%multiple_of3A_27] : memref<258048xi32, #tpu.memory_space<hbm>> -> memref<2592xi32, #tpu.memory_space<hbm>>
      tpu.wait_dma2 semaphore(%run_scoped3A : memref<!tpu.dma_semaphore, #tpu.memory_space<semaphore_mem>>) src(%dma_wait3A_153 : memref<2592xi32, #tpu.memory_space<hbm>>) dst(%arg12 : memref<2592xi32, #tpu.memory_space<vmem>>)
      tpu.yield
    }) : () -> ()
    %multiple_of3A_28 = arith.constant 0 : i32
    %multiple_of3A_29 = tpu.assume_multiple %multiple_of3A_28, 96 : i32
    %dma_start3A = arith.constant 0 : i32
    %dma_start3A_30 = arith.constant 0 : i32
    %dma_start3A_31 = arith.constant 0 : i32
    %dma_start3A_32 = tpu.memref_slice %arg13[%dma_start3A, %dma_start3A_30, %dma_start3A_31] : memref<2x96x128xf32, #tpu.memory_space<vmem>> -> memref<1x96x128xf32, #tpu.memory_space<vmem>>
    %dma_start3A_33 = tpu.memref_squeeze %dma_start3A_32 : memref<1x96x128xf32, #tpu.memory_space<vmem>> -> memref<96x128xf32, #tpu.memory_space<vmem>>
    %dma_start3A_34 = tpu.memref_slice %arg9[%multiple_of3A_29] : memref<2592xi32, #tpu.memory_space<vmem>> -> memref<96xi32, #tpu.memory_space<vmem>>
    %dma_start3A_35 = arith.constant 0 : i32
    %dma_start3A_36 = arith.constant 0 : i32
    %dma_start3A_37 = tpu.memref_slice %arg3[%dma_start3A_35, %dma_start3A_36] : memref<100000x128xf32, #tpu.memory_space<hbm>> -> memref<100000x128xf32, #tpu.memory_space<hbm>>
    tpu.enqueue_indirect_dma source(%dma_start3A_37 : memref<100000x128xf32, #tpu.memory_space<hbm>>) target(%dma_start3A_33 : memref<96x128xf32, #tpu.memory_space<vmem>>) offsets(%dma_start3A_34 : memref<96xi32, #tpu.memory_space<vmem>>) semaphore(%arg17 : memref<!tpu.dma_semaphore, #tpu.memory_space<semaphore_mem>>)
    %multiple_of3A_38 = arith.constant 0 : i32
    %multiple_of3A_39 = tpu.assume_multiple %multiple_of3A_38, 96 : i32
    %dma_start3A_40 = arith.constant 0 : i32
    %dma_start3A_41 = arith.constant 0 : i32
    %dma_start3A_42 = arith.constant 0 : i32
    %dma_start3A_43 = tpu.memref_slice %arg14[%dma_start3A_40, %dma_start3A_41, %dma_start3A_42] : memref<2x96x128xf32, #tpu.memory_space<vmem>> -> memref<1x96x128xf32, #tpu.memory_space<vmem>>
    %dma_start3A_44 = tpu.memref_squeeze %dma_start3A_43 : memref<1x96x128xf32, #tpu.memory_space<vmem>> -> memref<96x128xf32, #tpu.memory_space<vmem>>
    %dma_start3A_45 = tpu.memref_slice %arg10[%multiple_of3A_39] : memref<2592xi32, #tpu.memory_space<vmem>> -> memref<96xi32, #tpu.memory_space<vmem>>
    %dma_start3A_46 = arith.constant 0 : i32
    %dma_start3A_47 = arith.constant 0 : i32
    %dma_start3A_48 = tpu.memref_slice %arg4[%dma_start3A_46, %dma_start3A_47] : memref<100000x128xf32, #tpu.memory_space<hbm>> -> memref<100000x128xf32, #tpu.memory_space<hbm>>
    tpu.enqueue_indirect_dma source(%dma_start3A_48 : memref<100000x128xf32, #tpu.memory_space<hbm>>) target(%dma_start3A_44 : memref<96x128xf32, #tpu.memory_space<vmem>>) offsets(%dma_start3A_45 : memref<96xi32, #tpu.memory_space<vmem>>) semaphore(%arg18 : memref<!tpu.dma_semaphore, #tpu.memory_space<semaphore_mem>>)
    %multiple_of3A_49 = arith.constant 0 : i32
    %multiple_of3A_50 = tpu.assume_multiple %multiple_of3A_49, 96 : i32
    %dma_start3A_51 = arith.constant 0 : i32
    %dma_start3A_52 = arith.constant 0 : i32
    %dma_start3A_53 = arith.constant 0 : i32
    %dma_start3A_54 = tpu.memref_slice %arg15[%dma_start3A_51, %dma_start3A_52, %dma_start3A_53] : memref<2x96x128xf32, #tpu.memory_space<vmem>> -> memref<1x96x128xf32, #tpu.memory_space<vmem>>
    %dma_start3A_55 = tpu.memref_squeeze %dma_start3A_54 : memref<1x96x128xf32, #tpu.memory_space<vmem>> -> memref<96x128xf32, #tpu.memory_space<vmem>>
    %dma_start3A_56 = tpu.memref_slice %arg11[%multiple_of3A_50] : memref<2592xi32, #tpu.memory_space<vmem>> -> memref<96xi32, #tpu.memory_space<vmem>>
    %dma_start3A_57 = arith.constant 0 : i32
    %dma_start3A_58 = arith.constant 0 : i32
    %dma_start3A_59 = tpu.memref_slice %arg4[%dma_start3A_57, %dma_start3A_58] : memref<100000x128xf32, #tpu.memory_space<hbm>> -> memref<100000x128xf32, #tpu.memory_space<hbm>>
    tpu.enqueue_indirect_dma source(%dma_start3A_59 : memref<100000x128xf32, #tpu.memory_space<hbm>>) target(%dma_start3A_55 : memref<96x128xf32, #tpu.memory_space<vmem>>) offsets(%dma_start3A_56 : memref<96xi32, #tpu.memory_space<vmem>>) semaphore(%arg19 : memref<!tpu.dma_semaphore, #tpu.memory_space<semaphore_mem>>)
    %multiple_of3A_60 = arith.constant 0 : i32
    %multiple_of3A_61 = tpu.assume_multiple %multiple_of3A_60, 96 : i32
    %dma_start3A_62 = arith.constant 0 : i32
    %dma_start3A_63 = arith.constant 0 : i32
    %dma_start3A_64 = arith.constant 0 : i32
    %dma_start3A_65 = tpu.memref_slice %arg16[%dma_start3A_62, %dma_start3A_63, %dma_start3A_64] : memref<2x96x128xf32, #tpu.memory_space<vmem>> -> memref<1x96x128xf32, #tpu.memory_space<vmem>>
    %dma_start3A_66 = tpu.memref_squeeze %dma_start3A_65 : memref<1x96x128xf32, #tpu.memory_space<vmem>> -> memref<96x128xf32, #tpu.memory_space<vmem>>
    %dma_start3A_67 = tpu.memref_slice %arg12[%multiple_of3A_61] : memref<2592xi32, #tpu.memory_space<vmem>> -> memref<96xi32, #tpu.memory_space<vmem>>
    %dma_start3A_68 = arith.constant 0 : i32
    %dma_start3A_69 = arith.constant 0 : i32
    %dma_start3A_70 = tpu.memref_slice %arg3[%dma_start3A_68, %dma_start3A_69] : memref<100000x128xf32, #tpu.memory_space<hbm>> -> memref<100000x128xf32, #tpu.memory_space<hbm>>
    tpu.enqueue_indirect_dma source(%dma_start3A_70 : memref<100000x128xf32, #tpu.memory_space<hbm>>) target(%dma_start3A_66 : memref<96x128xf32, #tpu.memory_space<vmem>>) offsets(%dma_start3A_67 : memref<96xi32, #tpu.memory_space<vmem>>) semaphore(%arg20 : memref<!tpu.dma_semaphore, #tpu.memory_space<semaphore_mem>>)
    %while3A = arith.constant 0 : i32
    %while3A_71 = arith.subi %select_n3A, %while3A : i32
    %while3A_72 = arith.addi %while3A, %while3A_71 : i32
    %while3A_73 = arith.constant 1 : i32
    %while3A_74 = arith.divsi %while3A_71, %while3A_73 : i32
    %while3A_75 = arith.muli %while3A_74, %while3A_73 : i32
    %while3A_76 = arith.addi %while3A, %while3A_75 : i32
    %while3A_77 = arith.constant 1 : i32
    scf.for %while3A_150 = %while3A to %while3A_76 step %while3A_77  : i32 {
      %rem3A_151 = arith.constant 2 : i32
      %rem3A_152 = arith.remsi %while3A_150, %rem3A_151 : i32
      %mul3A_153 = arith.constant 96 : i32
      %mul3A_154 = arith.muli %while3A_150, %mul3A_153 : i32
      %multiple_of3A_155 = tpu.assume_multiple %mul3A_154, 96 : i32
      %dma_wait3A_156 = arith.constant 0 : i32
      %dma_wait3A_157 = arith.constant 0 : i32
      %dma_wait3A_158 = tpu.memref_slice %arg13[%rem3A_152, %dma_wait3A_156, %dma_wait3A_157] : memref<2x96x128xf32, #tpu.memory_space<vmem>> -> memref<1x96x128xf32, #tpu.memory_space<vmem>>
      %dma_wait3A_159 = tpu.memref_squeeze %dma_wait3A_158 : memref<1x96x128xf32, #tpu.memory_space<vmem>> -> memref<96x128xf32, #tpu.memory_space<vmem>>
      %dma_wait3A_160 = tpu.memref_slice %arg9[%multiple_of3A_155] : memref<2592xi32, #tpu.memory_space<vmem>> -> memref<96xi32, #tpu.memory_space<vmem>>
      %dma_wait3A_161 = arith.constant 0 : i32
      %dma_wait3A_162 = arith.constant 0 : i32
      %dma_wait3A_163 = tpu.memref_slice %arg3[%dma_wait3A_161, %dma_wait3A_162] : memref<100000x128xf32, #tpu.memory_space<hbm>> -> memref<100000x128xf32, #tpu.memory_space<hbm>>
      tpu.wait_indirect_dma semaphore(%arg17 : memref<!tpu.dma_semaphore, #tpu.memory_space<semaphore_mem>>) src(%dma_wait3A_163 : memref<100000x128xf32, #tpu.memory_space<hbm>>) dst(%dma_wait3A_159 : memref<96x128xf32, #tpu.memory_space<vmem>>)
      %mul3A_164 = arith.constant 96 : i32
      %mul3A_165 = arith.muli %while3A_150, %mul3A_164 : i32
      %multiple_of3A_166 = tpu.assume_multiple %mul3A_165, 96 : i32
      %dma_wait3A_167 = arith.constant 0 : i32
      %dma_wait3A_168 = arith.constant 0 : i32
      %dma_wait3A_169 = tpu.memref_slice %arg14[%rem3A_152, %dma_wait3A_167, %dma_wait3A_168] : memref<2x96x128xf32, #tpu.memory_space<vmem>> -> memref<1x96x128xf32, #tpu.memory_space<vmem>>
      %dma_wait3A_170 = tpu.memref_squeeze %dma_wait3A_169 : memref<1x96x128xf32, #tpu.memory_space<vmem>> -> memref<96x128xf32, #tpu.memory_space<vmem>>
      %dma_wait3A_171 = tpu.memref_slice %arg10[%multiple_of3A_166] : memref<2592xi32, #tpu.memory_space<vmem>> -> memref<96xi32, #tpu.memory_space<vmem>>
      %dma_wait3A_172 = arith.constant 0 : i32
      %dma_wait3A_173 = arith.constant 0 : i32
      %dma_wait3A_174 = tpu.memref_slice %arg4[%dma_wait3A_172, %dma_wait3A_173] : memref<100000x128xf32, #tpu.memory_space<hbm>> -> memref<100000x128xf32, #tpu.memory_space<hbm>>
      tpu.wait_indirect_dma semaphore(%arg18 : memref<!tpu.dma_semaphore, #tpu.memory_space<semaphore_mem>>) src(%dma_wait3A_174 : memref<100000x128xf32, #tpu.memory_space<hbm>>) dst(%dma_wait3A_170 : memref<96x128xf32, #tpu.memory_space<vmem>>)
      %mul3A_175 = arith.constant 96 : i32
      %mul3A_176 = arith.muli %while3A_150, %mul3A_175 : i32
      %multiple_of3A_177 = tpu.assume_multiple %mul3A_176, 96 : i32
      %dma_wait3A_178 = arith.constant 0 : i32
      %dma_wait3A_179 = arith.constant 0 : i32
      %dma_wait3A_180 = tpu.memref_slice %arg15[%rem3A_152, %dma_wait3A_178, %dma_wait3A_179] : memref<2x96x128xf32, #tpu.memory_space<vmem>> -> memref<1x96x128xf32, #tpu.memory_space<vmem>>
      %dma_wait3A_181 = tpu.memref_squeeze %dma_wait3A_180 : memref<1x96x128xf32, #tpu.memory_space<vmem>> -> memref<96x128xf32, #tpu.memory_space<vmem>>
      %dma_wait3A_182 = tpu.memref_slice %arg11[%multiple_of3A_177] : memref<2592xi32, #tpu.memory_space<vmem>> -> memref<96xi32, #tpu.memory_space<vmem>>
      %dma_wait3A_183 = arith.constant 0 : i32
      %dma_wait3A_184 = arith.constant 0 : i32
      %dma_wait3A_185 = tpu.memref_slice %arg4[%dma_wait3A_183, %dma_wait3A_184] : memref<100000x128xf32, #tpu.memory_space<hbm>> -> memref<100000x128xf32, #tpu.memory_space<hbm>>
      tpu.wait_indirect_dma semaphore(%arg19 : memref<!tpu.dma_semaphore, #tpu.memory_space<semaphore_mem>>) src(%dma_wait3A_185 : memref<100000x128xf32, #tpu.memory_space<hbm>>) dst(%dma_wait3A_181 : memref<96x128xf32, #tpu.memory_space<vmem>>)
      %mul3A_186 = arith.constant 96 : i32
      %mul3A_187 = arith.muli %while3A_150, %mul3A_186 : i32
      %multiple_of3A_188 = tpu.assume_multiple %mul3A_187, 96 : i32
      %dma_wait3A_189 = arith.constant 0 : i32
      %dma_wait3A_190 = arith.constant 0 : i32
      %dma_wait3A_191 = tpu.memref_slice %arg16[%rem3A_152, %dma_wait3A_189, %dma_wait3A_190] : memref<2x96x128xf32, #tpu.memory_space<vmem>> -> memref<1x96x128xf32, #tpu.memory_space<vmem>>
      %dma_wait3A_192 = tpu.memref_squeeze %dma_wait3A_191 : memref<1x96x128xf32, #tpu.memory_space<vmem>> -> memref<96x128xf32, #tpu.memory_space<vmem>>
      %dma_wait3A_193 = tpu.memref_slice %arg12[%multiple_of3A_188] : memref<2592xi32, #tpu.memory_space<vmem>> -> memref<96xi32, #tpu.memory_space<vmem>>
      %dma_wait3A_194 = arith.constant 0 : i32
      %dma_wait3A_195 = arith.constant 0 : i32
      %dma_wait3A_196 = tpu.memref_slice %arg3[%dma_wait3A_194, %dma_wait3A_195] : memref<100000x128xf32, #tpu.memory_space<hbm>> -> memref<100000x128xf32, #tpu.memory_space<hbm>>
      tpu.wait_indirect_dma semaphore(%arg20 : memref<!tpu.dma_semaphore, #tpu.memory_space<semaphore_mem>>) src(%dma_wait3A_196 : memref<100000x128xf32, #tpu.memory_space<hbm>>) dst(%dma_wait3A_192 : memref<96x128xf32, #tpu.memory_space<vmem>>)
      %gt3A = arith.constant 0 : i32
      %gt3A_197 = arith.cmpi sgt, %while3A_150, %gt3A : i32
      %convert_element_type3A = arith.extui %gt3A_197 : i1 to i32
      %cond3A = arith.constant 0 : i32
      %cond3A_198 = arith.cmpi ne, %convert_element_type3A, %cond3A : i32
      scf.if %cond3A_198 {
        %sub3A_268 = arith.constant 1 : i32
        %sub3A_269 = arith.subi %while3A_150, %sub3A_268 : i32
        %sub3A_270 = arith.constant 1 : i32
        %sub3A_271 = arith.subi %sub3A_270, %rem3A_152 : i32
        %add3A_272 = arith.addi %select_n3A_8, %sub3A_269 : i32
        %mul3A_273 = arith.constant 96 : i32
        %mul3A_274 = arith.muli %add3A_272, %mul3A_273 : i32
        %multiple_of3A_275 = tpu.assume_multiple %mul3A_274, 96 : i32
        %dma_wait3A_276 = arith.constant 0 : i32
        %dma_wait3A_277 = arith.constant 0 : i32
        %dma_wait3A_278 = tpu.memref_slice %arg13[%sub3A_271, %dma_wait3A_276, %dma_wait3A_277] : memref<2x96x128xf32, #tpu.memory_space<vmem>> -> memref<1x96x128xf32, #tpu.memory_space<vmem>>
        %dma_wait3A_279 = tpu.memref_squeeze %dma_wait3A_278 : memref<1x96x128xf32, #tpu.memory_space<vmem>> -> memref<96x128xf32, #tpu.memory_space<vmem>>
        %dma_wait3A_280 = arith.constant 0 : i32
        %dma_wait3A_281 = tpu.memref_slice %arg5[%multiple_of3A_275, %dma_wait3A_280] : memref<61440x128xf32, #tpu.memory_space<hbm>> -> memref<96x128xf32, #tpu.memory_space<hbm>>
        %dma_wait3A_282 = arith.constant 0 : i32
        %dma_wait3A_283 = tpu.memref_slice %arg5[%multiple_of3A_275, %dma_wait3A_282] : memref<61440x128xf32, #tpu.memory_space<hbm>> -> memref<96x128xf32, #tpu.memory_space<hbm>>
        %dma_wait3A_284 = arith.constant 0 : i32
        %dma_wait3A_285 = arith.constant 0 : i32
        %dma_wait3A_286 = tpu.memref_slice %arg13[%sub3A_271, %dma_wait3A_284, %dma_wait3A_285] : memref<2x96x128xf32, #tpu.memory_space<vmem>> -> memref<1x96x128xf32, #tpu.memory_space<vmem>>
        %dma_wait3A_287 = tpu.memref_squeeze %dma_wait3A_286 : memref<1x96x128xf32, #tpu.memory_space<vmem>> -> memref<96x128xf32, #tpu.memory_space<vmem>>
        tpu.wait_dma2 semaphore(%arg21 : memref<!tpu.dma_semaphore, #tpu.memory_space<semaphore_mem>>) src(%dma_wait3A_287 : memref<96x128xf32, #tpu.memory_space<vmem>>) dst(%dma_wait3A_283 : memref<96x128xf32, #tpu.memory_space<hbm>>)
        %sub3A_288 = arith.constant 1 : i32
        %sub3A_289 = arith.subi %while3A_150, %sub3A_288 : i32
        %sub3A_290 = arith.constant 1 : i32
        %sub3A_291 = arith.subi %sub3A_290, %rem3A_152 : i32
        %add3A_292 = arith.addi %select_n3A_8, %sub3A_289 : i32
        %mul3A_293 = arith.constant 96 : i32
        %mul3A_294 = arith.muli %add3A_292, %mul3A_293 : i32
        %multiple_of3A_295 = tpu.assume_multiple %mul3A_294, 96 : i32
        %dma_wait3A_296 = arith.constant 0 : i32
        %dma_wait3A_297 = arith.constant 0 : i32
        %dma_wait3A_298 = tpu.memref_slice %arg14[%sub3A_291, %dma_wait3A_296, %dma_wait3A_297] : memref<2x96x128xf32, #tpu.memory_space<vmem>> -> memref<1x96x128xf32, #tpu.memory_space<vmem>>
        %dma_wait3A_299 = tpu.memref_squeeze %dma_wait3A_298 : memref<1x96x128xf32, #tpu.memory_space<vmem>> -> memref<96x128xf32, #tpu.memory_space<vmem>>
        %dma_wait3A_300 = arith.constant 0 : i32
        %dma_wait3A_301 = tpu.memref_slice %arg6[%multiple_of3A_295, %dma_wait3A_300] : memref<61440x128xf32, #tpu.memory_space<hbm>> -> memref<96x128xf32, #tpu.memory_space<hbm>>
        %dma_wait3A_302 = arith.constant 0 : i32
        %dma_wait3A_303 = tpu.memref_slice %arg6[%multiple_of3A_295, %dma_wait3A_302] : memref<61440x128xf32, #tpu.memory_space<hbm>> -> memref<96x128xf32, #tpu.memory_space<hbm>>
        %dma_wait3A_304 = arith.constant 0 : i32
        %dma_wait3A_305 = arith.constant 0 : i32
        %dma_wait3A_306 = tpu.memref_slice %arg14[%sub3A_291, %dma_wait3A_304, %dma_wait3A_305] : memref<2x96x128xf32, #tpu.memory_space<vmem>> -> memref<1x96x128xf32, #tpu.memory_space<vmem>>
        %dma_wait3A_307 = tpu.memref_squeeze %dma_wait3A_306 : memref<1x96x128xf32, #tpu.memory_space<vmem>> -> memref<96x128xf32, #tpu.memory_space<vmem>>
        tpu.wait_dma2 semaphore(%arg22 : memref<!tpu.dma_semaphore, #tpu.memory_space<semaphore_mem>>) src(%dma_wait3A_307 : memref<96x128xf32, #tpu.memory_space<vmem>>) dst(%dma_wait3A_303 : memref<96x128xf32, #tpu.memory_space<hbm>>)
        %sub3A_308 = arith.constant 1 : i32
        %sub3A_309 = arith.subi %while3A_150, %sub3A_308 : i32
        %sub3A_310 = arith.constant 1 : i32
        %sub3A_311 = arith.subi %sub3A_310, %rem3A_152 : i32
        %add3A_312 = arith.addi %select_n3A_8, %sub3A_309 : i32
        %mul3A_313 = arith.constant 96 : i32
        %mul3A_314 = arith.muli %add3A_312, %mul3A_313 : i32
        %multiple_of3A_315 = tpu.assume_multiple %mul3A_314, 96 : i32
        %dma_wait3A_316 = arith.constant 0 : i32
        %dma_wait3A_317 = arith.constant 0 : i32
        %dma_wait3A_318 = tpu.memref_slice %arg15[%sub3A_311, %dma_wait3A_316, %dma_wait3A_317] : memref<2x96x128xf32, #tpu.memory_space<vmem>> -> memref<1x96x128xf32, #tpu.memory_space<vmem>>
        %dma_wait3A_319 = tpu.memref_squeeze %dma_wait3A_318 : memref<1x96x128xf32, #tpu.memory_space<vmem>> -> memref<96x128xf32, #tpu.memory_space<vmem>>
        %dma_wait3A_320 = arith.constant 0 : i32
        %dma_wait3A_321 = tpu.memref_slice %arg7[%multiple_of3A_315, %dma_wait3A_320] : memref<61440x128xf32, #tpu.memory_space<hbm>> -> memref<96x128xf32, #tpu.memory_space<hbm>>
        %dma_wait3A_322 = arith.constant 0 : i32
        %dma_wait3A_323 = tpu.memref_slice %arg7[%multiple_of3A_315, %dma_wait3A_322] : memref<61440x128xf32, #tpu.memory_space<hbm>> -> memref<96x128xf32, #tpu.memory_space<hbm>>
        %dma_wait3A_324 = arith.constant 0 : i32
        %dma_wait3A_325 = arith.constant 0 : i32
        %dma_wait3A_326 = tpu.memref_slice %arg15[%sub3A_311, %dma_wait3A_324, %dma_wait3A_325] : memref<2x96x128xf32, #tpu.memory_space<vmem>> -> memref<1x96x128xf32, #tpu.memory_space<vmem>>
        %dma_wait3A_327 = tpu.memref_squeeze %dma_wait3A_326 : memref<1x96x128xf32, #tpu.memory_space<vmem>> -> memref<96x128xf32, #tpu.memory_space<vmem>>
        tpu.wait_dma2 semaphore(%arg23 : memref<!tpu.dma_semaphore, #tpu.memory_space<semaphore_mem>>) src(%dma_wait3A_327 : memref<96x128xf32, #tpu.memory_space<vmem>>) dst(%dma_wait3A_323 : memref<96x128xf32, #tpu.memory_space<hbm>>)
        %sub3A_328 = arith.constant 1 : i32
        %sub3A_329 = arith.subi %while3A_150, %sub3A_328 : i32
        %sub3A_330 = arith.constant 1 : i32
        %sub3A_331 = arith.subi %sub3A_330, %rem3A_152 : i32
        %add3A_332 = arith.addi %select_n3A_8, %sub3A_329 : i32
        %mul3A_333 = arith.constant 96 : i32
        %mul3A_334 = arith.muli %add3A_332, %mul3A_333 : i32
        %multiple_of3A_335 = tpu.assume_multiple %mul3A_334, 96 : i32
        %dma_wait3A_336 = arith.constant 0 : i32
        %dma_wait3A_337 = arith.constant 0 : i32
        %dma_wait3A_338 = tpu.memref_slice %arg16[%sub3A_331, %dma_wait3A_336, %dma_wait3A_337] : memref<2x96x128xf32, #tpu.memory_space<vmem>> -> memref<1x96x128xf32, #tpu.memory_space<vmem>>
        %dma_wait3A_339 = tpu.memref_squeeze %dma_wait3A_338 : memref<1x96x128xf32, #tpu.memory_space<vmem>> -> memref<96x128xf32, #tpu.memory_space<vmem>>
        %dma_wait3A_340 = arith.constant 0 : i32
        %dma_wait3A_341 = tpu.memref_slice %arg8[%multiple_of3A_335, %dma_wait3A_340] : memref<61440x128xf32, #tpu.memory_space<hbm>> -> memref<96x128xf32, #tpu.memory_space<hbm>>
        %dma_wait3A_342 = arith.constant 0 : i32
        %dma_wait3A_343 = tpu.memref_slice %arg8[%multiple_of3A_335, %dma_wait3A_342] : memref<61440x128xf32, #tpu.memory_space<hbm>> -> memref<96x128xf32, #tpu.memory_space<hbm>>
        %dma_wait3A_344 = arith.constant 0 : i32
        %dma_wait3A_345 = arith.constant 0 : i32
        %dma_wait3A_346 = tpu.memref_slice %arg16[%sub3A_331, %dma_wait3A_344, %dma_wait3A_345] : memref<2x96x128xf32, #tpu.memory_space<vmem>> -> memref<1x96x128xf32, #tpu.memory_space<vmem>>
        %dma_wait3A_347 = tpu.memref_squeeze %dma_wait3A_346 : memref<1x96x128xf32, #tpu.memory_space<vmem>> -> memref<96x128xf32, #tpu.memory_space<vmem>>
        tpu.wait_dma2 semaphore(%arg24 : memref<!tpu.dma_semaphore, #tpu.memory_space<semaphore_mem>>) src(%dma_wait3A_347 : memref<96x128xf32, #tpu.memory_space<vmem>>) dst(%dma_wait3A_343 : memref<96x128xf32, #tpu.memory_space<hbm>>)
      } else {
      }
      %add3A_199 = arith.constant 1 : i32
      %add3A_200 = arith.addi %while3A_150, %add3A_199 : i32
      %lt3A = arith.cmpi slt, %add3A_200, %select_n3A : i32
      %convert_element_type3A_201 = arith.extui %lt3A : i1 to i32
      %cond3A_202 = arith.constant 0 : i32
      %cond3A_203 = arith.cmpi ne, %convert_element_type3A_201, %cond3A_202 : i32
      scf.if %cond3A_203 {
        %add3A_268 = arith.constant 1 : i32
        %add3A_269 = arith.addi %while3A_150, %add3A_268 : i32
        %sub3A_270 = arith.constant 1 : i32
        %sub3A_271 = arith.subi %sub3A_270, %rem3A_152 : i32
        %mul3A_272 = arith.constant 96 : i32
        %mul3A_273 = arith.muli %add3A_269, %mul3A_272 : i32
        %multiple_of3A_274 = tpu.assume_multiple %mul3A_273, 96 : i32
        %dma_start3A_275 = arith.constant 0 : i32
        %dma_start3A_276 = arith.constant 0 : i32
        %dma_start3A_277 = tpu.memref_slice %arg13[%sub3A_271, %dma_start3A_275, %dma_start3A_276] : memref<2x96x128xf32, #tpu.memory_space<vmem>> -> memref<1x96x128xf32, #tpu.memory_space<vmem>>
        %dma_start3A_278 = tpu.memref_squeeze %dma_start3A_277 : memref<1x96x128xf32, #tpu.memory_space<vmem>> -> memref<96x128xf32, #tpu.memory_space<vmem>>
        %dma_start3A_279 = tpu.memref_slice %arg9[%multiple_of3A_274] : memref<2592xi32, #tpu.memory_space<vmem>> -> memref<96xi32, #tpu.memory_space<vmem>>
        %dma_start3A_280 = arith.constant 0 : i32
        %dma_start3A_281 = arith.constant 0 : i32
        %dma_start3A_282 = tpu.memref_slice %arg3[%dma_start3A_280, %dma_start3A_281] : memref<100000x128xf32, #tpu.memory_space<hbm>> -> memref<100000x128xf32, #tpu.memory_space<hbm>>
        tpu.enqueue_indirect_dma source(%dma_start3A_282 : memref<100000x128xf32, #tpu.memory_space<hbm>>) target(%dma_start3A_278 : memref<96x128xf32, #tpu.memory_space<vmem>>) offsets(%dma_start3A_279 : memref<96xi32, #tpu.memory_space<vmem>>) semaphore(%arg17 : memref<!tpu.dma_semaphore, #tpu.memory_space<semaphore_mem>>)
        %add3A_283 = arith.constant 1 : i32
        %add3A_284 = arith.addi %while3A_150, %add3A_283 : i32
        %sub3A_285 = arith.constant 1 : i32
        %sub3A_286 = arith.subi %sub3A_285, %rem3A_152 : i32
        %mul3A_287 = arith.constant 96 : i32
        %mul3A_288 = arith.muli %add3A_284, %mul3A_287 : i32
        %multiple_of3A_289 = tpu.assume_multiple %mul3A_288, 96 : i32
        %dma_start3A_290 = arith.constant 0 : i32
        %dma_start3A_291 = arith.constant 0 : i32
        %dma_start3A_292 = tpu.memref_slice %arg14[%sub3A_286, %dma_start3A_290, %dma_start3A_291] : memref<2x96x128xf32, #tpu.memory_space<vmem>> -> memref<1x96x128xf32, #tpu.memory_space<vmem>>
        %dma_start3A_293 = tpu.memref_squeeze %dma_start3A_292 : memref<1x96x128xf32, #tpu.memory_space<vmem>> -> memref<96x128xf32, #tpu.memory_space<vmem>>
        %dma_start3A_294 = tpu.memref_slice %arg10[%multiple_of3A_289] : memref<2592xi32, #tpu.memory_space<vmem>> -> memref<96xi32, #tpu.memory_space<vmem>>
        %dma_start3A_295 = arith.constant 0 : i32
        %dma_start3A_296 = arith.constant 0 : i32
        %dma_start3A_297 = tpu.memref_slice %arg4[%dma_start3A_295, %dma_start3A_296] : memref<100000x128xf32, #tpu.memory_space<hbm>> -> memref<100000x128xf32, #tpu.memory_space<hbm>>
        tpu.enqueue_indirect_dma source(%dma_start3A_297 : memref<100000x128xf32, #tpu.memory_space<hbm>>) target(%dma_start3A_293 : memref<96x128xf32, #tpu.memory_space<vmem>>) offsets(%dma_start3A_294 : memref<96xi32, #tpu.memory_space<vmem>>) semaphore(%arg18 : memref<!tpu.dma_semaphore, #tpu.memory_space<semaphore_mem>>)
        %add3A_298 = arith.constant 1 : i32
        %add3A_299 = arith.addi %while3A_150, %add3A_298 : i32
        %sub3A_300 = arith.constant 1 : i32
        %sub3A_301 = arith.subi %sub3A_300, %rem3A_152 : i32
        %mul3A_302 = arith.constant 96 : i32
        %mul3A_303 = arith.muli %add3A_299, %mul3A_302 : i32
        %multiple_of3A_304 = tpu.assume_multiple %mul3A_303, 96 : i32
        %dma_start3A_305 = arith.constant 0 : i32
        %dma_start3A_306 = arith.constant 0 : i32
        %dma_start3A_307 = tpu.memref_slice %arg15[%sub3A_301, %dma_start3A_305, %dma_start3A_306] : memref<2x96x128xf32, #tpu.memory_space<vmem>> -> memref<1x96x128xf32, #tpu.memory_space<vmem>>
        %dma_start3A_308 = tpu.memref_squeeze %dma_start3A_307 : memref<1x96x128xf32, #tpu.memory_space<vmem>> -> memref<96x128xf32, #tpu.memory_space<vmem>>
        %dma_start3A_309 = tpu.memref_slice %arg11[%multiple_of3A_304] : memref<2592xi32, #tpu.memory_space<vmem>> -> memref<96xi32, #tpu.memory_space<vmem>>
        %dma_start3A_310 = arith.constant 0 : i32
        %dma_start3A_311 = arith.constant 0 : i32
        %dma_start3A_312 = tpu.memref_slice %arg4[%dma_start3A_310, %dma_start3A_311] : memref<100000x128xf32, #tpu.memory_space<hbm>> -> memref<100000x128xf32, #tpu.memory_space<hbm>>
        tpu.enqueue_indirect_dma source(%dma_start3A_312 : memref<100000x128xf32, #tpu.memory_space<hbm>>) target(%dma_start3A_308 : memref<96x128xf32, #tpu.memory_space<vmem>>) offsets(%dma_start3A_309 : memref<96xi32, #tpu.memory_space<vmem>>) semaphore(%arg19 : memref<!tpu.dma_semaphore, #tpu.memory_space<semaphore_mem>>)
        %add3A_313 = arith.constant 1 : i32
        %add3A_314 = arith.addi %while3A_150, %add3A_313 : i32
        %sub3A_315 = arith.constant 1 : i32
        %sub3A_316 = arith.subi %sub3A_315, %rem3A_152 : i32
        %mul3A_317 = arith.constant 96 : i32
        %mul3A_318 = arith.muli %add3A_314, %mul3A_317 : i32
        %multiple_of3A_319 = tpu.assume_multiple %mul3A_318, 96 : i32
        %dma_start3A_320 = arith.constant 0 : i32
        %dma_start3A_321 = arith.constant 0 : i32
        %dma_start3A_322 = tpu.memref_slice %arg16[%sub3A_316, %dma_start3A_320, %dma_start3A_321] : memref<2x96x128xf32, #tpu.memory_space<vmem>> -> memref<1x96x128xf32, #tpu.memory_space<vmem>>
        %dma_start3A_323 = tpu.memref_squeeze %dma_start3A_322 : memref<1x96x128xf32, #tpu.memory_space<vmem>> -> memref<96x128xf32, #tpu.memory_space<vmem>>
        %dma_start3A_324 = tpu.memref_slice %arg12[%multiple_of3A_319] : memref<2592xi32, #tpu.memory_space<vmem>> -> memref<96xi32, #tpu.memory_space<vmem>>
        %dma_start3A_325 = arith.constant 0 : i32
        %dma_start3A_326 = arith.constant 0 : i32
        %dma_start3A_327 = tpu.memref_slice %arg3[%dma_start3A_325, %dma_start3A_326] : memref<100000x128xf32, #tpu.memory_space<hbm>> -> memref<100000x128xf32, #tpu.memory_space<hbm>>
        tpu.enqueue_indirect_dma source(%dma_start3A_327 : memref<100000x128xf32, #tpu.memory_space<hbm>>) target(%dma_start3A_323 : memref<96x128xf32, #tpu.memory_space<vmem>>) offsets(%dma_start3A_324 : memref<96xi32, #tpu.memory_space<vmem>>) semaphore(%arg20 : memref<!tpu.dma_semaphore, #tpu.memory_space<semaphore_mem>>)
      } else {
      }
      %add3A_204 = arith.addi %select_n3A_8, %while3A_150 : i32
      %mul3A_205 = arith.constant 96 : i32
      %mul3A_206 = arith.muli %add3A_204, %mul3A_205 : i32
      %multiple_of3A_207 = tpu.assume_multiple %mul3A_206, 96 : i32
      %dma_start3A_208 = arith.constant 0 : i32
      %dma_start3A_209 = arith.constant 0 : i32
      %dma_start3A_210 = tpu.memref_slice %arg13[%rem3A_152, %dma_start3A_208, %dma_start3A_209] : memref<2x96x128xf32, #tpu.memory_space<vmem>> -> memref<1x96x128xf32, #tpu.memory_space<vmem>>
      %dma_start3A_211 = tpu.memref_squeeze %dma_start3A_210 : memref<1x96x128xf32, #tpu.memory_space<vmem>> -> memref<96x128xf32, #tpu.memory_space<vmem>>
      %dma_start3A_212 = arith.constant 0 : i32
      %dma_start3A_213 = tpu.memref_slice %arg5[%multiple_of3A_207, %dma_start3A_212] : memref<61440x128xf32, #tpu.memory_space<hbm>> -> memref<96x128xf32, #tpu.memory_space<hbm>>
      %dma_start3A_214 = arith.constant 0 : i32
      %dma_start3A_215 = tpu.memref_slice %arg5[%multiple_of3A_207, %dma_start3A_214] : memref<61440x128xf32, #tpu.memory_space<hbm>> -> memref<96x128xf32, #tpu.memory_space<hbm>>
      %dma_start3A_216 = arith.constant 0 : i32
      %dma_start3A_217 = arith.constant 0 : i32
      %dma_start3A_218 = tpu.memref_slice %arg13[%rem3A_152, %dma_start3A_216, %dma_start3A_217] : memref<2x96x128xf32, #tpu.memory_space<vmem>> -> memref<1x96x128xf32, #tpu.memory_space<vmem>>
      %dma_start3A_219 = tpu.memref_squeeze %dma_start3A_218 : memref<1x96x128xf32, #tpu.memory_space<vmem>> -> memref<96x128xf32, #tpu.memory_space<vmem>>
      tpu.enqueue_dma source(%dma_start3A_219 : memref<96x128xf32, #tpu.memory_space<vmem>>) target(%dma_start3A_215 : memref<96x128xf32, #tpu.memory_space<hbm>>) target_semaphore(%arg21 : memref<!tpu.dma_semaphore, #tpu.memory_space<semaphore_mem>>)
      %add3A_220 = arith.addi %select_n3A_8, %while3A_150 : i32
      %mul3A_221 = arith.constant 96 : i32
      %mul3A_222 = arith.muli %add3A_220, %mul3A_221 : i32
      %multiple_of3A_223 = tpu.assume_multiple %mul3A_222, 96 : i32
      %dma_start3A_224 = arith.constant 0 : i32
      %dma_start3A_225 = arith.constant 0 : i32
      %dma_start3A_226 = tpu.memref_slice %arg14[%rem3A_152, %dma_start3A_224, %dma_start3A_225] : memref<2x96x128xf32, #tpu.memory_space<vmem>> -> memref<1x96x128xf32, #tpu.memory_space<vmem>>
      %dma_start3A_227 = tpu.memref_squeeze %dma_start3A_226 : memref<1x96x128xf32, #tpu.memory_space<vmem>> -> memref<96x128xf32, #tpu.memory_space<vmem>>
      %dma_start3A_228 = arith.constant 0 : i32
      %dma_start3A_229 = tpu.memref_slice %arg6[%multiple_of3A_223, %dma_start3A_228] : memref<61440x128xf32, #tpu.memory_space<hbm>> -> memref<96x128xf32, #tpu.memory_space<hbm>>
      %dma_start3A_230 = arith.constant 0 : i32
      %dma_start3A_231 = tpu.memref_slice %arg6[%multiple_of3A_223, %dma_start3A_230] : memref<61440x128xf32, #tpu.memory_space<hbm>> -> memref<96x128xf32, #tpu.memory_space<hbm>>
      %dma_start3A_232 = arith.constant 0 : i32
      %dma_start3A_233 = arith.constant 0 : i32
      %dma_start3A_234 = tpu.memref_slice %arg14[%rem3A_152, %dma_start3A_232, %dma_start3A_233] : memref<2x96x128xf32, #tpu.memory_space<vmem>> -> memref<1x96x128xf32, #tpu.memory_space<vmem>>
      %dma_start3A_235 = tpu.memref_squeeze %dma_start3A_234 : memref<1x96x128xf32, #tpu.memory_space<vmem>> -> memref<96x128xf32, #tpu.memory_space<vmem>>
      tpu.enqueue_dma source(%dma_start3A_235 : memref<96x128xf32, #tpu.memory_space<vmem>>) target(%dma_start3A_231 : memref<96x128xf32, #tpu.memory_space<hbm>>) target_semaphore(%arg22 : memref<!tpu.dma_semaphore, #tpu.memory_space<semaphore_mem>>)
      %add3A_236 = arith.addi %select_n3A_8, %while3A_150 : i32
      %mul3A_237 = arith.constant 96 : i32
      %mul3A_238 = arith.muli %add3A_236, %mul3A_237 : i32
      %multiple_of3A_239 = tpu.assume_multiple %mul3A_238, 96 : i32
      %dma_start3A_240 = arith.constant 0 : i32
      %dma_start3A_241 = arith.constant 0 : i32
      %dma_start3A_242 = tpu.memref_slice %arg15[%rem3A_152, %dma_start3A_240, %dma_start3A_241] : memref<2x96x128xf32, #tpu.memory_space<vmem>> -> memref<1x96x128xf32, #tpu.memory_space<vmem>>
      %dma_start3A_243 = tpu.memref_squeeze %dma_start3A_242 : memref<1x96x128xf32, #tpu.memory_space<vmem>> -> memref<96x128xf32, #tpu.memory_space<vmem>>
      %dma_start3A_244 = arith.constant 0 : i32
      %dma_start3A_245 = tpu.memref_slice %arg7[%multiple_of3A_239, %dma_start3A_244] : memref<61440x128xf32, #tpu.memory_space<hbm>> -> memref<96x128xf32, #tpu.memory_space<hbm>>
      %dma_start3A_246 = arith.constant 0 : i32
      %dma_start3A_247 = tpu.memref_slice %arg7[%multiple_of3A_239, %dma_start3A_246] : memref<61440x128xf32, #tpu.memory_space<hbm>> -> memref<96x128xf32, #tpu.memory_space<hbm>>
      %dma_start3A_248 = arith.constant 0 : i32
      %dma_start3A_249 = arith.constant 0 : i32
      %dma_start3A_250 = tpu.memref_slice %arg15[%rem3A_152, %dma_start3A_248, %dma_start3A_249] : memref<2x96x128xf32, #tpu.memory_space<vmem>> -> memref<1x96x128xf32, #tpu.memory_space<vmem>>
      %dma_start3A_251 = tpu.memref_squeeze %dma_start3A_250 : memref<1x96x128xf32, #tpu.memory_space<vmem>> -> memref<96x128xf32, #tpu.memory_space<vmem>>
      tpu.enqueue_dma source(%dma_start3A_251 : memref<96x128xf32, #tpu.memory_space<vmem>>) target(%dma_start3A_247 : memref<96x128xf32, #tpu.memory_space<hbm>>) target_semaphore(%arg23 : memref<!tpu.dma_semaphore, #tpu.memory_space<semaphore_mem>>)
      %add3A_252 = arith.addi %select_n3A_8, %while3A_150 : i32
      %mul3A_253 = arith.constant 96 : i32
      %mul3A_254 = arith.muli %add3A_252, %mul3A_253 : i32
      %multiple_of3A_255 = tpu.assume_multiple %mul3A_254, 96 : i32
      %dma_start3A_256 = arith.constant 0 : i32
      %dma_start3A_257 = arith.constant 0 : i32
      %dma_start3A_258 = tpu.memref_slice %arg16[%rem3A_152, %dma_start3A_256, %dma_start3A_257] : memref<2x96x128xf32, #tpu.memory_space<vmem>> -> memref<1x96x128xf32, #tpu.memory_space<vmem>>
      %dma_start3A_259 = tpu.memref_squeeze %dma_start3A_258 : memref<1x96x128xf32, #tpu.memory_space<vmem>> -> memref<96x128xf32, #tpu.memory_space<vmem>>
      %dma_start3A_260 = arith.constant 0 : i32
      %dma_start3A_261 = tpu.memref_slice %arg8[%multiple_of3A_255, %dma_start3A_260] : memref<61440x128xf32, #tpu.memory_space<hbm>> -> memref<96x128xf32, #tpu.memory_space<hbm>>
      %dma_start3A_262 = arith.constant 0 : i32
      %dma_start3A_263 = tpu.memref_slice %arg8[%multiple_of3A_255, %dma_start3A_262] : memref<61440x128xf32, #tpu.memory_space<hbm>> -> memref<96x128xf32, #tpu.memory_space<hbm>>
      %dma_start3A_264 = arith.constant 0 : i32
      %dma_start3A_265 = arith.constant 0 : i32
      %dma_start3A_266 = tpu.memref_slice %arg16[%rem3A_152, %dma_start3A_264, %dma_start3A_265] : memref<2x96x128xf32, #tpu.memory_space<vmem>> -> memref<1x96x128xf32, #tpu.memory_space<vmem>>
      %dma_start3A_267 = tpu.memref_squeeze %dma_start3A_266 : memref<1x96x128xf32, #tpu.memory_space<vmem>> -> memref<96x128xf32, #tpu.memory_space<vmem>>
      tpu.enqueue_dma source(%dma_start3A_267 : memref<96x128xf32, #tpu.memory_space<vmem>>) target(%dma_start3A_263 : memref<96x128xf32, #tpu.memory_space<hbm>>) target_semaphore(%arg24 : memref<!tpu.dma_semaphore, #tpu.memory_space<semaphore_mem>>)
    }
    %while3A_78 = arith.constant 1 : i32
    scf.for %while3A_150 = %while3A_76 to %while3A_72 step %while3A_78  : i32 {
      %rem3A_151 = arith.constant 2 : i32
      %rem3A_152 = arith.remsi %while3A_150, %rem3A_151 : i32
      %mul3A_153 = arith.constant 96 : i32
      %mul3A_154 = arith.muli %while3A_150, %mul3A_153 : i32
      %multiple_of3A_155 = tpu.assume_multiple %mul3A_154, 96 : i32
      %dma_wait3A_156 = arith.constant 0 : i32
      %dma_wait3A_157 = arith.constant 0 : i32
      %dma_wait3A_158 = tpu.memref_slice %arg13[%rem3A_152, %dma_wait3A_156, %dma_wait3A_157] : memref<2x96x128xf32, #tpu.memory_space<vmem>> -> memref<1x96x128xf32, #tpu.memory_space<vmem>>
      %dma_wait3A_159 = tpu.memref_squeeze %dma_wait3A_158 : memref<1x96x128xf32, #tpu.memory_space<vmem>> -> memref<96x128xf32, #tpu.memory_space<vmem>>
      %dma_wait3A_160 = tpu.memref_slice %arg9[%multiple_of3A_155] : memref<2592xi32, #tpu.memory_space<vmem>> -> memref<96xi32, #tpu.memory_space<vmem>>
      %dma_wait3A_161 = arith.constant 0 : i32
      %dma_wait3A_162 = arith.constant 0 : i32
      %dma_wait3A_163 = tpu.memref_slice %arg3[%dma_wait3A_161, %dma_wait3A_162] : memref<100000x128xf32, #tpu.memory_space<hbm>> -> memref<100000x128xf32, #tpu.memory_space<hbm>>
      tpu.wait_indirect_dma semaphore(%arg17 : memref<!tpu.dma_semaphore, #tpu.memory_space<semaphore_mem>>) src(%dma_wait3A_163 : memref<100000x128xf32, #tpu.memory_space<hbm>>) dst(%dma_wait3A_159 : memref<96x128xf32, #tpu.memory_space<vmem>>)
      %mul3A_164 = arith.constant 96 : i32
      %mul3A_165 = arith.muli %while3A_150, %mul3A_164 : i32
      %multiple_of3A_166 = tpu.assume_multiple %mul3A_165, 96 : i32
      %dma_wait3A_167 = arith.constant 0 : i32
      %dma_wait3A_168 = arith.constant 0 : i32
      %dma_wait3A_169 = tpu.memref_slice %arg14[%rem3A_152, %dma_wait3A_167, %dma_wait3A_168] : memref<2x96x128xf32, #tpu.memory_space<vmem>> -> memref<1x96x128xf32, #tpu.memory_space<vmem>>
      %dma_wait3A_170 = tpu.memref_squeeze %dma_wait3A_169 : memref<1x96x128xf32, #tpu.memory_space<vmem>> -> memref<96x128xf32, #tpu.memory_space<vmem>>
      %dma_wait3A_171 = tpu.memref_slice %arg10[%multiple_of3A_166] : memref<2592xi32, #tpu.memory_space<vmem>> -> memref<96xi32, #tpu.memory_space<vmem>>
      %dma_wait3A_172 = arith.constant 0 : i32
      %dma_wait3A_173 = arith.constant 0 : i32
      %dma_wait3A_174 = tpu.memref_slice %arg4[%dma_wait3A_172, %dma_wait3A_173] : memref<100000x128xf32, #tpu.memory_space<hbm>> -> memref<100000x128xf32, #tpu.memory_space<hbm>>
      tpu.wait_indirect_dma semaphore(%arg18 : memref<!tpu.dma_semaphore, #tpu.memory_space<semaphore_mem>>) src(%dma_wait3A_174 : memref<100000x128xf32, #tpu.memory_space<hbm>>) dst(%dma_wait3A_170 : memref<96x128xf32, #tpu.memory_space<vmem>>)
      %mul3A_175 = arith.constant 96 : i32
      %mul3A_176 = arith.muli %while3A_150, %mul3A_175 : i32
      %multiple_of3A_177 = tpu.assume_multiple %mul3A_176, 96 : i32
      %dma_wait3A_178 = arith.constant 0 : i32
      %dma_wait3A_179 = arith.constant 0 : i32
      %dma_wait3A_180 = tpu.memref_slice %arg15[%rem3A_152, %dma_wait3A_178, %dma_wait3A_179] : memref<2x96x128xf32, #tpu.memory_space<vmem>> -> memref<1x96x128xf32, #tpu.memory_space<vmem>>
      %dma_wait3A_181 = tpu.memref_squeeze %dma_wait3A_180 : memref<1x96x128xf32, #tpu.memory_space<vmem>> -> memref<96x128xf32, #tpu.memory_space<vmem>>
      %dma_wait3A_182 = tpu.memref_slice %arg11[%multiple_of3A_177] : memref<2592xi32, #tpu.memory_space<vmem>> -> memref<96xi32, #tpu.memory_space<vmem>>
      %dma_wait3A_183 = arith.constant 0 : i32
      %dma_wait3A_184 = arith.constant 0 : i32
      %dma_wait3A_185 = tpu.memref_slice %arg4[%dma_wait3A_183, %dma_wait3A_184] : memref<100000x128xf32, #tpu.memory_space<hbm>> -> memref<100000x128xf32, #tpu.memory_space<hbm>>
      tpu.wait_indirect_dma semaphore(%arg19 : memref<!tpu.dma_semaphore, #tpu.memory_space<semaphore_mem>>) src(%dma_wait3A_185 : memref<100000x128xf32, #tpu.memory_space<hbm>>) dst(%dma_wait3A_181 : memref<96x128xf32, #tpu.memory_space<vmem>>)
      %mul3A_186 = arith.constant 96 : i32
      %mul3A_187 = arith.muli %while3A_150, %mul3A_186 : i32
      %multiple_of3A_188 = tpu.assume_multiple %mul3A_187, 96 : i32
      %dma_wait3A_189 = arith.constant 0 : i32
      %dma_wait3A_190 = arith.constant 0 : i32
      %dma_wait3A_191 = tpu.memref_slice %arg16[%rem3A_152, %dma_wait3A_189, %dma_wait3A_190] : memref<2x96x128xf32, #tpu.memory_space<vmem>> -> memref<1x96x128xf32, #tpu.memory_space<vmem>>
      %dma_wait3A_192 = tpu.memref_squeeze %dma_wait3A_191 : memref<1x96x128xf32, #tpu.memory_space<vmem>> -> memref<96x128xf32, #tpu.memory_space<vmem>>
      %dma_wait3A_193 = tpu.memref_slice %arg12[%multiple_of3A_188] : memref<2592xi32, #tpu.memory_space<vmem>> -> memref<96xi32, #tpu.memory_space<vmem>>
      %dma_wait3A_194 = arith.constant 0 : i32
      %dma_wait3A_195 = arith.constant 0 : i32
      %dma_wait3A_196 = tpu.memref_slice %arg3[%dma_wait3A_194, %dma_wait3A_195] : memref<100000x128xf32, #tpu.memory_space<hbm>> -> memref<100000x128xf32, #tpu.memory_space<hbm>>
      tpu.wait_indirect_dma semaphore(%arg20 : memref<!tpu.dma_semaphore, #tpu.memory_space<semaphore_mem>>) src(%dma_wait3A_196 : memref<100000x128xf32, #tpu.memory_space<hbm>>) dst(%dma_wait3A_192 : memref<96x128xf32, #tpu.memory_space<vmem>>)
      %gt3A = arith.constant 0 : i32
      %gt3A_197 = arith.cmpi sgt, %while3A_150, %gt3A : i32
      %convert_element_type3A = arith.extui %gt3A_197 : i1 to i32
      %cond3A = arith.constant 0 : i32
      %cond3A_198 = arith.cmpi ne, %convert_element_type3A, %cond3A : i32
      scf.if %cond3A_198 {
        %sub3A_268 = arith.constant 1 : i32
        %sub3A_269 = arith.subi %while3A_150, %sub3A_268 : i32
        %sub3A_270 = arith.constant 1 : i32
        %sub3A_271 = arith.subi %sub3A_270, %rem3A_152 : i32
        %add3A_272 = arith.addi %select_n3A_8, %sub3A_269 : i32
        %mul3A_273 = arith.constant 96 : i32
        %mul3A_274 = arith.muli %add3A_272, %mul3A_273 : i32
        %multiple_of3A_275 = tpu.assume_multiple %mul3A_274, 96 : i32
        %dma_wait3A_276 = arith.constant 0 : i32
        %dma_wait3A_277 = arith.constant 0 : i32
        %dma_wait3A_278 = tpu.memref_slice %arg13[%sub3A_271, %dma_wait3A_276, %dma_wait3A_277] : memref<2x96x128xf32, #tpu.memory_space<vmem>> -> memref<1x96x128xf32, #tpu.memory_space<vmem>>
        %dma_wait3A_279 = tpu.memref_squeeze %dma_wait3A_278 : memref<1x96x128xf32, #tpu.memory_space<vmem>> -> memref<96x128xf32, #tpu.memory_space<vmem>>
        %dma_wait3A_280 = arith.constant 0 : i32
        %dma_wait3A_281 = tpu.memref_slice %arg5[%multiple_of3A_275, %dma_wait3A_280] : memref<61440x128xf32, #tpu.memory_space<hbm>> -> memref<96x128xf32, #tpu.memory_space<hbm>>
        %dma_wait3A_282 = arith.constant 0 : i32
        %dma_wait3A_283 = tpu.memref_slice %arg5[%multiple_of3A_275, %dma_wait3A_282] : memref<61440x128xf32, #tpu.memory_space<hbm>> -> memref<96x128xf32, #tpu.memory_space<hbm>>
        %dma_wait3A_284 = arith.constant 0 : i32
        %dma_wait3A_285 = arith.constant 0 : i32
        %dma_wait3A_286 = tpu.memref_slice %arg13[%sub3A_271, %dma_wait3A_284, %dma_wait3A_285] : memref<2x96x128xf32, #tpu.memory_space<vmem>> -> memref<1x96x128xf32, #tpu.memory_space<vmem>>
        %dma_wait3A_287 = tpu.memref_squeeze %dma_wait3A_286 : memref<1x96x128xf32, #tpu.memory_space<vmem>> -> memref<96x128xf32, #tpu.memory_space<vmem>>
        tpu.wait_dma2 semaphore(%arg21 : memref<!tpu.dma_semaphore, #tpu.memory_space<semaphore_mem>>) src(%dma_wait3A_287 : memref<96x128xf32, #tpu.memory_space<vmem>>) dst(%dma_wait3A_283 : memref<96x128xf32, #tpu.memory_space<hbm>>)
        %sub3A_288 = arith.constant 1 : i32
        %sub3A_289 = arith.subi %while3A_150, %sub3A_288 : i32
        %sub3A_290 = arith.constant 1 : i32
        %sub3A_291 = arith.subi %sub3A_290, %rem3A_152 : i32
        %add3A_292 = arith.addi %select_n3A_8, %sub3A_289 : i32
        %mul3A_293 = arith.constant 96 : i32
        %mul3A_294 = arith.muli %add3A_292, %mul3A_293 : i32
        %multiple_of3A_295 = tpu.assume_multiple %mul3A_294, 96 : i32
        %dma_wait3A_296 = arith.constant 0 : i32
        %dma_wait3A_297 = arith.constant 0 : i32
        %dma_wait3A_298 = tpu.memref_slice %arg14[%sub3A_291, %dma_wait3A_296, %dma_wait3A_297] : memref<2x96x128xf32, #tpu.memory_space<vmem>> -> memref<1x96x128xf32, #tpu.memory_space<vmem>>
        %dma_wait3A_299 = tpu.memref_squeeze %dma_wait3A_298 : memref<1x96x128xf32, #tpu.memory_space<vmem>> -> memref<96x128xf32, #tpu.memory_space<vmem>>
        %dma_wait3A_300 = arith.constant 0 : i32
        %dma_wait3A_301 = tpu.memref_slice %arg6[%multiple_of3A_295, %dma_wait3A_300] : memref<61440x128xf32, #tpu.memory_space<hbm>> -> memref<96x128xf32, #tpu.memory_space<hbm>>
        %dma_wait3A_302 = arith.constant 0 : i32
        %dma_wait3A_303 = tpu.memref_slice %arg6[%multiple_of3A_295, %dma_wait3A_302] : memref<61440x128xf32, #tpu.memory_space<hbm>> -> memref<96x128xf32, #tpu.memory_space<hbm>>
        %dma_wait3A_304 = arith.constant 0 : i32
        %dma_wait3A_305 = arith.constant 0 : i32
        %dma_wait3A_306 = tpu.memref_slice %arg14[%sub3A_291, %dma_wait3A_304, %dma_wait3A_305] : memref<2x96x128xf32, #tpu.memory_space<vmem>> -> memref<1x96x128xf32, #tpu.memory_space<vmem>>
        %dma_wait3A_307 = tpu.memref_squeeze %dma_wait3A_306 : memref<1x96x128xf32, #tpu.memory_space<vmem>> -> memref<96x128xf32, #tpu.memory_space<vmem>>
        tpu.wait_dma2 semaphore(%arg22 : memref<!tpu.dma_semaphore, #tpu.memory_space<semaphore_mem>>) src(%dma_wait3A_307 : memref<96x128xf32, #tpu.memory_space<vmem>>) dst(%dma_wait3A_303 : memref<96x128xf32, #tpu.memory_space<hbm>>)
        %sub3A_308 = arith.constant 1 : i32
        %sub3A_309 = arith.subi %while3A_150, %sub3A_308 : i32
        %sub3A_310 = arith.constant 1 : i32
        %sub3A_311 = arith.subi %sub3A_310, %rem3A_152 : i32
        %add3A_312 = arith.addi %select_n3A_8, %sub3A_309 : i32
        %mul3A_313 = arith.constant 96 : i32
        %mul3A_314 = arith.muli %add3A_312, %mul3A_313 : i32
        %multiple_of3A_315 = tpu.assume_multiple %mul3A_314, 96 : i32
        %dma_wait3A_316 = arith.constant 0 : i32
        %dma_wait3A_317 = arith.constant 0 : i32
        %dma_wait3A_318 = tpu.memref_slice %arg15[%sub3A_311, %dma_wait3A_316, %dma_wait3A_317] : memref<2x96x128xf32, #tpu.memory_space<vmem>> -> memref<1x96x128xf32, #tpu.memory_space<vmem>>
        %dma_wait3A_319 = tpu.memref_squeeze %dma_wait3A_318 : memref<1x96x128xf32, #tpu.memory_space<vmem>> -> memref<96x128xf32, #tpu.memory_space<vmem>>
        %dma_wait3A_320 = arith.constant 0 : i32
        %dma_wait3A_321 = tpu.memref_slice %arg7[%multiple_of3A_315, %dma_wait3A_320] : memref<61440x128xf32, #tpu.memory_space<hbm>> -> memref<96x128xf32, #tpu.memory_space<hbm>>
        %dma_wait3A_322 = arith.constant 0 : i32
        %dma_wait3A_323 = tpu.memref_slice %arg7[%multiple_of3A_315, %dma_wait3A_322] : memref<61440x128xf32, #tpu.memory_space<hbm>> -> memref<96x128xf32, #tpu.memory_space<hbm>>
        %dma_wait3A_324 = arith.constant 0 : i32
        %dma_wait3A_325 = arith.constant 0 : i32
        %dma_wait3A_326 = tpu.memref_slice %arg15[%sub3A_311, %dma_wait3A_324, %dma_wait3A_325] : memref<2x96x128xf32, #tpu.memory_space<vmem>> -> memref<1x96x128xf32, #tpu.memory_space<vmem>>
        %dma_wait3A_327 = tpu.memref_squeeze %dma_wait3A_326 : memref<1x96x128xf32, #tpu.memory_space<vmem>> -> memref<96x128xf32, #tpu.memory_space<vmem>>
        tpu.wait_dma2 semaphore(%arg23 : memref<!tpu.dma_semaphore, #tpu.memory_space<semaphore_mem>>) src(%dma_wait3A_327 : memref<96x128xf32, #tpu.memory_space<vmem>>) dst(%dma_wait3A_323 : memref<96x128xf32, #tpu.memory_space<hbm>>)
        %sub3A_328 = arith.constant 1 : i32
        %sub3A_329 = arith.subi %while3A_150, %sub3A_328 : i32
        %sub3A_330 = arith.constant 1 : i32
        %sub3A_331 = arith.subi %sub3A_330, %rem3A_152 : i32
        %add3A_332 = arith.addi %select_n3A_8, %sub3A_329 : i32
        %mul3A_333 = arith.constant 96 : i32
        %mul3A_334 = arith.muli %add3A_332, %mul3A_333 : i32
        %multiple_of3A_335 = tpu.assume_multiple %mul3A_334, 96 : i32
        %dma_wait3A_336 = arith.constant 0 : i32
        %dma_wait3A_337 = arith.constant 0 : i32
        %dma_wait3A_338 = tpu.memref_slice %arg16[%sub3A_331, %dma_wait3A_336, %dma_wait3A_337] : memref<2x96x128xf32, #tpu.memory_space<vmem>> -> memref<1x96x128xf32, #tpu.memory_space<vmem>>
        %dma_wait3A_339 = tpu.memref_squeeze %dma_wait3A_338 : memref<1x96x128xf32, #tpu.memory_space<vmem>> -> memref<96x128xf32, #tpu.memory_space<vmem>>
        %dma_wait3A_340 = arith.constant 0 : i32
        %dma_wait3A_341 = tpu.memref_slice %arg8[%multiple_of3A_335, %dma_wait3A_340] : memref<61440x128xf32, #tpu.memory_space<hbm>> -> memref<96x128xf32, #tpu.memory_space<hbm>>
        %dma_wait3A_342 = arith.constant 0 : i32
        %dma_wait3A_343 = tpu.memref_slice %arg8[%multiple_of3A_335, %dma_wait3A_342] : memref<61440x128xf32, #tpu.memory_space<hbm>> -> memref<96x128xf32, #tpu.memory_space<hbm>>
        %dma_wait3A_344 = arith.constant 0 : i32
        %dma_wait3A_345 = arith.constant 0 : i32
        %dma_wait3A_346 = tpu.memref_slice %arg16[%sub3A_331, %dma_wait3A_344, %dma_wait3A_345] : memref<2x96x128xf32, #tpu.memory_space<vmem>> -> memref<1x96x128xf32, #tpu.memory_space<vmem>>
        %dma_wait3A_347 = tpu.memref_squeeze %dma_wait3A_346 : memref<1x96x128xf32, #tpu.memory_space<vmem>> -> memref<96x128xf32, #tpu.memory_space<vmem>>
        tpu.wait_dma2 semaphore(%arg24 : memref<!tpu.dma_semaphore, #tpu.memory_space<semaphore_mem>>) src(%dma_wait3A_347 : memref<96x128xf32, #tpu.memory_space<vmem>>) dst(%dma_wait3A_343 : memref<96x128xf32, #tpu.memory_space<hbm>>)
      } else {
      }
      %add3A_199 = arith.constant 1 : i32
      %add3A_200 = arith.addi %while3A_150, %add3A_199 : i32
      %lt3A = arith.cmpi slt, %add3A_200, %select_n3A : i32
      %convert_element_type3A_201 = arith.extui %lt3A : i1 to i32
      %cond3A_202 = arith.constant 0 : i32
      %cond3A_203 = arith.cmpi ne, %convert_element_type3A_201, %cond3A_202 : i32
      scf.if %cond3A_203 {
        %add3A_268 = arith.constant 1 : i32
        %add3A_269 = arith.addi %while3A_150, %add3A_268 : i32
        %sub3A_270 = arith.constant 1 : i32
        %sub3A_271 = arith.subi %sub3A_270, %rem3A_152 : i32
        %mul3A_272 = arith.constant 96 : i32
        %mul3A_273 = arith.muli %add3A_269, %mul3A_272 : i32
        %multiple_of3A_274 = tpu.assume_multiple %mul3A_273, 96 : i32
        %dma_start3A_275 = arith.constant 0 : i32
        %dma_start3A_276 = arith.constant 0 : i32
        %dma_start3A_277 = tpu.memref_slice %arg13[%sub3A_271, %dma_start3A_275, %dma_start3A_276] : memref<2x96x128xf32, #tpu.memory_space<vmem>> -> memref<1x96x128xf32, #tpu.memory_space<vmem>>
        %dma_start3A_278 = tpu.memref_squeeze %dma_start3A_277 : memref<1x96x128xf32, #tpu.memory_space<vmem>> -> memref<96x128xf32, #tpu.memory_space<vmem>>
        %dma_start3A_279 = tpu.memref_slice %arg9[%multiple_of3A_274] : memref<2592xi32, #tpu.memory_space<vmem>> -> memref<96xi32, #tpu.memory_space<vmem>>
        %dma_start3A_280 = arith.constant 0 : i32
        %dma_start3A_281 = arith.constant 0 : i32
        %dma_start3A_282 = tpu.memref_slice %arg3[%dma_start3A_280, %dma_start3A_281] : memref<100000x128xf32, #tpu.memory_space<hbm>> -> memref<100000x128xf32, #tpu.memory_space<hbm>>
        tpu.enqueue_indirect_dma source(%dma_start3A_282 : memref<100000x128xf32, #tpu.memory_space<hbm>>) target(%dma_start3A_278 : memref<96x128xf32, #tpu.memory_space<vmem>>) offsets(%dma_start3A_279 : memref<96xi32, #tpu.memory_space<vmem>>) semaphore(%arg17 : memref<!tpu.dma_semaphore, #tpu.memory_space<semaphore_mem>>)
        %add3A_283 = arith.constant 1 : i32
        %add3A_284 = arith.addi %while3A_150, %add3A_283 : i32
        %sub3A_285 = arith.constant 1 : i32
        %sub3A_286 = arith.subi %sub3A_285, %rem3A_152 : i32
        %mul3A_287 = arith.constant 96 : i32
        %mul3A_288 = arith.muli %add3A_284, %mul3A_287 : i32
        %multiple_of3A_289 = tpu.assume_multiple %mul3A_288, 96 : i32
        %dma_start3A_290 = arith.constant 0 : i32
        %dma_start3A_291 = arith.constant 0 : i32
        %dma_start3A_292 = tpu.memref_slice %arg14[%sub3A_286, %dma_start3A_290, %dma_start3A_291] : memref<2x96x128xf32, #tpu.memory_space<vmem>> -> memref<1x96x128xf32, #tpu.memory_space<vmem>>
        %dma_start3A_293 = tpu.memref_squeeze %dma_start3A_292 : memref<1x96x128xf32, #tpu.memory_space<vmem>> -> memref<96x128xf32, #tpu.memory_space<vmem>>
        %dma_start3A_294 = tpu.memref_slice %arg10[%multiple_of3A_289] : memref<2592xi32, #tpu.memory_space<vmem>> -> memref<96xi32, #tpu.memory_space<vmem>>
        %dma_start3A_295 = arith.constant 0 : i32
        %dma_start3A_296 = arith.constant 0 : i32
        %dma_start3A_297 = tpu.memref_slice %arg4[%dma_start3A_295, %dma_start3A_296] : memref<100000x128xf32, #tpu.memory_space<hbm>> -> memref<100000x128xf32, #tpu.memory_space<hbm>>
        tpu.enqueue_indirect_dma source(%dma_start3A_297 : memref<100000x128xf32, #tpu.memory_space<hbm>>) target(%dma_start3A_293 : memref<96x128xf32, #tpu.memory_space<vmem>>) offsets(%dma_start3A_294 : memref<96xi32, #tpu.memory_space<vmem>>) semaphore(%arg18 : memref<!tpu.dma_semaphore, #tpu.memory_space<semaphore_mem>>)
        %add3A_298 = arith.constant 1 : i32
        %add3A_299 = arith.addi %while3A_150, %add3A_298 : i32
        %sub3A_300 = arith.constant 1 : i32
        %sub3A_301 = arith.subi %sub3A_300, %rem3A_152 : i32
        %mul3A_302 = arith.constant 96 : i32
        %mul3A_303 = arith.muli %add3A_299, %mul3A_302 : i32
        %multiple_of3A_304 = tpu.assume_multiple %mul3A_303, 96 : i32
        %dma_start3A_305 = arith.constant 0 : i32
        %dma_start3A_306 = arith.constant 0 : i32
        %dma_start3A_307 = tpu.memref_slice %arg15[%sub3A_301, %dma_start3A_305, %dma_start3A_306] : memref<2x96x128xf32, #tpu.memory_space<vmem>> -> memref<1x96x128xf32, #tpu.memory_space<vmem>>
        %dma_start3A_308 = tpu.memref_squeeze %dma_start3A_307 : memref<1x96x128xf32, #tpu.memory_space<vmem>> -> memref<96x128xf32, #tpu.memory_space<vmem>>
        %dma_start3A_309 = tpu.memref_slice %arg11[%multiple_of3A_304] : memref<2592xi32, #tpu.memory_space<vmem>> -> memref<96xi32, #tpu.memory_space<vmem>>
        %dma_start3A_310 = arith.constant 0 : i32
        %dma_start3A_311 = arith.constant 0 : i32
        %dma_start3A_312 = tpu.memref_slice %arg4[%dma_start3A_310, %dma_start3A_311] : memref<100000x128xf32, #tpu.memory_space<hbm>> -> memref<100000x128xf32, #tpu.memory_space<hbm>>
        tpu.enqueue_indirect_dma source(%dma_start3A_312 : memref<100000x128xf32, #tpu.memory_space<hbm>>) target(%dma_start3A_308 : memref<96x128xf32, #tpu.memory_space<vmem>>) offsets(%dma_start3A_309 : memref<96xi32, #tpu.memory_space<vmem>>) semaphore(%arg19 : memref<!tpu.dma_semaphore, #tpu.memory_space<semaphore_mem>>)
        %add3A_313 = arith.constant 1 : i32
        %add3A_314 = arith.addi %while3A_150, %add3A_313 : i32
        %sub3A_315 = arith.constant 1 : i32
        %sub3A_316 = arith.subi %sub3A_315, %rem3A_152 : i32
        %mul3A_317 = arith.constant 96 : i32
        %mul3A_318 = arith.muli %add3A_314, %mul3A_317 : i32
        %multiple_of3A_319 = tpu.assume_multiple %mul3A_318, 96 : i32
        %dma_start3A_320 = arith.constant 0 : i32
        %dma_start3A_321 = arith.constant 0 : i32
        %dma_start3A_322 = tpu.memref_slice %arg16[%sub3A_316, %dma_start3A_320, %dma_start3A_321] : memref<2x96x128xf32, #tpu.memory_space<vmem>> -> memref<1x96x128xf32, #tpu.memory_space<vmem>>
        %dma_start3A_323 = tpu.memref_squeeze %dma_start3A_322 : memref<1x96x128xf32, #tpu.memory_space<vmem>> -> memref<96x128xf32, #tpu.memory_space<vmem>>
        %dma_start3A_324 = tpu.memref_slice %arg12[%multiple_of3A_319] : memref<2592xi32, #tpu.memory_space<vmem>> -> memref<96xi32, #tpu.memory_space<vmem>>
        %dma_start3A_325 = arith.constant 0 : i32
        %dma_start3A_326 = arith.constant 0 : i32
        %dma_start3A_327 = tpu.memref_slice %arg3[%dma_start3A_325, %dma_start3A_326] : memref<100000x128xf32, #tpu.memory_space<hbm>> -> memref<100000x128xf32, #tpu.memory_space<hbm>>
        tpu.enqueue_indirect_dma source(%dma_start3A_327 : memref<100000x128xf32, #tpu.memory_space<hbm>>) target(%dma_start3A_323 : memref<96x128xf32, #tpu.memory_space<vmem>>) offsets(%dma_start3A_324 : memref<96xi32, #tpu.memory_space<vmem>>) semaphore(%arg20 : memref<!tpu.dma_semaphore, #tpu.memory_space<semaphore_mem>>)
      } else {
      }
      %add3A_204 = arith.addi %select_n3A_8, %while3A_150 : i32
      %mul3A_205 = arith.constant 96 : i32
      %mul3A_206 = arith.muli %add3A_204, %mul3A_205 : i32
      %multiple_of3A_207 = tpu.assume_multiple %mul3A_206, 96 : i32
      %dma_start3A_208 = arith.constant 0 : i32
      %dma_start3A_209 = arith.constant 0 : i32
      %dma_start3A_210 = tpu.memref_slice %arg13[%rem3A_152, %dma_start3A_208, %dma_start3A_209] : memref<2x96x128xf32, #tpu.memory_space<vmem>> -> memref<1x96x128xf32, #tpu.memory_space<vmem>>
      %dma_start3A_211 = tpu.memref_squeeze %dma_start3A_210 : memref<1x96x128xf32, #tpu.memory_space<vmem>> -> memref<96x128xf32, #tpu.memory_space<vmem>>
      %dma_start3A_212 = arith.constant 0 : i32
      %dma_start3A_213 = tpu.memref_slice %arg5[%multiple_of3A_207, %dma_start3A_212] : memref<61440x128xf32, #tpu.memory_space<hbm>> -> memref<96x128xf32, #tpu.memory_space<hbm>>
      %dma_start3A_214 = arith.constant 0 : i32
      %dma_start3A_215 = tpu.memref_slice %arg5[%multiple_of3A_207, %dma_start3A_214] : memref<61440x128xf32, #tpu.memory_space<hbm>> -> memref<96x128xf32, #tpu.memory_space<hbm>>
      %dma_start3A_216 = arith.constant 0 : i32
      %dma_start3A_217 = arith.constant 0 : i32
      %dma_start3A_218 = tpu.memref_slice %arg13[%rem3A_152, %dma_start3A_216, %dma_start3A_217] : memref<2x96x128xf32, #tpu.memory_space<vmem>> -> memref<1x96x128xf32, #tpu.memory_space<vmem>>
      %dma_start3A_219 = tpu.memref_squeeze %dma_start3A_218 : memref<1x96x128xf32, #tpu.memory_space<vmem>> -> memref<96x128xf32, #tpu.memory_space<vmem>>
      tpu.enqueue_dma source(%dma_start3A_219 : memref<96x128xf32, #tpu.memory_space<vmem>>) target(%dma_start3A_215 : memref<96x128xf32, #tpu.memory_space<hbm>>) target_semaphore(%arg21 : memref<!tpu.dma_semaphore, #tpu.memory_space<semaphore_mem>>)
      %add3A_220 = arith.addi %select_n3A_8, %while3A_150 : i32
      %mul3A_221 = arith.constant 96 : i32
      %mul3A_222 = arith.muli %add3A_220, %mul3A_221 : i32
      %multiple_of3A_223 = tpu.assume_multiple %mul3A_222, 96 : i32
      %dma_start3A_224 = arith.constant 0 : i32
      %dma_start3A_225 = arith.constant 0 : i32
      %dma_start3A_226 = tpu.memref_slice %arg14[%rem3A_152, %dma_start3A_224, %dma_start3A_225] : memref<2x96x128xf32, #tpu.memory_space<vmem>> -> memref<1x96x128xf32, #tpu.memory_space<vmem>>
      %dma_start3A_227 = tpu.memref_squeeze %dma_start3A_226 : memref<1x96x128xf32, #tpu.memory_space<vmem>> -> memref<96x128xf32, #tpu.memory_space<vmem>>
      %dma_start3A_228 = arith.constant 0 : i32
      %dma_start3A_229 = tpu.memref_slice %arg6[%multiple_of3A_223, %dma_start3A_228] : memref<61440x128xf32, #tpu.memory_space<hbm>> -> memref<96x128xf32, #tpu.memory_space<hbm>>
      %dma_start3A_230 = arith.constant 0 : i32
      %dma_start3A_231 = tpu.memref_slice %arg6[%multiple_of3A_223, %dma_start3A_230] : memref<61440x128xf32, #tpu.memory_space<hbm>> -> memref<96x128xf32, #tpu.memory_space<hbm>>
      %dma_start3A_232 = arith.constant 0 : i32
      %dma_start3A_233 = arith.constant 0 : i32
      %dma_start3A_234 = tpu.memref_slice %arg14[%rem3A_152, %dma_start3A_232, %dma_start3A_233] : memref<2x96x128xf32, #tpu.memory_space<vmem>> -> memref<1x96x128xf32, #tpu.memory_space<vmem>>
      %dma_start3A_235 = tpu.memref_squeeze %dma_start3A_234 : memref<1x96x128xf32, #tpu.memory_space<vmem>> -> memref<96x128xf32, #tpu.memory_space<vmem>>
      tpu.enqueue_dma source(%dma_start3A_235 : memref<96x128xf32, #tpu.memory_space<vmem>>) target(%dma_start3A_231 : memref<96x128xf32, #tpu.memory_space<hbm>>) target_semaphore(%arg22 : memref<!tpu.dma_semaphore, #tpu.memory_space<semaphore_mem>>)
      %add3A_236 = arith.addi %select_n3A_8, %while3A_150 : i32
      %mul3A_237 = arith.constant 96 : i32
      %mul3A_238 = arith.muli %add3A_236, %mul3A_237 : i32
      %multiple_of3A_239 = tpu.assume_multiple %mul3A_238, 96 : i32
      %dma_start3A_240 = arith.constant 0 : i32
      %dma_start3A_241 = arith.constant 0 : i32
      %dma_start3A_242 = tpu.memref_slice %arg15[%rem3A_152, %dma_start3A_240, %dma_start3A_241] : memref<2x96x128xf32, #tpu.memory_space<vmem>> -> memref<1x96x128xf32, #tpu.memory_space<vmem>>
      %dma_start3A_243 = tpu.memref_squeeze %dma_start3A_242 : memref<1x96x128xf32, #tpu.memory_space<vmem>> -> memref<96x128xf32, #tpu.memory_space<vmem>>
      %dma_start3A_244 = arith.constant 0 : i32
      %dma_start3A_245 = tpu.memref_slice %arg7[%multiple_of3A_239, %dma_start3A_244] : memref<61440x128xf32, #tpu.memory_space<hbm>> -> memref<96x128xf32, #tpu.memory_space<hbm>>
      %dma_start3A_246 = arith.constant 0 : i32
      %dma_start3A_247 = tpu.memref_slice %arg7[%multiple_of3A_239, %dma_start3A_246] : memref<61440x128xf32, #tpu.memory_space<hbm>> -> memref<96x128xf32, #tpu.memory_space<hbm>>
      %dma_start3A_248 = arith.constant 0 : i32
      %dma_start3A_249 = arith.constant 0 : i32
      %dma_start3A_250 = tpu.memref_slice %arg15[%rem3A_152, %dma_start3A_248, %dma_start3A_249] : memref<2x96x128xf32, #tpu.memory_space<vmem>> -> memref<1x96x128xf32, #tpu.memory_space<vmem>>
      %dma_start3A_251 = tpu.memref_squeeze %dma_start3A_250 : memref<1x96x128xf32, #tpu.memory_space<vmem>> -> memref<96x128xf32, #tpu.memory_space<vmem>>
      tpu.enqueue_dma source(%dma_start3A_251 : memref<96x128xf32, #tpu.memory_space<vmem>>) target(%dma_start3A_247 : memref<96x128xf32, #tpu.memory_space<hbm>>) target_semaphore(%arg23 : memref<!tpu.dma_semaphore, #tpu.memory_space<semaphore_mem>>)
      %add3A_252 = arith.addi %select_n3A_8, %while3A_150 : i32
      %mul3A_253 = arith.constant 96 : i32
      %mul3A_254 = arith.muli %add3A_252, %mul3A_253 : i32
      %multiple_of3A_255 = tpu.assume_multiple %mul3A_254, 96 : i32
      %dma_start3A_256 = arith.constant 0 : i32
      %dma_start3A_257 = arith.constant 0 : i32
      %dma_start3A_258 = tpu.memref_slice %arg16[%rem3A_152, %dma_start3A_256, %dma_start3A_257] : memref<2x96x128xf32, #tpu.memory_space<vmem>> -> memref<1x96x128xf32, #tpu.memory_space<vmem>>
      %dma_start3A_259 = tpu.memref_squeeze %dma_start3A_258 : memref<1x96x128xf32, #tpu.memory_space<vmem>> -> memref<96x128xf32, #tpu.memory_space<vmem>>
      %dma_start3A_260 = arith.constant 0 : i32
      %dma_start3A_261 = tpu.memref_slice %arg8[%multiple_of3A_255, %dma_start3A_260] : memref<61440x128xf32, #tpu.memory_space<hbm>> -> memref<96x128xf32, #tpu.memory_space<hbm>>
      %dma_start3A_262 = arith.constant 0 : i32
      %dma_start3A_263 = tpu.memref_slice %arg8[%multiple_of3A_255, %dma_start3A_262] : memref<61440x128xf32, #tpu.memory_space<hbm>> -> memref<96x128xf32, #tpu.memory_space<hbm>>
      %dma_start3A_264 = arith.constant 0 : i32
      %dma_start3A_265 = arith.constant 0 : i32
      %dma_start3A_266 = tpu.memref_slice %arg16[%rem3A_152, %dma_start3A_264, %dma_start3A_265] : memref<2x96x128xf32, #tpu.memory_space<vmem>> -> memref<1x96x128xf32, #tpu.memory_space<vmem>>
      %dma_start3A_267 = tpu.memref_squeeze %dma_start3A_266 : memref<1x96x128xf32, #tpu.memory_space<vmem>> -> memref<96x128xf32, #tpu.memory_space<vmem>>
      tpu.enqueue_dma source(%dma_start3A_267 : memref<96x128xf32, #tpu.memory_space<vmem>>) target(%dma_start3A_263 : memref<96x128xf32, #tpu.memory_space<hbm>>) target_semaphore(%arg24 : memref<!tpu.dma_semaphore, #tpu.memory_space<semaphore_mem>>)
    }
    %sub3A = arith.constant 1 : i32
    %sub3A_79 = arith.subi %select_n3A, %sub3A : i32
    %rem3A = arith.constant 2 : i32
    %rem3A_80 = arith.remsi %sub3A_79, %rem3A : i32
    %add3A_81 = arith.addi %select_n3A_8, %sub3A_79 : i32
    %mul3A_82 = arith.constant 96 : i32
    %mul3A_83 = arith.muli %add3A_81, %mul3A_82 : i32
    %multiple_of3A_84 = tpu.assume_multiple %mul3A_83, 96 : i32
    %dma_wait3A = arith.constant 0 : i32
    %dma_wait3A_85 = arith.constant 0 : i32
    %dma_wait3A_86 = tpu.memref_slice %arg13[%rem3A_80, %dma_wait3A, %dma_wait3A_85] : memref<2x96x128xf32, #tpu.memory_space<vmem>> -> memref<1x96x128xf32, #tpu.memory_space<vmem>>
    %dma_wait3A_87 = tpu.memref_squeeze %dma_wait3A_86 : memref<1x96x128xf32, #tpu.memory_space<vmem>> -> memref<96x128xf32, #tpu.memory_space<vmem>>
    %dma_wait3A_88 = arith.constant 0 : i32
    %dma_wait3A_89 = tpu.memref_slice %arg5[%multiple_of3A_84, %dma_wait3A_88] : memref<61440x128xf32, #tpu.memory_space<hbm>> -> memref<96x128xf32, #tpu.memory_space<hbm>>
    %dma_wait3A_90 = arith.constant 0 : i32
    %dma_wait3A_91 = tpu.memref_slice %arg5[%multiple_of3A_84, %dma_wait3A_90] : memref<61440x128xf32, #tpu.memory_space<hbm>> -> memref<96x128xf32, #tpu.memory_space<hbm>>
    %dma_wait3A_92 = arith.constant 0 : i32
    %dma_wait3A_93 = arith.constant 0 : i32
    %dma_wait3A_94 = tpu.memref_slice %arg13[%rem3A_80, %dma_wait3A_92, %dma_wait3A_93] : memref<2x96x128xf32, #tpu.memory_space<vmem>> -> memref<1x96x128xf32, #tpu.memory_space<vmem>>
    %dma_wait3A_95 = tpu.memref_squeeze %dma_wait3A_94 : memref<1x96x128xf32, #tpu.memory_space<vmem>> -> memref<96x128xf32, #tpu.memory_space<vmem>>
    tpu.wait_dma2 semaphore(%arg21 : memref<!tpu.dma_semaphore, #tpu.memory_space<semaphore_mem>>) src(%dma_wait3A_95 : memref<96x128xf32, #tpu.memory_space<vmem>>) dst(%dma_wait3A_91 : memref<96x128xf32, #tpu.memory_space<hbm>>)
    %rem3A_96 = arith.constant 2 : i32
    %rem3A_97 = arith.remsi %sub3A_79, %rem3A_96 : i32
    %add3A_98 = arith.addi %select_n3A_8, %sub3A_79 : i32
    %mul3A_99 = arith.constant 96 : i32
    %mul3A_100 = arith.muli %add3A_98, %mul3A_99 : i32
    %multiple_of3A_101 = tpu.assume_multiple %mul3A_100, 96 : i32
    %dma_wait3A_102 = arith.constant 0 : i32
    %dma_wait3A_103 = arith.constant 0 : i32
    %dma_wait3A_104 = tpu.memref_slice %arg14[%rem3A_97, %dma_wait3A_102, %dma_wait3A_103] : memref<2x96x128xf32, #tpu.memory_space<vmem>> -> memref<1x96x128xf32, #tpu.memory_space<vmem>>
    %dma_wait3A_105 = tpu.memref_squeeze %dma_wait3A_104 : memref<1x96x128xf32, #tpu.memory_space<vmem>> -> memref<96x128xf32, #tpu.memory_space<vmem>>
    %dma_wait3A_106 = arith.constant 0 : i32
    %dma_wait3A_107 = tpu.memref_slice %arg6[%multiple_of3A_101, %dma_wait3A_106] : memref<61440x128xf32, #tpu.memory_space<hbm>> -> memref<96x128xf32, #tpu.memory_space<hbm>>
    %dma_wait3A_108 = arith.constant 0 : i32
    %dma_wait3A_109 = tpu.memref_slice %arg6[%multiple_of3A_101, %dma_wait3A_108] : memref<61440x128xf32, #tpu.memory_space<hbm>> -> memref<96x128xf32, #tpu.memory_space<hbm>>
    %dma_wait3A_110 = arith.constant 0 : i32
    %dma_wait3A_111 = arith.constant 0 : i32
    %dma_wait3A_112 = tpu.memref_slice %arg14[%rem3A_97, %dma_wait3A_110, %dma_wait3A_111] : memref<2x96x128xf32, #tpu.memory_space<vmem>> -> memref<1x96x128xf32, #tpu.memory_space<vmem>>
    %dma_wait3A_113 = tpu.memref_squeeze %dma_wait3A_112 : memref<1x96x128xf32, #tpu.memory_space<vmem>> -> memref<96x128xf32, #tpu.memory_space<vmem>>
    tpu.wait_dma2 semaphore(%arg22 : memref<!tpu.dma_semaphore, #tpu.memory_space<semaphore_mem>>) src(%dma_wait3A_113 : memref<96x128xf32, #tpu.memory_space<vmem>>) dst(%dma_wait3A_109 : memref<96x128xf32, #tpu.memory_space<hbm>>)
    %rem3A_114 = arith.constant 2 : i32
    %rem3A_115 = arith.remsi %sub3A_79, %rem3A_114 : i32
    %add3A_116 = arith.addi %select_n3A_8, %sub3A_79 : i32
    %mul3A_117 = arith.constant 96 : i32
    %mul3A_118 = arith.muli %add3A_116, %mul3A_117 : i32
    %multiple_of3A_119 = tpu.assume_multiple %mul3A_118, 96 : i32
    %dma_wait3A_120 = arith.constant 0 : i32
    %dma_wait3A_121 = arith.constant 0 : i32
    %dma_wait3A_122 = tpu.memref_slice %arg15[%rem3A_115, %dma_wait3A_120, %dma_wait3A_121] : memref<2x96x128xf32, #tpu.memory_space<vmem>> -> memref<1x96x128xf32, #tpu.memory_space<vmem>>
    %dma_wait3A_123 = tpu.memref_squeeze %dma_wait3A_122 : memref<1x96x128xf32, #tpu.memory_space<vmem>> -> memref<96x128xf32, #tpu.memory_space<vmem>>
    %dma_wait3A_124 = arith.constant 0 : i32
    %dma_wait3A_125 = tpu.memref_slice %arg7[%multiple_of3A_119, %dma_wait3A_124] : memref<61440x128xf32, #tpu.memory_space<hbm>> -> memref<96x128xf32, #tpu.memory_space<hbm>>
    %dma_wait3A_126 = arith.constant 0 : i32
    %dma_wait3A_127 = tpu.memref_slice %arg7[%multiple_of3A_119, %dma_wait3A_126] : memref<61440x128xf32, #tpu.memory_space<hbm>> -> memref<96x128xf32, #tpu.memory_space<hbm>>
    %dma_wait3A_128 = arith.constant 0 : i32
    %dma_wait3A_129 = arith.constant 0 : i32
    %dma_wait3A_130 = tpu.memref_slice %arg15[%rem3A_115, %dma_wait3A_128, %dma_wait3A_129] : memref<2x96x128xf32, #tpu.memory_space<vmem>> -> memref<1x96x128xf32, #tpu.memory_space<vmem>>
    %dma_wait3A_131 = tpu.memref_squeeze %dma_wait3A_130 : memref<1x96x128xf32, #tpu.memory_space<vmem>> -> memref<96x128xf32, #tpu.memory_space<vmem>>
    tpu.wait_dma2 semaphore(%arg23 : memref<!tpu.dma_semaphore, #tpu.memory_space<semaphore_mem>>) src(%dma_wait3A_131 : memref<96x128xf32, #tpu.memory_space<vmem>>) dst(%dma_wait3A_127 : memref<96x128xf32, #tpu.memory_space<hbm>>)
    %rem3A_132 = arith.constant 2 : i32
    %rem3A_133 = arith.remsi %sub3A_79, %rem3A_132 : i32
    %add3A_134 = arith.addi %select_n3A_8, %sub3A_79 : i32
    %mul3A_135 = arith.constant 96 : i32
    %mul3A_136 = arith.muli %add3A_134, %mul3A_135 : i32
    %multiple_of3A_137 = tpu.assume_multiple %mul3A_136, 96 : i32
    %dma_wait3A_138 = arith.constant 0 : i32
    %dma_wait3A_139 = arith.constant 0 : i32
    %dma_wait3A_140 = tpu.memref_slice %arg16[%rem3A_133, %dma_wait3A_138, %dma_wait3A_139] : memref<2x96x128xf32, #tpu.memory_space<vmem>> -> memref<1x96x128xf32, #tpu.memory_space<vmem>>
    %dma_wait3A_141 = tpu.memref_squeeze %dma_wait3A_140 : memref<1x96x128xf32, #tpu.memory_space<vmem>> -> memref<96x128xf32, #tpu.memory_space<vmem>>
    %dma_wait3A_142 = arith.constant 0 : i32
    %dma_wait3A_143 = tpu.memref_slice %arg8[%multiple_of3A_137, %dma_wait3A_142] : memref<61440x128xf32, #tpu.memory_space<hbm>> -> memref<96x128xf32, #tpu.memory_space<hbm>>
    %dma_wait3A_144 = arith.constant 0 : i32
    %dma_wait3A_145 = tpu.memref_slice %arg8[%multiple_of3A_137, %dma_wait3A_144] : memref<61440x128xf32, #tpu.memory_space<hbm>> -> memref<96x128xf32, #tpu.memory_space<hbm>>
    %dma_wait3A_146 = arith.constant 0 : i32
    %dma_wait3A_147 = arith.constant 0 : i32
    %dma_wait3A_148 = tpu.memref_slice %arg16[%rem3A_133, %dma_wait3A_146, %dma_wait3A_147] : memref<2x96x128xf32, #tpu.memory_space<vmem>> -> memref<1x96x128xf32, #tpu.memory_space<vmem>>
    %dma_wait3A_149 = tpu.memref_squeeze %dma_wait3A_148 : memref<1x96x128xf32, #tpu.memory_space<vmem>> -> memref<96x128xf32, #tpu.memory_space<vmem>>
    tpu.wait_dma2 semaphore(%arg24 : memref<!tpu.dma_semaphore, #tpu.memory_space<semaphore_mem>>) src(%dma_wait3A_149 : memref<96x128xf32, #tpu.memory_space<vmem>>) dst(%dma_wait3A_145 : memref<96x128xf32, #tpu.memory_space<hbm>>)
    return
  }
}

module attributes {stable_mosaic.version = 14 : i64} {
  func.func @_project_body(%arg0: i32, %arg1: memref<1000x128xf32, #tpu.memory_space<vmem>>, %arg2: memref<128x640xf32, #tpu.memory_space<vmem>>, %arg3: memref<128x64xf32, #tpu.memory_space<vmem>>, %arg4: memref<1x64xf32, #tpu.memory_space<vmem>>, %arg5: memref<64x3xf32, #tpu.memory_space<vmem>>, %arg6: memref<1x3xf32, #tpu.memory_space<vmem>>, %arg7: memref<1000x128xf32, #tpu.memory_space<vmem>>, %arg8: memref<1000x128xf32, #tpu.memory_space<vmem>>, %arg9: memref<1000x128xf32, #tpu.memory_space<vmem>>, %arg10: memref<1000x128xf32, #tpu.memory_space<vmem>>, %arg11: memref<1000x128xf32, #tpu.memory_space<vmem>>, %arg12: memref<1000x3xf32, #tpu.memory_space<vmem>>) attributes {dimension_semantics = [#tpu.dimension_semantics<arbitrary>], iteration_bounds = array<i64: 100>, scalar_prefetch = 0 : i64, scratch_operands = 0 : i64, tpu.core_type = #tpu.core_type<tc>, window_params = [{transform_indices = @transform_0, window_bounds = array<i64: 1000, 128>}, {pipeline_mode = #tpu.pipeline_mode<synchronous>, transform_indices = @transform_1, window_bounds = array<i64: 128, 640>}, {pipeline_mode = #tpu.pipeline_mode<synchronous>, transform_indices = @transform_2, window_bounds = array<i64: 128, 64>}, {pipeline_mode = #tpu.pipeline_mode<synchronous>, transform_indices = @transform_3, window_bounds = array<i64: 1, 64>}, {pipeline_mode = #tpu.pipeline_mode<synchronous>, transform_indices = @transform_4, window_bounds = array<i64: 64, 3>}, {pipeline_mode = #tpu.pipeline_mode<synchronous>, transform_indices = @transform_5, window_bounds = array<i64: 1, 3>}, {transform_indices = @transform_6, window_bounds = array<i64: 1000, 128>}, {transform_indices = @transform_7, window_bounds = array<i64: 1000, 128>}, {transform_indices = @transform_8, window_bounds = array<i64: 1000, 128>}, {transform_indices = @transform_9, window_bounds = array<i64: 1000, 128>}, {transform_indices = @transform_10, window_bounds = array<i64: 1000, 128>}, {transform_indices = @transform_11, window_bounds = array<i64: 1000, 3>}]} {
    %get3A = arith.constant 0 : index
    %get3A_0 = arith.constant 0 : index
    %get3A_1 = vector.load %arg1[%get3A, %get3A_0] : memref<1000x128xf32, #tpu.memory_space<vmem>>, vector<1000x128xf32>
    %get3A_2 = arith.constant 0 : index
    %get3A_3 = arith.constant 0 : index
    %get3A_4 = vector.load %arg2[%get3A_2, %get3A_3] : memref<128x640xf32, #tpu.memory_space<vmem>>, vector<128x640xf32>
    %dot_general3A = arith.constant dense<0.000000e+00> : vector<1000x640xf32>
    %dot_general3A_5 = tpu.matmul %get3A_1, %get3A_4, %dot_general3A {dimension_numbers = #tpu.dot_dimension_numbers<[1], [0], [0], [1], [0, 0, 1, 1], [], []>, transpose_lhs_hint = false} : vector<1000x128xf32>, vector<128x640xf32>, vector<1000x640xf32> -> vector<1000x640xf32>
    %slice3A = vector.extract_strided_slice %dot_general3A_5 {offsets = [0, 0], sizes = [1000, 128], strides = [1, 1]} : vector<1000x640xf32> to vector<1000x128xf32>
    %swap3A = arith.constant 0 : index
    %swap3A_6 = arith.constant 0 : index
    %swap3A_7 = vector.load %arg7[%swap3A, %swap3A_6] : memref<1000x128xf32, #tpu.memory_space<vmem>>, vector<1000x128xf32>
    tpu.vector_store %arg7[%swap3A, %swap3A_6], %slice3A {strides = array<i32>} : memref<1000x128xf32, #tpu.memory_space<vmem>>, vector<1000x128xf32>,
    %slice3A_8 = vector.extract_strided_slice %dot_general3A_5 {offsets = [0, 128], sizes = [1000, 128], strides = [1, 1]} : vector<1000x640xf32> to vector<1000x128xf32>
    %swap3A_9 = arith.constant 0 : index
    %swap3A_10 = arith.constant 0 : index
    %swap3A_11 = vector.load %arg8[%swap3A_9, %swap3A_10] : memref<1000x128xf32, #tpu.memory_space<vmem>>, vector<1000x128xf32>
    tpu.vector_store %arg8[%swap3A_9, %swap3A_10], %slice3A_8 {strides = array<i32>} : memref<1000x128xf32, #tpu.memory_space<vmem>>, vector<1000x128xf32>,
    %slice3A_12 = vector.extract_strided_slice %dot_general3A_5 {offsets = [0, 256], sizes = [1000, 128], strides = [1, 1]} : vector<1000x640xf32> to vector<1000x128xf32>
    %swap3A_13 = arith.constant 0 : index
    %swap3A_14 = arith.constant 0 : index
    %swap3A_15 = vector.load %arg9[%swap3A_13, %swap3A_14] : memref<1000x128xf32, #tpu.memory_space<vmem>>, vector<1000x128xf32>
    tpu.vector_store %arg9[%swap3A_13, %swap3A_14], %slice3A_12 {strides = array<i32>} : memref<1000x128xf32, #tpu.memory_space<vmem>>, vector<1000x128xf32>,
    %slice3A_16 = vector.extract_strided_slice %dot_general3A_5 {offsets = [0, 384], sizes = [1000, 128], strides = [1, 1]} : vector<1000x640xf32> to vector<1000x128xf32>
    %swap3A_17 = arith.constant 0 : index
    %swap3A_18 = arith.constant 0 : index
    %swap3A_19 = vector.load %arg10[%swap3A_17, %swap3A_18] : memref<1000x128xf32, #tpu.memory_space<vmem>>, vector<1000x128xf32>
    tpu.vector_store %arg10[%swap3A_17, %swap3A_18], %slice3A_16 {strides = array<i32>} : memref<1000x128xf32, #tpu.memory_space<vmem>>, vector<1000x128xf32>,
    %slice3A_20 = vector.extract_strided_slice %dot_general3A_5 {offsets = [0, 512], sizes = [1000, 128], strides = [1, 1]} : vector<1000x640xf32> to vector<1000x128xf32>
    %swap3A_21 = arith.constant 0 : index
    %swap3A_22 = arith.constant 0 : index
    %swap3A_23 = vector.load %arg11[%swap3A_21, %swap3A_22] : memref<1000x128xf32, #tpu.memory_space<vmem>>, vector<1000x128xf32>
    tpu.vector_store %arg11[%swap3A_21, %swap3A_22], %slice3A_20 {strides = array<i32>} : memref<1000x128xf32, #tpu.memory_space<vmem>>, vector<1000x128xf32>,
    %get3A_24 = arith.constant 0 : index
    %get3A_25 = arith.constant 0 : index
    %get3A_26 = vector.load %arg3[%get3A_24, %get3A_25] : memref<128x64xf32, #tpu.memory_space<vmem>>, vector<128x64xf32>
    %dot_general3A_27 = arith.constant dense<0.000000e+00> : vector<1000x64xf32>
    %dot_general3A_28 = tpu.matmul %get3A_1, %get3A_26, %dot_general3A_27 {dimension_numbers = #tpu.dot_dimension_numbers<[1], [0], [0], [1], [0, 0, 1, 1], [], []>, transpose_lhs_hint = false} : vector<1000x128xf32>, vector<128x64xf32>, vector<1000x64xf32> -> vector<1000x64xf32>
    %get3A_29 = arith.constant 0 : index
    %get3A_30 = arith.constant 0 : index
    %get3A_31 = vector.load %arg4[%get3A_29, %get3A_30] : memref<1x64xf32, #tpu.memory_space<vmem>>, vector<1x64xf32>
    %add3A = vector.broadcast %get3A_31 : vector<1x64xf32> to vector<1000x64xf32>
    %add3A_32 = arith.addf %dot_general3A_28, %add3A : vector<1000x64xf32>
    %max3A = arith.constant 0.000000e+00 : f32
    %max3A_33 = vector.broadcast %max3A : f32 to vector<1000x64xf32>
    %max3A_34 = arith.maximumf %add3A_32, %max3A_33 : vector<1000x64xf32>
    %get3A_35 = arith.constant 0 : index
    %get3A_36 = arith.constant 0 : index
    %get3A_37 = vector.load %arg5[%get3A_35, %get3A_36] : memref<64x3xf32, #tpu.memory_space<vmem>>, vector<64x3xf32>
    %dot_general3A_38 = arith.constant dense<0.000000e+00> : vector<1000x3xf32>
    %dot_general3A_39 = tpu.matmul %max3A_34, %get3A_37, %dot_general3A_38 {dimension_numbers = #tpu.dot_dimension_numbers<[1], [0], [0], [1], [0, 0, 1, 1], [], []>, transpose_lhs_hint = false} : vector<1000x64xf32>, vector<64x3xf32>, vector<1000x3xf32> -> vector<1000x3xf32>
    %get3A_40 = arith.constant 0 : index
    %get3A_41 = arith.constant 0 : index
    %get3A_42 = vector.load %arg6[%get3A_40, %get3A_41] : memref<1x3xf32, #tpu.memory_space<vmem>>, vector<1x3xf32>
    %add3A_43 = vector.broadcast %get3A_42 : vector<1x3xf32> to vector<1000x3xf32>
    %add3A_44 = arith.addf %dot_general3A_39, %add3A_43 : vector<1000x3xf32>
    %swap3A_45 = arith.constant 0 : index
    %swap3A_46 = arith.constant 0 : index
    %swap3A_47 = vector.load %arg12[%swap3A_45, %swap3A_46] : memref<1000x3xf32, #tpu.memory_space<vmem>>, vector<1000x3xf32>
    tpu.vector_store %arg12[%swap3A_45, %swap3A_46], %add3A_44 {strides = array<i32>} : memref<1000x3xf32, #tpu.memory_space<vmem>>, vector<1000x3xf32>,
    return
  }
  func.func @transform_0(%arg0: i32) -> (i32, i32) {
    %c0_i32 = arith.constant 0 : i32
    %c0_i32_0 = arith.constant 0 : i32
    return %arg0, %c0_i32 : i32, i32
  }
  func.func @transform_1(%arg0: i32) -> (i32, i32) {
    %c0_i32 = arith.constant 0 : i32
    %c0_i32_0 = arith.constant 0 : i32
    %c0_i32_1 = arith.constant 0 : i32
    return %c0_i32, %c0_i32_0 : i32, i32
  }
  func.func @transform_2(%arg0: i32) -> (i32, i32) {
    %c0_i32 = arith.constant 0 : i32
    %c0_i32_0 = arith.constant 0 : i32
    %c0_i32_1 = arith.constant 0 : i32
    return %c0_i32, %c0_i32_0 : i32, i32
  }
  func.func @transform_3(%arg0: i32) -> (i32, i32) {
    %c0_i32 = arith.constant 0 : i32
    %c0_i32_0 = arith.constant 0 : i32
    %c0_i32_1 = arith.constant 0 : i32
    return %c0_i32, %c0_i32_0 : i32, i32
  }
  func.func @transform_4(%arg0: i32) -> (i32, i32) {
    %c0_i32 = arith.constant 0 : i32
    %c0_i32_0 = arith.constant 0 : i32
    %c0_i32_1 = arith.constant 0 : i32
    return %c0_i32, %c0_i32_0 : i32, i32
  }
  func.func @transform_5(%arg0: i32) -> (i32, i32) {
    %c0_i32 = arith.constant 0 : i32
    %c0_i32_0 = arith.constant 0 : i32
    %c0_i32_1 = arith.constant 0 : i32
    return %c0_i32, %c0_i32_0 : i32, i32
  }
  func.func @transform_6(%arg0: i32) -> (i32, i32) {
    %c0_i32 = arith.constant 0 : i32
    %c0_i32_0 = arith.constant 0 : i32
    return %arg0, %c0_i32 : i32, i32
  }
  func.func @transform_7(%arg0: i32) -> (i32, i32) {
    %c0_i32 = arith.constant 0 : i32
    %c0_i32_0 = arith.constant 0 : i32
    return %arg0, %c0_i32 : i32, i32
  }
  func.func @transform_8(%arg0: i32) -> (i32, i32) {
    %c0_i32 = arith.constant 0 : i32
    %c0_i32_0 = arith.constant 0 : i32
    return %arg0, %c0_i32 : i32, i32
  }
  func.func @transform_9(%arg0: i32) -> (i32, i32) {
    %c0_i32 = arith.constant 0 : i32
    %c0_i32_0 = arith.constant 0 : i32
    return %arg0, %c0_i32 : i32, i32
  }
  func.func @transform_10(%arg0: i32) -> (i32, i32) {
    %c0_i32 = arith.constant 0 : i32
    %c0_i32_0 = arith.constant 0 : i32
    return %arg0, %c0_i32 : i32, i32
  }
  func.func @transform_11(%arg0: i32) -> (i32, i32) {
    %c0_i32 = arith.constant 0 : i32
    %c0_i32_0 = arith.constant 0 : i32
    return %arg0, %c0_i32 : i32, i32
  }
}

module attributes {stable_mosaic.version = 14 : i64} {
  func.func @_post_body(%arg0: i32, %arg1: memref<1024x128xf32, #tpu.memory_space<vmem>>, %arg2: memref<1024x128xf32, #tpu.memory_space<vmem>>, %arg3: memref<1024x128xf32, #tpu.memory_space<vmem>>, %arg4: memref<1024x128xf32, #tpu.memory_space<vmem>>, %arg5: memref<1024x128xf32, #tpu.memory_space<vmem>>, %arg6: memref<1024x128xf32, #tpu.memory_space<vmem>>, %arg7: memref<1024x128xf32, #tpu.memory_space<vmem>>, %arg8: memref<1024x128xf32, #tpu.memory_space<vmem>>, %arg9: memref<1024x128xf32, #tpu.memory_space<vmem>>, %arg10: memref<1x64xf32, #tpu.memory_space<vmem>>, %arg11: memref<64x2xf32, #tpu.memory_space<vmem>>, %arg12: memref<1x2xf32, #tpu.memory_space<vmem>>, %arg13: memref<1x64xf32, #tpu.memory_space<vmem>>, %arg14: memref<64x2xf32, #tpu.memory_space<vmem>>, %arg15: memref<1x2xf32, #tpu.memory_space<vmem>>, %arg16: memref<1x64xf32, #tpu.memory_space<vmem>>, %arg17: memref<64x2xf32, #tpu.memory_space<vmem>>, %arg18: memref<1x2xf32, #tpu.memory_space<vmem>>, %arg19: memref<1024x2xf32, #tpu.memory_space<vmem>>, %arg20: memref<1024x2xf32, #tpu.memory_space<vmem>>, %arg21: memref<1024x2xf32, #tpu.memory_space<vmem>>) attributes {dimension_semantics = [#tpu.dimension_semantics<arbitrary>], iteration_bounds = array<i64: 60>, scalar_prefetch = 0 : i64, scratch_operands = 0 : i64, tpu.core_type = #tpu.core_type<tc>, window_params = [{transform_indices = @transform_0, window_bounds = array<i64: 1024, 128>}, {transform_indices = @transform_1, window_bounds = array<i64: 1024, 128>}, {transform_indices = @transform_2, window_bounds = array<i64: 1024, 128>}, {transform_indices = @transform_3, window_bounds = array<i64: 1024, 128>}, {transform_indices = @transform_4, window_bounds = array<i64: 1024, 128>}, {transform_indices = @transform_5, window_bounds = array<i64: 1024, 128>}, {transform_indices = @transform_6, window_bounds = array<i64: 1024, 128>}, {transform_indices = @transform_7, window_bounds = array<i64: 1024, 128>}, {transform_indices = @transform_8, window_bounds = array<i64: 1024, 128>}, {pipeline_mode = #tpu.pipeline_mode<synchronous>, transform_indices = @transform_9, window_bounds = array<i64: 1, 64>}, {pipeline_mode = #tpu.pipeline_mode<synchronous>, transform_indices = @transform_10, window_bounds = array<i64: 64, 2>}, {pipeline_mode = #tpu.pipeline_mode<synchronous>, transform_indices = @transform_11, window_bounds = array<i64: 1, 2>}, {pipeline_mode = #tpu.pipeline_mode<synchronous>, transform_indices = @transform_12, window_bounds = array<i64: 1, 64>}, {pipeline_mode = #tpu.pipeline_mode<synchronous>, transform_indices = @transform_13, window_bounds = array<i64: 64, 2>}, {pipeline_mode = #tpu.pipeline_mode<synchronous>, transform_indices = @transform_14, window_bounds = array<i64: 1, 2>}, {pipeline_mode = #tpu.pipeline_mode<synchronous>, transform_indices = @transform_15, window_bounds = array<i64: 1, 64>}, {pipeline_mode = #tpu.pipeline_mode<synchronous>, transform_indices = @transform_16, window_bounds = array<i64: 64, 2>}, {pipeline_mode = #tpu.pipeline_mode<synchronous>, transform_indices = @transform_17, window_bounds = array<i64: 1, 2>}, {transform_indices = @transform_18, window_bounds = array<i64: 1024, 2>}, {transform_indices = @transform_19, window_bounds = array<i64: 1024, 2>}, {transform_indices = @transform_20, window_bounds = array<i64: 1024, 2>}]} {
    %get3A = arith.constant 0 : index
    %get3A_0 = arith.constant 0 : index
    %get3A_1 = vector.load %arg1[%get3A, %get3A_0] : memref<1024x128xf32, #tpu.memory_space<vmem>>, vector<1024x128xf32>
    %get3A_2 = arith.constant 0 : index
    %get3A_3 = arith.constant 0 : index
    %get3A_4 = vector.load %arg2[%get3A_2, %get3A_3] : memref<1024x128xf32, #tpu.memory_space<vmem>>, vector<1024x128xf32>
    %slice3A = vector.extract_strided_slice %get3A_1 {offsets = [0, 0], sizes = [1024, 64], strides = [1, 1]} : vector<1024x128xf32> to vector<1024x64xf32>
    %slice3A_5 = vector.extract_strided_slice %get3A_4 {offsets = [0, 64], sizes = [1024, 64], strides = [1, 1]} : vector<1024x128xf32> to vector<1024x64xf32>
    %add3A = arith.addf %slice3A, %slice3A_5 : vector<1024x64xf32>
    %slice3A_6 = vector.extract_strided_slice %get3A_1 {offsets = [0, 64], sizes = [1024, 64], strides = [1, 1]} : vector<1024x128xf32> to vector<1024x64xf32>
    %slice3A_7 = vector.extract_strided_slice %get3A_4 {offsets = [0, 0], sizes = [1024, 64], strides = [1, 1]} : vector<1024x128xf32> to vector<1024x64xf32>
    %add3A_8 = arith.addf %slice3A_6, %slice3A_7 : vector<1024x64xf32>
    %get3A_9 = arith.constant 0 : index
    %get3A_10 = arith.constant 0 : index
    %get3A_11 = vector.load %arg10[%get3A_9, %get3A_10] : memref<1x64xf32, #tpu.memory_space<vmem>>, vector<1x64xf32>
    %add3A_12 = vector.broadcast %get3A_11 : vector<1x64xf32> to vector<1024x64xf32>
    %add3A_13 = arith.addf %add3A, %add3A_12 : vector<1024x64xf32>
    %max3A = arith.constant 0.000000e+00 : f32
    %max3A_14 = vector.broadcast %max3A : f32 to vector<1024x64xf32>
    %max3A_15 = arith.maximumf %add3A_13, %max3A_14 : vector<1024x64xf32>
    %add3A_16 = vector.broadcast %get3A_11 : vector<1x64xf32> to vector<1024x64xf32>
    %add3A_17 = arith.addf %add3A_8, %add3A_16 : vector<1024x64xf32>
    %max3A_18 = arith.constant 0.000000e+00 : f32
    %max3A_19 = vector.broadcast %max3A_18 : f32 to vector<1024x64xf32>
    %max3A_20 = arith.maximumf %add3A_17, %max3A_19 : vector<1024x64xf32>
    %add3A_21 = arith.addf %max3A_15, %max3A_20 : vector<1024x64xf32>
    %get3A_22 = arith.constant 0 : index
    %get3A_23 = arith.constant 0 : index
    %get3A_24 = vector.load %arg11[%get3A_22, %get3A_23] : memref<64x2xf32, #tpu.memory_space<vmem>>, vector<64x2xf32>
    %dot_general3A = arith.constant dense<0.000000e+00> : vector<1024x2xf32>
    %dot_general3A_25 = tpu.matmul %add3A_21, %get3A_24, %dot_general3A {dimension_numbers = #tpu.dot_dimension_numbers<[1], [0], [0], [1], [0, 0, 1, 1], [], []>, transpose_lhs_hint = false} : vector<1024x64xf32>, vector<64x2xf32>, vector<1024x2xf32> -> vector<1024x2xf32>
    %get3A_26 = arith.constant 0 : index
    %get3A_27 = arith.constant 0 : index
    %get3A_28 = vector.load %arg12[%get3A_26, %get3A_27] : memref<1x2xf32, #tpu.memory_space<vmem>>, vector<1x2xf32>
    %add3A_29 = vector.broadcast %get3A_28 : vector<1x2xf32> to vector<1024x2xf32>
    %add3A_30 = arith.addf %dot_general3A_25, %add3A_29 : vector<1024x2xf32>
    %swap3A = arith.constant 0 : index
    %swap3A_31 = arith.constant 0 : index
    %swap3A_32 = vector.load %arg19[%swap3A, %swap3A_31] : memref<1024x2xf32, #tpu.memory_space<vmem>>, vector<1024x2xf32>
    tpu.vector_store %arg19[%swap3A, %swap3A_31], %add3A_30 {strides = array<i32>} : memref<1024x2xf32, #tpu.memory_space<vmem>>, vector<1024x2xf32>,
    %get3A_33 = arith.constant 0 : index
    %get3A_34 = arith.constant 0 : index
    %get3A_35 = vector.load %arg3[%get3A_33, %get3A_34] : memref<1024x128xf32, #tpu.memory_space<vmem>>, vector<1024x128xf32>
    %get3A_36 = arith.constant 0 : index
    %get3A_37 = arith.constant 0 : index
    %get3A_38 = vector.load %arg4[%get3A_36, %get3A_37] : memref<1024x128xf32, #tpu.memory_space<vmem>>, vector<1024x128xf32>
    %get3A_39 = arith.constant 0 : index
    %get3A_40 = arith.constant 0 : index
    %get3A_41 = vector.load %arg5[%get3A_39, %get3A_40] : memref<1024x128xf32, #tpu.memory_space<vmem>>, vector<1024x128xf32>
    %slice3A_42 = vector.extract_strided_slice %get3A_35 {offsets = [0, 0], sizes = [1024, 64], strides = [1, 1]} : vector<1024x128xf32> to vector<1024x64xf32>
    %slice3A_43 = vector.extract_strided_slice %get3A_38 {offsets = [0, 0], sizes = [1024, 64], strides = [1, 1]} : vector<1024x128xf32> to vector<1024x64xf32>
    %add3A_44 = arith.addf %slice3A_42, %slice3A_43 : vector<1024x64xf32>
    %slice3A_45 = vector.extract_strided_slice %get3A_41 {offsets = [0, 64], sizes = [1024, 64], strides = [1, 1]} : vector<1024x128xf32> to vector<1024x64xf32>
    %add3A_46 = arith.addf %add3A_44, %slice3A_45 : vector<1024x64xf32>
    %slice3A_47 = vector.extract_strided_slice %get3A_35 {offsets = [0, 64], sizes = [1024, 64], strides = [1, 1]} : vector<1024x128xf32> to vector<1024x64xf32>
    %slice3A_48 = vector.extract_strided_slice %get3A_38 {offsets = [0, 64], sizes = [1024, 64], strides = [1, 1]} : vector<1024x128xf32> to vector<1024x64xf32>
    %add3A_49 = arith.addf %slice3A_47, %slice3A_48 : vector<1024x64xf32>
    %slice3A_50 = vector.extract_strided_slice %get3A_41 {offsets = [0, 0], sizes = [1024, 64], strides = [1, 1]} : vector<1024x128xf32> to vector<1024x64xf32>
    %add3A_51 = arith.addf %add3A_49, %slice3A_50 : vector<1024x64xf32>
    %get3A_52 = arith.constant 0 : index
    %get3A_53 = arith.constant 0 : index
    %get3A_54 = vector.load %arg13[%get3A_52, %get3A_53] : memref<1x64xf32, #tpu.memory_space<vmem>>, vector<1x64xf32>
    %add3A_55 = vector.broadcast %get3A_54 : vector<1x64xf32> to vector<1024x64xf32>
    %add3A_56 = arith.addf %add3A_46, %add3A_55 : vector<1024x64xf32>
    %max3A_57 = arith.constant 0.000000e+00 : f32
    %max3A_58 = vector.broadcast %max3A_57 : f32 to vector<1024x64xf32>
    %max3A_59 = arith.maximumf %add3A_56, %max3A_58 : vector<1024x64xf32>
    %add3A_60 = vector.broadcast %get3A_54 : vector<1x64xf32> to vector<1024x64xf32>
    %add3A_61 = arith.addf %add3A_51, %add3A_60 : vector<1024x64xf32>
    %max3A_62 = arith.constant 0.000000e+00 : f32
    %max3A_63 = vector.broadcast %max3A_62 : f32 to vector<1024x64xf32>
    %max3A_64 = arith.maximumf %add3A_61, %max3A_63 : vector<1024x64xf32>
    %add3A_65 = arith.addf %max3A_59, %max3A_64 : vector<1024x64xf32>
    %get3A_66 = arith.constant 0 : index
    %get3A_67 = arith.constant 0 : index
    %get3A_68 = vector.load %arg14[%get3A_66, %get3A_67] : memref<64x2xf32, #tpu.memory_space<vmem>>, vector<64x2xf32>
    %dot_general3A_69 = arith.constant dense<0.000000e+00> : vector<1024x2xf32>
    %dot_general3A_70 = tpu.matmul %add3A_65, %get3A_68, %dot_general3A_69 {dimension_numbers = #tpu.dot_dimension_numbers<[1], [0], [0], [1], [0, 0, 1, 1], [], []>, transpose_lhs_hint = false} : vector<1024x64xf32>, vector<64x2xf32>, vector<1024x2xf32> -> vector<1024x2xf32>
    %get3A_71 = arith.constant 0 : index
    %get3A_72 = arith.constant 0 : index
    %get3A_73 = vector.load %arg15[%get3A_71, %get3A_72] : memref<1x2xf32, #tpu.memory_space<vmem>>, vector<1x2xf32>
    %add3A_74 = vector.broadcast %get3A_73 : vector<1x2xf32> to vector<1024x2xf32>
    %add3A_75 = arith.addf %dot_general3A_70, %add3A_74 : vector<1024x2xf32>
    %swap3A_76 = arith.constant 0 : index
    %swap3A_77 = arith.constant 0 : index
    %swap3A_78 = vector.load %arg20[%swap3A_76, %swap3A_77] : memref<1024x2xf32, #tpu.memory_space<vmem>>, vector<1024x2xf32>
    tpu.vector_store %arg20[%swap3A_76, %swap3A_77], %add3A_75 {strides = array<i32>} : memref<1024x2xf32, #tpu.memory_space<vmem>>, vector<1024x2xf32>,
    %get3A_79 = arith.constant 0 : index
    %get3A_80 = arith.constant 0 : index
    %get3A_81 = vector.load %arg6[%get3A_79, %get3A_80] : memref<1024x128xf32, #tpu.memory_space<vmem>>, vector<1024x128xf32>
    %get3A_82 = arith.constant 0 : index
    %get3A_83 = arith.constant 0 : index
    %get3A_84 = vector.load %arg7[%get3A_82, %get3A_83] : memref<1024x128xf32, #tpu.memory_space<vmem>>, vector<1024x128xf32>
    %get3A_85 = arith.constant 0 : index
    %get3A_86 = arith.constant 0 : index
    %get3A_87 = vector.load %arg8[%get3A_85, %get3A_86] : memref<1024x128xf32, #tpu.memory_space<vmem>>, vector<1024x128xf32>
    %get3A_88 = arith.constant 0 : index
    %get3A_89 = arith.constant 0 : index
    %get3A_90 = vector.load %arg9[%get3A_88, %get3A_89] : memref<1024x128xf32, #tpu.memory_space<vmem>>, vector<1024x128xf32>
    %slice3A_91 = vector.extract_strided_slice %get3A_81 {offsets = [0, 0], sizes = [1024, 64], strides = [1, 1]} : vector<1024x128xf32> to vector<1024x64xf32>
    %slice3A_92 = vector.extract_strided_slice %get3A_84 {offsets = [0, 0], sizes = [1024, 64], strides = [1, 1]} : vector<1024x128xf32> to vector<1024x64xf32>
    %add3A_93 = arith.addf %slice3A_91, %slice3A_92 : vector<1024x64xf32>
    %slice3A_94 = vector.extract_strided_slice %get3A_87 {offsets = [0, 64], sizes = [1024, 64], strides = [1, 1]} : vector<1024x128xf32> to vector<1024x64xf32>
    %add3A_95 = arith.addf %add3A_93, %slice3A_94 : vector<1024x64xf32>
    %slice3A_96 = vector.extract_strided_slice %get3A_90 {offsets = [0, 64], sizes = [1024, 64], strides = [1, 1]} : vector<1024x128xf32> to vector<1024x64xf32>
    %add3A_97 = arith.addf %add3A_95, %slice3A_96 : vector<1024x64xf32>
    %slice3A_98 = vector.extract_strided_slice %get3A_81 {offsets = [0, 64], sizes = [1024, 64], strides = [1, 1]} : vector<1024x128xf32> to vector<1024x64xf32>
    %slice3A_99 = vector.extract_strided_slice %get3A_84 {offsets = [0, 64], sizes = [1024, 64], strides = [1, 1]} : vector<1024x128xf32> to vector<1024x64xf32>
    %add3A_100 = arith.addf %slice3A_98, %slice3A_99 : vector<1024x64xf32>
    %slice3A_101 = vector.extract_strided_slice %get3A_87 {offsets = [0, 0], sizes = [1024, 64], strides = [1, 1]} : vector<1024x128xf32> to vector<1024x64xf32>
    %add3A_102 = arith.addf %add3A_100, %slice3A_101 : vector<1024x64xf32>
    %slice3A_103 = vector.extract_strided_slice %get3A_90 {offsets = [0, 0], sizes = [1024, 64], strides = [1, 1]} : vector<1024x128xf32> to vector<1024x64xf32>
    %add3A_104 = arith.addf %add3A_102, %slice3A_103 : vector<1024x64xf32>
    %get3A_105 = arith.constant 0 : index
    %get3A_106 = arith.constant 0 : index
    %get3A_107 = vector.load %arg16[%get3A_105, %get3A_106] : memref<1x64xf32, #tpu.memory_space<vmem>>, vector<1x64xf32>
    %add3A_108 = vector.broadcast %get3A_107 : vector<1x64xf32> to vector<1024x64xf32>
    %add3A_109 = arith.addf %add3A_97, %add3A_108 : vector<1024x64xf32>
    %max3A_110 = arith.constant 0.000000e+00 : f32
    %max3A_111 = vector.broadcast %max3A_110 : f32 to vector<1024x64xf32>
    %max3A_112 = arith.maximumf %add3A_109, %max3A_111 : vector<1024x64xf32>
    %add3A_113 = vector.broadcast %get3A_107 : vector<1x64xf32> to vector<1024x64xf32>
    %add3A_114 = arith.addf %add3A_104, %add3A_113 : vector<1024x64xf32>
    %max3A_115 = arith.constant 0.000000e+00 : f32
    %max3A_116 = vector.broadcast %max3A_115 : f32 to vector<1024x64xf32>
    %max3A_117 = arith.maximumf %add3A_114, %max3A_116 : vector<1024x64xf32>
    %add3A_118 = arith.addf %max3A_112, %max3A_117 : vector<1024x64xf32>
    %get3A_119 = arith.constant 0 : index
    %get3A_120 = arith.constant 0 : index
    %get3A_121 = vector.load %arg17[%get3A_119, %get3A_120] : memref<64x2xf32, #tpu.memory_space<vmem>>, vector<64x2xf32>
    %dot_general3A_122 = arith.constant dense<0.000000e+00> : vector<1024x2xf32>
    %dot_general3A_123 = tpu.matmul %add3A_118, %get3A_121, %dot_general3A_122 {dimension_numbers = #tpu.dot_dimension_numbers<[1], [0], [0], [1], [0, 0, 1, 1], [], []>, transpose_lhs_hint = false} : vector<1024x64xf32>, vector<64x2xf32>, vector<1024x2xf32> -> vector<1024x2xf32>
    %get3A_124 = arith.constant 0 : index
    %get3A_125 = arith.constant 0 : index
    %get3A_126 = vector.load %arg18[%get3A_124, %get3A_125] : memref<1x2xf32, #tpu.memory_space<vmem>>, vector<1x2xf32>
    %add3A_127 = vector.broadcast %get3A_126 : vector<1x2xf32> to vector<1024x2xf32>
    %add3A_128 = arith.addf %dot_general3A_123, %add3A_127 : vector<1024x2xf32>
    %swap3A_129 = arith.constant 0 : index
    %swap3A_130 = arith.constant 0 : index
    %swap3A_131 = vector.load %arg21[%swap3A_129, %swap3A_130] : memref<1024x2xf32, #tpu.memory_space<vmem>>, vector<1024x2xf32>
    tpu.vector_store %arg21[%swap3A_129, %swap3A_130], %add3A_128 {strides = array<i32>} : memref<1024x2xf32, #tpu.memory_space<vmem>>, vector<1024x2xf32>,
    return
  }
  func.func @transform_0(%arg0: i32) -> (i32, i32) {
    %c0_i32 = arith.constant 0 : i32
    %c0_i32_0 = arith.constant 0 : i32
    return %arg0, %c0_i32 : i32, i32
  }
  func.func @transform_1(%arg0: i32) -> (i32, i32) {
    %c0_i32 = arith.constant 0 : i32
    %c0_i32_0 = arith.constant 0 : i32
    return %arg0, %c0_i32 : i32, i32
  }
  func.func @transform_2(%arg0: i32) -> (i32, i32) {
    %c0_i32 = arith.constant 0 : i32
    %c0_i32_0 = arith.constant 0 : i32
    return %arg0, %c0_i32 : i32, i32
  }
  func.func @transform_3(%arg0: i32) -> (i32, i32) {
    %c0_i32 = arith.constant 0 : i32
    %c0_i32_0 = arith.constant 0 : i32
    return %arg0, %c0_i32 : i32, i32
  }
  func.func @transform_4(%arg0: i32) -> (i32, i32) {
    %c0_i32 = arith.constant 0 : i32
    %c0_i32_0 = arith.constant 0 : i32
    return %arg0, %c0_i32 : i32, i32
  }
  func.func @transform_5(%arg0: i32) -> (i32, i32) {
    %c0_i32 = arith.constant 0 : i32
    %c0_i32_0 = arith.constant 0 : i32
    return %arg0, %c0_i32 : i32, i32
  }
  func.func @transform_6(%arg0: i32) -> (i32, i32) {
    %c0_i32 = arith.constant 0 : i32
    %c0_i32_0 = arith.constant 0 : i32
    return %arg0, %c0_i32 : i32, i32
  }
  func.func @transform_7(%arg0: i32) -> (i32, i32) {
    %c0_i32 = arith.constant 0 : i32
    %c0_i32_0 = arith.constant 0 : i32
    return %arg0, %c0_i32 : i32, i32
  }
  func.func @transform_8(%arg0: i32) -> (i32, i32) {
    %c0_i32 = arith.constant 0 : i32
    %c0_i32_0 = arith.constant 0 : i32
    return %arg0, %c0_i32 : i32, i32
  }
  func.func @transform_9(%arg0: i32) -> (i32, i32) {
    %c0_i32 = arith.constant 0 : i32
    %c0_i32_0 = arith.constant 0 : i32
    %c0_i32_1 = arith.constant 0 : i32
    return %c0_i32, %c0_i32_0 : i32, i32
  }
  func.func @transform_10(%arg0: i32) -> (i32, i32) {
    %c0_i32 = arith.constant 0 : i32
    %c0_i32_0 = arith.constant 0 : i32
    %c0_i32_1 = arith.constant 0 : i32
    return %c0_i32, %c0_i32_0 : i32, i32
  }
  func.func @transform_11(%arg0: i32) -> (i32, i32) {
    %c0_i32 = arith.constant 0 : i32
    %c0_i32_0 = arith.constant 0 : i32
    %c0_i32_1 = arith.constant 0 : i32
    return %c0_i32, %c0_i32_0 : i32, i32
  }
  func.func @transform_12(%arg0: i32) -> (i32, i32) {
    %c0_i32 = arith.constant 0 : i32
    %c0_i32_0 = arith.constant 0 : i32
    %c0_i32_1 = arith.constant 0 : i32
    return %c0_i32, %c0_i32_0 : i32, i32
  }
  func.func @transform_13(%arg0: i32) -> (i32, i32) {
    %c0_i32 = arith.constant 0 : i32
    %c0_i32_0 = arith.constant 0 : i32
    %c0_i32_1 = arith.constant 0 : i32
    return %c0_i32, %c0_i32_0 : i32, i32
  }
  func.func @transform_14(%arg0: i32) -> (i32, i32) {
    %c0_i32 = arith.constant 0 : i32
    %c0_i32_0 = arith.constant 0 : i32
    %c0_i32_1 = arith.constant 0 : i32
    return %c0_i32, %c0_i32_0 : i32, i32
  }
  func.func @transform_15(%arg0: i32) -> (i32, i32) {
    %c0_i32 = arith.constant 0 : i32
    %c0_i32_0 = arith.constant 0 : i32
    %c0_i32_1 = arith.constant 0 : i32
    return %c0_i32, %c0_i32_0 : i32, i32
  }
  func.func @transform_16(%arg0: i32) -> (i32, i32) {
    %c0_i32 = arith.constant 0 : i32
    %c0_i32_0 = arith.constant 0 : i32
    %c0_i32_1 = arith.constant 0 : i32
    return %c0_i32, %c0_i32_0 : i32, i32
  }
  func.func @transform_17(%arg0: i32) -> (i32, i32) {
    %c0_i32 = arith.constant 0 : i32
    %c0_i32_0 = arith.constant 0 : i32
    %c0_i32_1 = arith.constant 0 : i32
    return %c0_i32, %c0_i32_0 : i32, i32
  }
  func.func @transform_18(%arg0: i32) -> (i32, i32) {
    %c0_i32 = arith.constant 0 : i32
    %c0_i32_0 = arith.constant 0 : i32
    return %arg0, %c0_i32 : i32, i32
  }
  func.func @transform_19(%arg0: i32) -> (i32, i32) {
    %c0_i32 = arith.constant 0 : i32
    %c0_i32_0 = arith.constant 0 : i32
    return %arg0, %c0_i32 : i32, i32
  }
  func.func @transform_20(%arg0: i32) -> (i32, i32) {
    %c0_i32 = arith.constant 0 : i32
    %c0_i32_0 = arith.constant 0 : i32
    return %arg0, %c0_i32 : i32, i32
  }
}

</mosaic_0001>

<sc_bundles>
// kernel: sc_gather_l2.3.cloned.1.call-start
scs
__scs_entry_jumppad:
0x0: {  	(pc) =	sbr.rel $0x88, $3  }
0x1: {  	(tag) =	ssettag $0x0;
	lr =	simm.s32 $0x1  }
0x2: {  	[smem:$0x3F83] =	sst lr;
	_ =	strace $0xD0000000  }
0x3: {  	_ = 	snop  }
0x4: {  	_ = 	snop  }
0x5: {  	_ = 	snop  }
0x6: {  	_ = 	snop  }
0x7: {  	_ = 	snop  }
__scs_overlays_trampoline_lowered:
0x8: {  	[smem:$0x3F92] =	sst s0  }
0x9: {  	[smem:$0x3F93] =	sst s1  }
0xa: {  	[smem:$0x3F94] =	sst s2  }
0xb: {  	[smem:$0x3F95] =	sst s3  }
0xc: {  	[smem:$0x3F96] =	sst s4  }
0xd: {  	[smem:$0x3F97] =	sst s5  }
0xe: {  	[smem:$0x3F98] =	sst s6  }
0xf: {  	[smem:$0x3F99] =	sst s7  }
0x10: {  	[smem:$0x3F9A] =	sst s8  }
0x11: {  	[smem:$0x3F9B] =	sst s9;
	s0 =	simm.s32 @!p0 $0x0  }
0x12: {  	s1 =	sld [smem:$0x3F81];
	s0 =	simm.s32 @p0 $0x1  }
0x13: {  	[smem:$0x3F9C] =	sst s0;
	s0 =	simm.s32 @!p1 $0x0  }
0x14: {  	s2 =	sld [smem:$0x3F80];
	s0 =	simm.s32 @p1 $0x1  }
0x15: {  	[smem:$0x3F9D] =	sst s0;
	s0 =	simm.s32 @!p2 $0x0  }
0x16: {  	s3 =	sld [smem:$0x3FDB];
	s0 =	simm.s32 @p2 $0x1  }
0x17: {  	s4 =	simm.s32 $0x1BF5;
	[smem:$0x3F9F] =	sst s0  }
0x18: {  	s0 =	sld [smem:$0x3F82];
	_ =	swait.ge [sflag:s4], $0x0  }
0x19: {  	s7 =	sld [smem:$0x3F83]  }
0x1a: {  	s8 =	sadd.s32 $0xFFFFE003, lr  }
0x1b: {  	s9 =	sadd.s32 $0xFFFFFEF7, lr;
	s5 =	simm.s32 $0xFFFFFFFF;
	p2 =	slt.u32 s8, $0xFFFFF086  }
0x1c: {  	p1 =	slt.u32 s9, $0xF7A;
	s5 =	simm.s32 @!p2 $0x0  }
0x1d: {  	s5 =	simm.s32 @p1 $0x1;
	p0 =	seq.s32 s7, s2  }
0x1e: {  	s7 =	smul.u32 @!p0 $0xF7A, s2;
	p2 =	seq.s32 @!p0 s5, $0x0  }
0x1f: {  	s9 =	smul.u32 $0xF7A, s1;
	s8 =	simm.s32 @!p0 $0x1BF5;
	p2 =	por !p2, p0  }
0x20: {  	[sflag:s8] =	ssyncset.s32 @!p0 $0xFFFFF086;
	s6 =	sadd.s32 @!p0 s3, s7;
	s7 =	simm.s32 @!p0 $0x108  }
0x21: {  	s3 =	sadd.s32 s3, s9;
	s6 =	sadd.s32 @!p0 $0x88, s6;
	s7 =	simm.s32 @p2 $0x1082  }
0x22: {  	[simem:s7], [sflag:s8] =	dma.local @!p0 [hbm:s6], $0xF7A  }
0x23: {  	s9 =	sor.u32 $0xD0000000, s2;
	s6 =	simm.s32 $0x108;
	_ =	swait.ge @!p0 [sflag:s8], $0x0  }
0x24: {  	s3 =	sadd.s32 $0x88, s3;
	s6 =	simm.s32 @!p1 $0x1082;
	[sflag:s4] =	ssyncset.s32 $0xFFFFF086  }
0x25: {  	[simem:s6], [sflag:s4] =	dma.local [hbm:s3], $0xF7A  }
0x26: {  	[smem:$0x3F83] =	sst s1;
	(tag) =	ssettag s2;
	_ =	strace s9  }
0x27: {  	s1 =	sld [smem:$0x3F93]  }
0x28: {  	s2 =	sld [smem:$0x3F94]  }
0x29: {  	s4 =	sld [smem:$0x3F96]  }
0x2a: {  	p0 =	seq.s32 s5, $0x0;
	s5 =	sld [smem:$0x3F97]  }
0x2b: {  	s6 =	sld [smem:$0x3F98]  }
0x2c: {  	s7 =	sld [smem:$0x3F99]  }
0x2d: {  	s3 =	simm.s32 $0x108;
	s8 =	sld [smem:$0x3F9A]  }
0x2e: {  	s3 =	simm.s32 @!p0 $0x1082;
	s9 =	sld [smem:$0x3F9B]  }
0x2f: {  	lr =	sadd.s32 s0, s3;
	s0 =	sld [smem:$0x3F92]  }
0x30: {  	s3 =	sld [smem:$0x3F95]  }
0x31: {  	[smem:$0x3F9E] =	sst s10  }
0x32: {  	s10 =	sld [smem:$0x3F9C];
	_ =	sdelay $0x3  }
0x33: {  	p0 =	seq.s32 s10, $0x1;
	s10 =	sld [smem:$0x3F9E];
	_ =	sdelay $0x3  }
0x34: {  	[smem:$0x3F9E] =	sst s10  }
0x35: {  	s10 =	sld [smem:$0x3F9D];
	_ =	sdelay $0x3  }
0x36: {  	p1 =	seq.s32 s10, $0x1;
	s10 =	sld [smem:$0x3F9E];
	_ =	sdelay $0x3  }
0x37: {  	[smem:$0x3F9E] =	sst s10  }
0x38: {  	s10 =	sld [smem:$0x3F9F]  }
0x39: {  	_ = 	snop;
	(pc) =	sbr.ind lr, $3  }
0x3a: {  	_ = 	snop  }
0x3b: {  	_ = 	snop  }
0x3c: {  	p2 =	seq.s32 s10, $0x1;
	s10 =	sld [smem:$0x3F9E]  }
0x3d: {  	_ =	shalt  }
0x3e: {  	_ =	shalt  }
0x3f: {  	_ =	shalt  }
0x40: {  	_ =	shalt  }
0x41: {  	_ =	shalt  }
0x42: {  	_ =	shalt  }
0x43: {  	_ =	shalt  }
0x44: {  	_ =	shalt  }
0x45: {  	_ =	shalt  }
0x46: {  	_ =	shalt  }
0x47: {  	_ =	shalt  }
0x48: {  	_ =	shalt  }
0x49: {  	_ =	shalt  }
0x4a: {  	_ =	shalt  }
0x4b: {  	_ =	shalt  }
0x4c: {  	_ =	shalt  }
0x4d: {  	_ =	shalt  }
0x4e: {  	_ =	shalt  }
0x4f: {  	_ =	shalt  }
0x50: {  	_ =	shalt  }
0x51: {  	_ =	shalt  }
0x52: {  	_ =	shalt  }
0x53: {  	_ =	shalt  }
0x54: {  	_ =	shalt  }
0x55: {  	_ =	shalt  }
0x56: {  	_ =	shalt  }
0x57: {  	_ =	shalt  }
0x58: {  	_ =	shalt  }
0x59: {  	_ =	shalt  }
0x5a: {  	_ =	shalt  }
0x5b: {  	_ =	shalt  }
0x5c: {  	_ =	shalt  }
0x5d: {  	_ =	shalt  }
0x5e: {  	_ =	shalt  }
0x5f: {  	_ =	shalt  }
0x60: {  	_ =	shalt  }
0x61: {  	_ =	shalt  }
0x62: {  	_ =	shalt  }
0x63: {  	_ =	shalt  }
0x64: {  	_ =	shalt  }
0x65: {  	_ =	shalt  }
0x66: {  	_ =	shalt  }
0x67: {  	_ =	shalt  }
0x68: {  	_ =	shalt  }
0x69: {  	_ =	shalt  }
0x6a: {  	_ =	shalt  }
0x6b: {  	_ =	shalt  }
0x6c: {  	_ =	shalt  }
0x6d: {  	_ =	shalt  }
0x6e: {  	_ =	shalt  }
0x6f: {  	_ =	shalt  }
0x70: {  	_ =	shalt  }
0x71: {  	_ =	shalt  }
0x72: {  	_ =	shalt  }
0x73: {  	_ =	shalt  }
0x74: {  	_ =	shalt  }
0x75: {  	_ =	shalt  }
0x76: {  	_ =	shalt  }
0x77: {  	_ =	shalt  }
0x78: {  	_ =	shalt  }
0x79: {  	_ =	shalt  }
0x7a: {  	_ =	shalt  }
0x7b: {  	_ =	shalt  }
0x7c: {  	_ =	shalt  }
0x7d: {  	_ =	shalt  }
0x7e: {  	_ =	shalt  }
0x7f: {  	_ =	shalt  }
0x80: {  	_ =	shalt  }
0x81: {  	_ =	shalt  }
0x82: {  	_ =	shalt  }
0x83: {  	_ =	shalt  }
0x84: {  	_ =	shalt  }
0x85: {  	_ =	shalt  }
0x86: {  	_ =	shalt  }
0x87: {  	_ =	shalt  }
.Lfunc_end0:
.L_simem_size_0:
called_computation_lowered:
.L_overlay_start_0:
0x88: {  	s2 =	sld [smem:$0x3FD9]  }
0x89: {  	s3 =	sld [smem:$0x3FFE];
	_ =	sdelay $0x1  }
0x8a: {  	s1 =	srdreg.scid  }
0x8b: {  	s0 =	sand.u32 $0x1, s1  }
0x8c: {  	s17 =	sshll.u32 s0, $0xA;
	s2 =	sadd.s32 s3, s2  }
0x8d: {  	s2 =	sadd.s32 s2, s17  }
0x8e: {  	[smem:$0x3FAA] =	sst s2  }
0x8f: {  	_ = 	snop  }
0x90: {  	(tm) =	ssettm $0x1  }
0x91: {  	s18 =	sld [smem:$0x3FFB];
	_ =	sdelay $0x3  }
0x92: {  	_ =	strace s18  }
0x93: {  	s2 =	sld [smem:$0x3FFC];
	_ =	sdelay $0x3  }
0x94: {  	_ =	strace s2  }
0x95: {  	s2 =	sld [smem:$0x3FFD];
	_ =	sdelay $0x3  }
0x96: {  	_ =	strace s2  }
0x97: {  	_ =	strace $0x8FFFFFFF  }
0x98: {  	s19 =	sld [smem:$0x3FDB];
	_ =	sdelay $0x1  }
0x99: {  	s20 =	simm.s32 $_scs_section_size  }
0x9a: {  	s4 =	simm.s32 $_size__tile_overlayer_lowered;
	s5 =	simm.s32 $_tile_overlayer_lowered  }
0x9b: {  	s6 =	simm.s32 $0x1BFF;
	s21 =	sshll.u32 s5, $0x1;
	s3 =	sadd.s32 s20, s19  }
0x9c: {  	s22 =	simm.s32 $0x0;
	s4 =	sshll.u32 s4, $0x1;
	s5 =	sadd.s32 s21, s3  }
0x9d: {  	[timem:s22], [sflag:s6] =	dma.local [hbm:s5], s4  }
0x9e: {  	_ =	swait.ge [sflag:s6], s4  }
0x9f: {  	s4 =	ssub.s32 $0x0, s4;
	[sflag:s6] =	ssyncset.done $0x0  }
0xa0: {  	[sflag:s6] =	ssyncadd.s32 s4;
	_ =	sdelay $0x1  }
0xa1: {  	s23 =	simm.s32 $0x1B8B  }
0xa2: {  	_ =	swait.ge [sflag:s23], $0x1  }
0xa3: {  	[sflag:s23] =	ssyncset.done $0x0  }
0xa4: {  	[sflag:s23] =	ssyncadd.s32 $0xFFFFFFFF  }
0xa5: {  	s4 =	sld [smem:$0x0]  }
0xa6: {  	s5 =	sand.u32 $0xFFFFFFFE, s1  }
0xa7: {  	p0 =	sne.s32 s1, s5  }
0xa8: {  	s5 =	sshll.u32 @p0 s5, $0xE  }
0xa9: {  	s5 =	sadd.s32 @p0 $0x11B8D, s5;
	s6 =	sshll.u32 @p0 s4, $0x11  }
0xaa: {  	s5 =	sor.u32 @p0 s6, s5  }
0xab: {  	[sflag:s5] =	ssyncadd.remote.s32 @p0 $0x1;
	_ =	sdelay $0x1  }
0xac: {  	s5 =	simm.s32 @p0 $0x1B8D  }
0xad: {  	_ =	swait.eq @p0 [sflag:s5], $0x1  }
0xae: {  	[sflag:s5] =	ssyncadd.s32 @p0 $0xFFFFFFFF  }
0xaf: {  	s6 =	sshll.u32 @!p0 s1, $0xE  }
0xb0: {  	s6 =	sor.u32 @!p0 $0x4000, s6;
	s5 =	simm.s32 @!p0 $0x1B8D  }
0xb1: {  	s4 =	sshll.u32 @!p0 s4, $0x11;
	s6 =	sadd.s32 @!p0 $0x11B8D, s6;
	_ =	swait.eq @!p0 [sflag:s5], $0x1  }
0xb2: {  	s4 =	sor.u32 @!p0 s4, s6;
	[sflag:s5] =	ssyncadd.s32 @!p0 $0xFFFFFFFF  }
0xb3: {  	s25 =	simm.s32 $0x1B8E;
	s24 =	sld [smem:$0x3FFE];
	[sflag:s4] =	ssyncadd.remote.s32 @!p0 $0x1  }
0xb4: {  	s26 =	simm.s32 $execute0_lowered;
	[smem:$0x3FD2] =	sst s25  }
0xb5: {  	s5 =	sshll.u32 s26, $0x1;
	_ =	strace $0x8000004C;
	[dreg:$0x1] =	wrdreg $0xFFFFFFFF  }
0xb6: {  	s28 =	simm.s32 $_size_execute0_lowered;
	s3 =	sadd.s32 s3, s5;
	[dreg:$0x0] =	wrdreg $0x0  }
0xb7: {  	s5 =	sshll.u32 s28, $0x1;
	[dreg:$0x2] =	wrdreg s3  }
0xb8: {  	[dreg:$0x3] =	wrdreg s5  }
0xb9: {  	[dreg:$0x4] =	wrdreg $0xC0  }
0xba: {  	_ =	task [dreg:s22], $0x5FFFF  }
0xbb: {  	[dreg:$0x1] =	wrdreg $0xFFFFFFFF  }
0xbc: {  	[dreg:$0x0] =	wrdreg $0x60  }
0xbd: {  	[dreg:$0x2] =	wrdreg s24  }
0xbe: {  	[dreg:$0x3] =	wrdreg $0x9  }
0xbf: {  	_ =	task.clear_ibuf [dreg:s22], $0x4FFFF;
	_ =	strace $0x9000004C  }
0xc0: {  	s29 =	simm.s32 $0x9;
	_ =	strace $0x8000004E  }
0xc1: {  	_ =	swait.ge [sflag:s29], $0x1  }
0xc2: {  	[sflag:s29] =	ssyncadd.s32 $0xFFFFFFFF  }
0xc3: {  	_ =	strace $0x9000004E  }
0xc4: {  	_ =	sfence  }
0xc5: {  	s30 =	sld [smem:$0x0];
	_ =	sdelay $0x2  }
0xc6: {  	s31 =	sshll.u32 s1, $0xD;
	s1 =	sshrl.u32 s1, $0x2  }
0xc7: {  	s4 =	sand.u32 $0x4000, s31;
	s1 =	sadd.s32 s1, s30  }
0xc8: {  	s0 =	sor.u32 s4, s0;
	s1 =	sshll.u32 s1, $0x11  }
0xc9: {  	s0 =	sor.u32 s1, s0  }
0xca: {  	s0 =	sadd.s32 $0x8F2B, s0  }
0xcb: {  	[sflag:s0] =	ssyncadd.remote.s32 $0x1  }
0xcc: {  	_ =	sfence.sel $0xFFFF  }
0xcd: {  	[dreg:$0x0] =	wrdreg $0xFFFFFFFF;
	(pc) =	sbr.abs _section_cstart, $3  }
0xce: {  	[dreg:$0x1] =	wrdreg $0xFFFFFFFF  }
0xcf: {  	_ =	task.clear_ibuf [dreg:s22], $0x2FFFF;
	_ =	strace $0x9FFFFFFF  }
0xd0: {  	(tm) =	ssettm $0x7FFFFFFF  }
0xd1: {  	_ =	shalt  }
tec
execute0_lowered:
.L_overlay_start_1:
0x0: {  	(tag) =	ssettag $0x1  }
0x1: {  	s2 =	stileid.u32  }
0x2: {  	s0 =	srdreg.scid;
	s4 =	rddreg [dreg:$0x0]  }
0x3: {  	s12 =	simm.s32 $0x5;
	s13 =	simm.s32 $0xA80;
	s14 =	simm.s32 $0x60  }
0x4: {  	s15 =	simm.s32 $0x1500;
	s16 =	simm.s32 $0x7500;
	s17 =	simm.s32 $0x1  }
0x5: {  	s21 =	simm.s32 $0x2;
	s22 =	simm.s32 $0x3;
	s1 =	smul.u32 $0xD, s2  }
0x6: {  	s23 =	simm.s32 $0x4;
	s0 =	sand.u32 $0x1, s0;
	s3 =	smul.u32 $0x1B, s2  }
0x7: {  	s24 =	simm.s32 $0x0;
	p0 =	seq.s32 s0, $0x0;
	s1 =	sadd.s32 $0x1B0, s1  }
0x8: {  	s2 =	simm.s32 $0x0;
	s6 =	sadd.s32 $0xFC9A00, s4;
	s1 =	smov.u32 @p0 s3  }
0x9: {  	[smem:$0x7FF] =	sst s2;
	s0 =	ssub.s32 $0x2, s0;
	s5 =	smul.u32 $0x600, s1  }
0xa: {  	_ =	strace $0x8000004D;
	s30 =	sshrl.u32 s0, $0x1;
	s7 =	smul.u32 $0x60, s1  }
0xb: {  	s3 =	sadd.s32 $0x7AD000, s4;
	s0 =	ssub.s32 s0, s30;
	s1 =	smul.u32 $0xC, s1  }
0xc: {  	s11 =	sadd.s32 s5, s4;
	s31 =	sshrl.u32 s7, $0x3;
	s4 =	simm.s32 $0x1B  }
0xd: {  	s5 =	sadd.s32 s6, s1;
	s7 =	sadd.s32 s6, s31;
	s8 =	sadd.s32 $0xFCDA00, s11  }
0xe: {  	s4 =	simm.s32 @!p0 $0xD;
	s9 =	sadd.s32 $0x10BDA00, s11;
	s10 =	sadd.s32 $0xFCE000, s11  }
0xf: {  	s1 =	sadd.s32 $0x10BE000, s11;
	s6 =	sadd.s32 $0x1F80, s7;
	s7 =	smax.u32 s0, $0x1  }
.LBB2_1:
0x10: {  	[tilespmem:s2], [sflag:$0x5] =	stream.linear.gather [hbm4b:s5+s2], $0xA20, $0x38;
	[tilespmem:$0xD500] =	vst v63  }
0x11: {  	_ =	swait.ge [sflag:s12], $0xA20  }
0x12: {  	[sflag:s12] =	ssyncset.done $0x0  }
0x13: {  	[sflag:s12] =	ssyncadd.s32 $0xFFFFF5E0  }
0x14: {  	[tilespmem:s13], [sflag:$0x5] =	stream.linear.gather [hbm4b:s6+s2], $0xA20, $0x38;
	[tilespmem:$0xD500] =	vst v63  }
0x15: {  	_ =	swait.ge [sflag:s12], $0xA20  }
0x16: {  	[sflag:s12] =	ssyncset.done $0x0  }
0x17: {  	[sflag:s12] =	ssyncadd.s32 $0xFFFFF5E0  }
0x18: {  	[tilespmem:s15], [sflag:$0x1] =	stream.indirect.gather [hbm4b:s3+s14], $0x80, s2, s14, $0xb8;
	[tilespmem:$0xD500] =	vst v63  }
0x19: {  	_ = 	snop  }
0x1a: {  	[tilespmem:s16], [sflag:$0x2] =	stream.indirect.gather [hbm4b:s3+s14], $0x80, s13, s14, $0xb8;
	[tilespmem:$0xD500] =	vst v63  }
0x1b: {  	_ =	swait.ge [sflag:s17], $0x3000  }
0x1c: {  	[sflag:s17] =	ssyncset.done $0x0  }
0x1d: {  	[sflag:s17] =	ssyncadd.s32 $0xFFFFD000  }
0x1e: {  	_ =	swait.ge [sflag:s21], $0x3000  }
0x1f: {  	[sflag:s21] =	ssyncset.done $0x0  }
0x20: {  	s0 =	simm.s32 $0x4500;
	[sflag:s21] =	ssyncadd.s32 $0xFFFFD000  }
0x21: {  	[tilespmem:s0], [sflag:$0x1] =	stream.indirect.gather [hbm4b:s3+s14], $0x80, s14, s14, $0xb8;
	[tilespmem:$0xD500] =	vst v63  }
0x22: {  	s26 =	simm.s32 $0xAE0;
	s11 =	simm.s32 $0xA500  }
0x23: {  	[tilespmem:s11], [sflag:$0x2] =	stream.indirect.gather [hbm4b:s3+s14], $0x80, s26, s14, $0xb8;
	[tilespmem:$0xD500] =	vst v63  }
0x24: {  	_ = 	snop  }
0x25: {  	[hbm4b:s8+s2] =	stream.linear.scatter [tilespmem:s15], [sflag:$0x3], $0x3000, $0x38;
	[tilespmem:$0xD500] =	vst v63  }
0x26: {  	_ = 	snop  }
0x27: {  	[hbm4b:s9+s2] =	stream.linear.scatter [tilespmem:s16], [sflag:$0x4], $0x3000, $0x38;
	[tilespmem:$0xD500] =	vst v63  }
0x28: {  	_ =	swait.ge [sflag:s17], $0x3000  }
0x29: {  	[sflag:s17] =	ssyncset.done $0x0  }
0x2a: {  	[sflag:s17] =	ssyncadd.s32 $0xFFFFD000  }
0x2b: {  	_ =	swait.ge [sflag:s21], $0x3000  }
0x2c: {  	[sflag:s21] =	ssyncset.done $0x0  }
0x2d: {  	[sflag:s21] =	ssyncadd.s32 $0xFFFFD000  }
0x2e: {  	s18 =	simm.s32 $0x1;
	_ =	swait.ge [sflag:s22], $0x3000  }
0x2f: {  	s25 =	simm.s32 $0xC0;
	s0 =	sand.u32 $0x1, s18;
	[sflag:s22] =	ssyncset.done $0x0  }
0x30: {  	s20 =	simm.s32 $0xB40;
	s19 =	sxor.u32 $0x1, s0;
	[sflag:s22] =	ssyncadd.s32 $0xFFFFD000  }
0x31: {  	s28 =	simm.s32 $0x3;
	s11 =	smul.u32 $0x3000, s19;
	_ =	swait.ge [sflag:s23], $0x3000  }
0x32: {  	p0 =	sne.s32 s4, $0x3;
	s30 =	simm.s32 $0xBA0;
	[sflag:s23] =	ssyncset.done $0x0  }
0x33: {  	s0 =	smul.u32 $0x3000, s0;
	s26 =	sadd.s32 $0x1500, s11;
	[sflag:s23] =	ssyncadd.s32 $0xFFFFD000  }
0x34: {  	[tilespmem:s26], [sflag:$0x1] =	stream.indirect.gather [hbm4b:s3+s14], $0x80, s25, s14, $0xb8;
	[tilespmem:$0xD500] =	vst v63  }
.Ltmp0:
0x35: {  	s31 =	simm.s32 $0x120;
	s11 =	sadd.s32 $0x7500, s11;
	(pc) =	sbr.rel @!p0 .LBB2_3-.Ltmp0, $4  }
0x36: {  	[tilespmem:s11], [sflag:$0x2] =	stream.indirect.gather [hbm4b:s3+s14], $0x80, s20, s14, $0xb8;
	[tilespmem:$0xD500] =	vst v63  }
0x37: {  	s29 =	simm.s32 $0x2;
	s26 =	sadd.s32 $0x1500, s0;
	s25 =	sadd.s32 $0x600, s1  }
0x38: {  	[hbm4b:s10+s2] =	stream.linear.scatter [tilespmem:s26], [sflag:$0x3], $0x3000, $0x38;
	[tilespmem:$0xD500] =	vst v63  }
0x39: {  	s0 =	sadd.s32 $0x7500, s0;
	s11 =	smov.u32 s1;
	s26 =	sadd.s32 $0x600, s10  }
.LBB2_2:
0x3a: {  	s29 =	smov.u32 s28  }
0x3b: {  	[hbm4b:s11+s2] =	stream.linear.scatter [tilespmem:s0], [sflag:$0x4], $0x3000, $0x38;
	[tilespmem:$0xD500] =	vst v63  }
0x3c: {  	s0 =	smov.u32 s28;
	s28 =	sadd.s32 $0x1, s28;
	_ =	swait.ge [sflag:s17], $0x3000  }
0x3d: {  	s18 =	smov.u32 s26;
	p0 =	sne.s32 s4, s28;
	[sflag:s17] =	ssyncset.done $0x0  }
0x3e: {  	s11 =	smov.u32 s25;
	[sflag:s17] =	ssyncadd.s32 $0xFFFFD000  }
0x3f: {  	_ =	swait.ge [sflag:s21], $0x3000  }
0x40: {  	[sflag:s21] =	ssyncset.done $0x0  }
0x41: {  	[sflag:s21] =	ssyncadd.s32 $0xFFFFD000  }
0x42: {  	s0 =	sadd.s32 $0xFFFFFFFF, s0;
	_ =	swait.ge [sflag:s22], $0x3000  }
0x43: {  	s0 =	sand.u32 $0x1, s0;
	[sflag:s22] =	ssyncset.done $0x0  }
0x44: {  	s19 =	smul.u32 $0x3000, s0;
	s0 =	sxor.u32 $0x1, s0;
	[sflag:s22] =	ssyncadd.s32 $0xFFFFD000  }
0x45: {  	s0 =	smul.u32 $0x3000, s0;
	_ =	swait.ge [sflag:s23], $0x3000  }
0x46: {  	[sflag:s23] =	ssyncset.done $0x0  }
0x47: {  	s20 =	sadd.s32 $0x1500, s0;
	[sflag:s23] =	ssyncadd.s32 $0xFFFFD000  }
0x48: {  	[tilespmem:s20], [sflag:$0x1] =	stream.indirect.gather [hbm4b:s3+s14], $0x80, s31, s14, $0xb8;
	[tilespmem:$0xD500] =	vst v63  }
.Ltmp1:
0x49: {  	s0 =	sadd.s32 $0x7500, s0;
	(pc) =	sbr.rel @p0 .LBB2_2-.Ltmp1, $4  }
0x4a: {  	[tilespmem:s0], [sflag:$0x2] =	stream.indirect.gather [hbm4b:s3+s14], $0x80, s30, s14, $0xb8;
	[tilespmem:$0xD500] =	vst v63  }
0x4b: {  	s26 =	sadd.s32 $0x600, s26;
	s25 =	sadd.s32 $0x600, s25;
	s0 =	sadd.s32 $0x1500, s19  }
0x4c: {  	[hbm4b:s18+s2] =	stream.linear.scatter [tilespmem:s0], [sflag:$0x3], $0x3000, $0x38;
	[tilespmem:$0xD500] =	vst v63  }
0x4d: {  	s31 =	sadd.s32 $0x60, s31;
	s30 =	sadd.s32 $0x60, s30;
	s0 =	sadd.s32 $0x7500, s19  }
.LBB2_3:
0x4e: {  	[hbm4b:s11+s2] =	stream.linear.scatter [tilespmem:s0], [sflag:$0x4], $0x3000, $0x38;
	[tilespmem:$0xD500] =	vst v63  }
0x4f: {  	_ =	swait.ge [sflag:s17], $0x3000  }
0x50: {  	[sflag:s17] =	ssyncset.done $0x0  }
0x51: {  	[sflag:s17] =	ssyncadd.s32 $0xFFFFD000  }
0x52: {  	_ =	swait.ge [sflag:s21], $0x3000  }
0x53: {  	[sflag:s21] =	ssyncset.done $0x0  }
0x54: {  	[sflag:s21] =	ssyncadd.s32 $0xFFFFD000  }
0x55: {  	_ =	swait.ge [sflag:s22], $0x3000  }
0x56: {  	[sflag:s22] =	ssyncset.done $0x0  }
0x57: {  	s30 =	sand.u32 $0x1, s29;
	[sflag:s22] =	ssyncadd.s32 $0xFFFFD000  }
0x58: {  	s0 =	smul.u32 $0x3000, s30;
	_ =	swait.ge [sflag:s23], $0x3000  }
0x59: {  	[sflag:s23] =	ssyncset.done $0x0  }
0x5a: {  	s31 =	sadd.s32 $0x1500, s0;
	[sflag:s23] =	ssyncadd.s32 $0xFFFFD000  }
0x5b: {  	[hbm4b:s26+s2] =	stream.linear.scatter [tilespmem:s31], [sflag:$0x3], $0x3000, $0x38;
	[tilespmem:$0xD500] =	vst v63  }
0x5c: {  	s24 =	sadd.s32 $0x1, s24;
	s0 =	sadd.s32 $0x7500, s0  }
0x5d: {  	[hbm4b:s25+s2] =	stream.linear.scatter [tilespmem:s0], [sflag:$0x4], $0x3000, $0x38;
	[tilespmem:$0xD500] =	vst v63  }
0x5e: {  	p0 =	sne.s32 s24, s7;
	_ =	swait.ge [sflag:s22], $0x3000  }
.Ltmp2:
0x5f: {  	[sflag:s22] =	ssyncset.done $0x0;
	(pc) =	sbr.rel @p0 .LBB2_1-.Ltmp2, $4  }
0x60: {  	[sflag:s22] =	ssyncadd.s32 $0xFFFFD000  }
0x61: {  	_ =	swait.ge [sflag:s23], $0x3000  }
0x62: {  	[sflag:s23] =	ssyncset.done $0x0  }
0x63: {  	[sflag:s23] =	ssyncadd.s32 $0xFFFFD000  }
0x64: {  	_ =	sfence.sel $0x180000  }
0x65: {  	[bflag:$0x0] =	sbarrier.arrive $0xFFFF  }
0x66: {  	_ =	strace $0x9000004D  }
0x67: {  	s0 =	stileid.u32;
	[bflag:$0x2] =	sbarrier.arrive $0xFFFF  }
0x68: {  	p0 =	sne.s32 s0, $0x0;
	s0 =	rddreg [dreg:$0x1]  }
0x69: {  	s0 =	sadd.s32 @!p0 $0x100000, s0  }
0x6a: {  	[sflag:s0] =	ssyncadd.tile.s32 @!p0 $0x1;
	_ =	shalt  }
.Lfunc_end2:
_tile_overlayer_lowered:
.L_overlay_start_2:
0x6b: {  	(tag) =	ssettag $0x2  }
0x6c: {  	s0 =	rddreg [dreg:$0x0];
	s2 =	stileid.u32  }
0x6d: {  	s1 =	rddreg [dreg:$0x1];
	p0 =	sne.s32 s2, $0x0  }
0x6e: {  	s3 =	rddreg [dreg:$0x2];
	[bflag:$0x3] =	sbarrier.arrive $0xFFFF;
	s2 =	simm.s32 @!p0 $0x1C05  }
0x6f: {  	[timem:s3], [sflag:s2] =	dma.local @!p0 [hbm:s0], s1  }
0x70: {  	s0 =	simm.s32 @!p0 $0x5  }
0x71: {  	_ =	swait.ge @!p0 [sflag:s0], s1  }
0x72: {  	s1 =	ssub.s32 @!p0 $0x0, s1;
	[sflag:s0] =	ssyncset.done @!p0 $0x0  }
0x73: {  	[sflag:s0] =	ssyncadd.s32 @!p0 s1  }
0x74: {  	[bflag:$0x3] =	sbarrier.arrive $0xFFFF  }
0x75: {  	_ =	shalt  }

// kernel: sc_gather_l3.3.cloned.1.call-start
scs
__scs_entry_jumppad:
0x0: {  	(pc) =	sbr.rel $0x88, $3  }
0x1: {  	(tag) =	ssettag $0x0;
	lr =	simm.s32 $0x1  }
0x2: {  	[smem:$0x3F83] =	sst lr;
	_ =	strace $0xD0000000  }
0x3: {  	_ = 	snop  }
0x4: {  	_ = 	snop  }
0x5: {  	_ = 	snop  }
0x6: {  	_ = 	snop  }
0x7: {  	_ = 	snop  }
__scs_overlays_trampoline_lowered:
0x8: {  	[smem:$0x3F92] =	sst s0  }
0x9: {  	[smem:$0x3F93] =	sst s1  }
0xa: {  	[smem:$0x3F94] =	sst s2  }
0xb: {  	[smem:$0x3F95] =	sst s3  }
0xc: {  	[smem:$0x3F96] =	sst s4  }
0xd: {  	[smem:$0x3F97] =	sst s5  }
0xe: {  	[smem:$0x3F98] =	sst s6  }
0xf: {  	[smem:$0x3F99] =	sst s7  }
0x10: {  	[smem:$0x3F9A] =	sst s8  }
0x11: {  	[smem:$0x3F9B] =	sst s9;
	s0 =	simm.s32 @!p0 $0x0  }
0x12: {  	s1 =	sld [smem:$0x3F81];
	s0 =	simm.s32 @p0 $0x1  }
0x13: {  	[smem:$0x3F9C] =	sst s0;
	s0 =	simm.s32 @!p1 $0x0  }
0x14: {  	s2 =	sld [smem:$0x3F80];
	s0 =	simm.s32 @p1 $0x1  }
0x15: {  	[smem:$0x3F9D] =	sst s0;
	s0 =	simm.s32 @!p2 $0x0  }
0x16: {  	s3 =	sld [smem:$0x3FDB];
	s0 =	simm.s32 @p2 $0x1  }
0x17: {  	s4 =	simm.s32 $0x1BF5;
	[smem:$0x3F9F] =	sst s0  }
0x18: {  	s0 =	sld [smem:$0x3F82];
	_ =	swait.ge [sflag:s4], $0x0  }
0x19: {  	s7 =	sld [smem:$0x3F83]  }
0x1a: {  	s8 =	sadd.s32 $0xFFFFE003, lr  }
0x1b: {  	s9 =	sadd.s32 $0xFFFFFEF7, lr;
	s5 =	simm.s32 $0xFFFFFFFF;
	p2 =	slt.u32 s8, $0xFFFFF086  }
0x1c: {  	p1 =	slt.u32 s9, $0xF7A;
	s5 =	simm.s32 @!p2 $0x0  }
0x1d: {  	s5 =	simm.s32 @p1 $0x1;
	p0 =	seq.s32 s7, s2  }
0x1e: {  	s7 =	smul.u32 @!p0 $0xF7A, s2;
	p2 =	seq.s32 @!p0 s5, $0x0  }
0x1f: {  	s9 =	smul.u32 $0xF7A, s1;
	s8 =	simm.s32 @!p0 $0x1BF5;
	p2 =	por !p2, p0  }
0x20: {  	[sflag:s8] =	ssyncset.s32 @!p0 $0xFFFFF086;
	s6 =	sadd.s32 @!p0 s3, s7;
	s7 =	simm.s32 @!p0 $0x108  }
0x21: {  	s3 =	sadd.s32 s3, s9;
	s6 =	sadd.s32 @!p0 $0x88, s6;
	s7 =	simm.s32 @p2 $0x1082  }
0x22: {  	[simem:s7], [sflag:s8] =	dma.local @!p0 [hbm:s6], $0xF7A  }
0x23: {  	s9 =	sor.u32 $0xD0000000, s2;
	s6 =	simm.s32 $0x108;
	_ =	swait.ge @!p0 [sflag:s8], $0x0  }
0x24: {  	s3 =	sadd.s32 $0x88, s3;
	s6 =	simm.s32 @!p1 $0x1082;
	[sflag:s4] =	ssyncset.s32 $0xFFFFF086  }
0x25: {  	[simem:s6], [sflag:s4] =	dma.local [hbm:s3], $0xF7A  }
0x26: {  	[smem:$0x3F83] =	sst s1;
	(tag) =	ssettag s2;
	_ =	strace s9  }
0x27: {  	s1 =	sld [smem:$0x3F93]  }
0x28: {  	s2 =	sld [smem:$0x3F94]  }
0x29: {  	s4 =	sld [smem:$0x3F96]  }
0x2a: {  	p0 =	seq.s32 s5, $0x0;
	s5 =	sld [smem:$0x3F97]  }
0x2b: {  	s6 =	sld [smem:$0x3F98]  }
0x2c: {  	s7 =	sld [smem:$0x3F99]  }
0x2d: {  	s3 =	simm.s32 $0x108;
	s8 =	sld [smem:$0x3F9A]  }
0x2e: {  	s3 =	simm.s32 @!p0 $0x1082;
	s9 =	sld [smem:$0x3F9B]  }
0x2f: {  	lr =	sadd.s32 s0, s3;
	s0 =	sld [smem:$0x3F92]  }
0x30: {  	s3 =	sld [smem:$0x3F95]  }
0x31: {  	[smem:$0x3F9E] =	sst s10  }
0x32: {  	s10 =	sld [smem:$0x3F9C];
	_ =	sdelay $0x3  }
0x33: {  	p0 =	seq.s32 s10, $0x1;
	s10 =	sld [smem:$0x3F9E];
	_ =	sdelay $0x3  }
0x34: {  	[smem:$0x3F9E] =	sst s10  }
0x35: {  	s10 =	sld [smem:$0x3F9D];
	_ =	sdelay $0x3  }
0x36: {  	p1 =	seq.s32 s10, $0x1;
	s10 =	sld [smem:$0x3F9E];
	_ =	sdelay $0x3  }
0x37: {  	[smem:$0x3F9E] =	sst s10  }
0x38: {  	s10 =	sld [smem:$0x3F9F]  }
0x39: {  	_ = 	snop;
	(pc) =	sbr.ind lr, $3  }
0x3a: {  	_ = 	snop  }
0x3b: {  	_ = 	snop  }
0x3c: {  	p2 =	seq.s32 s10, $0x1;
	s10 =	sld [smem:$0x3F9E]  }
0x3d: {  	_ =	shalt  }
0x3e: {  	_ =	shalt  }
0x3f: {  	_ =	shalt  }
0x40: {  	_ =	shalt  }
0x41: {  	_ =	shalt  }
0x42: {  	_ =	shalt  }
0x43: {  	_ =	shalt  }
0x44: {  	_ =	shalt  }
0x45: {  	_ =	shalt  }
0x46: {  	_ =	shalt  }
0x47: {  	_ =	shalt  }
0x48: {  	_ =	shalt  }
0x49: {  	_ =	shalt  }
0x4a: {  	_ =	shalt  }
0x4b: {  	_ =	shalt  }
0x4c: {  	_ =	shalt  }
0x4d: {  	_ =	shalt  }
0x4e: {  	_ =	shalt  }
0x4f: {  	_ =	shalt  }
0x50: {  	_ =	shalt  }
0x51: {  	_ =	shalt  }
0x52: {  	_ =	shalt  }
0x53: {  	_ =	shalt  }
0x54: {  	_ =	shalt  }
0x55: {  	_ =	shalt  }
0x56: {  	_ =	shalt  }
0x57: {  	_ =	shalt  }
0x58: {  	_ =	shalt  }
0x59: {  	_ =	shalt  }
0x5a: {  	_ =	shalt  }
0x5b: {  	_ =	shalt  }
0x5c: {  	_ =	shalt  }
0x5d: {  	_ =	shalt  }
0x5e: {  	_ =	shalt  }
0x5f: {  	_ =	shalt  }
0x60: {  	_ =	shalt  }
0x61: {  	_ =	shalt  }
0x62: {  	_ =	shalt  }
0x63: {  	_ =	shalt  }
0x64: {  	_ =	shalt  }
0x65: {  	_ =	shalt  }
0x66: {  	_ =	shalt  }
0x67: {  	_ =	shalt  }
0x68: {  	_ =	shalt  }
0x69: {  	_ =	shalt  }
0x6a: {  	_ =	shalt  }
0x6b: {  	_ =	shalt  }
0x6c: {  	_ =	shalt  }
0x6d: {  	_ =	shalt  }
0x6e: {  	_ =	shalt  }
0x6f: {  	_ =	shalt  }
0x70: {  	_ =	shalt  }
0x71: {  	_ =	shalt  }
0x72: {  	_ =	shalt  }
0x73: {  	_ =	shalt  }
0x74: {  	_ =	shalt  }
0x75: {  	_ =	shalt  }
0x76: {  	_ =	shalt  }
0x77: {  	_ =	shalt  }
0x78: {  	_ =	shalt  }
0x79: {  	_ =	shalt  }
0x7a: {  	_ =	shalt  }
0x7b: {  	_ =	shalt  }
0x7c: {  	_ =	shalt  }
0x7d: {  	_ =	shalt  }
0x7e: {  	_ =	shalt  }
0x7f: {  	_ =	shalt  }
0x80: {  	_ =	shalt  }
0x81: {  	_ =	shalt  }
0x82: {  	_ =	shalt  }
0x83: {  	_ =	shalt  }
0x84: {  	_ =	shalt  }
0x85: {  	_ =	shalt  }
0x86: {  	_ =	shalt  }
0x87: {  	_ =	shalt  }
.Lfunc_end0:
.L_simem_size_0:
called_computation.1_lowered:
.L_overlay_start_0:
0x88: {  	s2 =	sld [smem:$0x3FD9]  }
0x89: {  	s3 =	sld [smem:$0x3FFE];
	_ =	sdelay $0x1  }
0x8a: {  	s1 =	srdreg.scid  }
0x8b: {  	s0 =	sand.u32 $0x1, s1  }
0x8c: {  	s17 =	sshll.u32 s0, $0xA;
	s2 =	sadd.s32 s3, s2  }
0x8d: {  	s2 =	sadd.s32 s2, s17  }
0x8e: {  	[smem:$0x3FAA] =	sst s2  }
0x8f: {  	_ = 	snop  }
0x90: {  	(tm) =	ssettm $0x1  }
0x91: {  	s18 =	sld [smem:$0x3FFB];
	_ =	sdelay $0x3  }
0x92: {  	_ =	strace s18  }
0x93: {  	s2 =	sld [smem:$0x3FFC];
	_ =	sdelay $0x3  }
0x94: {  	_ =	strace s2  }
0x95: {  	s2 =	sld [smem:$0x3FFD];
	_ =	sdelay $0x3  }
0x96: {  	_ =	strace s2  }
0x97: {  	_ =	strace $0x8FFFFFFF  }
0x98: {  	s19 =	sld [smem:$0x3FDB];
	_ =	sdelay $0x1  }
0x99: {  	s20 =	simm.s32 $_scs_section_size  }
0x9a: {  	s4 =	simm.s32 $_size__tile_overlayer_lowered;
	s5 =	simm.s32 $_tile_overlayer_lowered  }
0x9b: {  	s6 =	simm.s32 $0x1BFF;
	s21 =	sshll.u32 s5, $0x1;
	s3 =	sadd.s32 s20, s19  }
0x9c: {  	s22 =	simm.s32 $0x0;
	s4 =	sshll.u32 s4, $0x1;
	s5 =	sadd.s32 s21, s3  }
0x9d: {  	[timem:s22], [sflag:s6] =	dma.local [hbm:s5], s4  }
0x9e: {  	_ =	swait.ge [sflag:s6], s4  }
0x9f: {  	s4 =	ssub.s32 $0x0, s4;
	[sflag:s6] =	ssyncset.done $0x0  }
0xa0: {  	[sflag:s6] =	ssyncadd.s32 s4;
	_ =	sdelay $0x1  }
0xa1: {  	s23 =	simm.s32 $0x1B8B  }
0xa2: {  	_ =	swait.ge [sflag:s23], $0x1  }
0xa3: {  	[sflag:s23] =	ssyncset.done $0x0  }
0xa4: {  	[sflag:s23] =	ssyncadd.s32 $0xFFFFFFFF  }
0xa5: {  	s4 =	sld [smem:$0x0]  }
0xa6: {  	s5 =	sand.u32 $0xFFFFFFFE, s1  }
0xa7: {  	p0 =	sne.s32 s1, s5  }
0xa8: {  	s5 =	sshll.u32 @p0 s5, $0xE  }
0xa9: {  	s5 =	sadd.s32 @p0 $0x11B8D, s5;
	s6 =	sshll.u32 @p0 s4, $0x11  }
0xaa: {  	s5 =	sor.u32 @p0 s6, s5  }
0xab: {  	[sflag:s5] =	ssyncadd.remote.s32 @p0 $0x1;
	_ =	sdelay $0x1  }
0xac: {  	s5 =	simm.s32 @p0 $0x1B8D  }
0xad: {  	_ =	swait.eq @p0 [sflag:s5], $0x1  }
0xae: {  	[sflag:s5] =	ssyncadd.s32 @p0 $0xFFFFFFFF  }
0xaf: {  	s6 =	sshll.u32 @!p0 s1, $0xE  }
0xb0: {  	s6 =	sor.u32 @!p0 $0x4000, s6;
	s5 =	simm.s32 @!p0 $0x1B8D  }
0xb1: {  	s4 =	sshll.u32 @!p0 s4, $0x11;
	s6 =	sadd.s32 @!p0 $0x11B8D, s6;
	_ =	swait.eq @!p0 [sflag:s5], $0x1  }
0xb2: {  	s4 =	sor.u32 @!p0 s4, s6;
	[sflag:s5] =	ssyncadd.s32 @!p0 $0xFFFFFFFF  }
0xb3: {  	s25 =	simm.s32 $0x1B8E;
	s24 =	sld [smem:$0x3FFE];
	[sflag:s4] =	ssyncadd.remote.s32 @!p0 $0x1  }
0xb4: {  	s26 =	simm.s32 $execute0_lowered;
	[smem:$0x3FD2] =	sst s25  }
0xb5: {  	s5 =	sshll.u32 s26, $0x1;
	_ =	strace $0x80000049;
	[dreg:$0x1] =	wrdreg $0xFFFFFFFF  }
0xb6: {  	s28 =	simm.s32 $_size_execute0_lowered;
	s3 =	sadd.s32 s3, s5;
	[dreg:$0x0] =	wrdreg $0x0  }
0xb7: {  	s5 =	sshll.u32 s28, $0x1;
	[dreg:$0x2] =	wrdreg s3  }
0xb8: {  	[dreg:$0x3] =	wrdreg s5  }
0xb9: {  	[dreg:$0x4] =	wrdreg $0xC0  }
0xba: {  	_ =	task [dreg:s22], $0x5FFFF  }
0xbb: {  	[dreg:$0x1] =	wrdreg $0xFFFFFFFF  }
0xbc: {  	[dreg:$0x0] =	wrdreg $0x60  }
0xbd: {  	[dreg:$0x2] =	wrdreg s24  }
0xbe: {  	[dreg:$0x3] =	wrdreg $0xA  }
0xbf: {  	_ =	task.clear_ibuf [dreg:s22], $0x4FFFF;
	_ =	strace $0x90000049  }
0xc0: {  	s29 =	simm.s32 $0xA;
	_ =	strace $0x8000004B  }
0xc1: {  	_ =	swait.ge [sflag:s29], $0x1  }
0xc2: {  	[sflag:s29] =	ssyncadd.s32 $0xFFFFFFFF  }
0xc3: {  	_ =	strace $0x9000004B  }
0xc4: {  	_ =	sfence  }
0xc5: {  	s30 =	sld [smem:$0x0];
	_ =	sdelay $0x2  }
0xc6: {  	s31 =	sshll.u32 s1, $0xD;
	s1 =	sshrl.u32 s1, $0x2  }
0xc7: {  	s4 =	sand.u32 $0x4000, s31;
	s1 =	sadd.s32 s1, s30  }
0xc8: {  	s0 =	sor.u32 s4, s0;
	s1 =	sshll.u32 s1, $0x11  }
0xc9: {  	s0 =	sor.u32 s1, s0  }
0xca: {  	s0 =	sadd.s32 $0x8F2B, s0  }
0xcb: {  	[sflag:s0] =	ssyncadd.remote.s32 $0x1  }
0xcc: {  	_ =	sfence.sel $0xFFFF  }
0xcd: {  	[dreg:$0x0] =	wrdreg $0xFFFFFFFF;
	(pc) =	sbr.abs _section_cstart, $3  }
0xce: {  	[dreg:$0x1] =	wrdreg $0xFFFFFFFF  }
0xcf: {  	_ =	task.clear_ibuf [dreg:s22], $0x2FFFF;
	_ =	strace $0x9FFFFFFF  }
0xd0: {  	(tm) =	ssettm $0x7FFFFFFF  }
0xd1: {  	_ =	shalt  }
tec
execute0_lowered:
.L_overlay_start_1:
0x0: {  	(tag) =	ssettag $0x1  }
0x1: {  	s0 =	rddreg [dreg:$0x0];
	s4 =	stileid.u32  }
0x2: {  	s1 =	srdreg.scid;
	s2 =	simm.s32 $0x0;
	s16 =	simm.s32 $0x7  }
0x3: {  	s19 =	simm.s32 $0x60;
	s22 =	simm.s32 $0xDF80;
	s3 =	smul.u32 $0xD, s4  }
0x4: {  	s23 =	simm.s32 $0x1;
	s1 =	sand.u32 $0x1, s1;
	s4 =	smul.u32 $0x1B, s4  }
0x5: {  	s31 =	simm.s32 $0x2;
	p0 =	seq.s32 s1, $0x0;
	s6 =	sadd.s32 $0x1B0, s3  }
0x6: {  	[smem:$0x7FF] =	sst s2;
	s1 =	ssub.s32 $0x2, s1;
	s6 =	smov.u32 @p0 s4  }
0x7: {  	s7 =	sadd.s32 $0xCF3A00, s0;
	s9 =	sshrl.u32 s1, $0x1;
	s5 =	smul.u32 $0x600, s6  }
0x8: {  	_ =	strace $0x8000004A;
	s1 =	ssub.s32 s1, s9;
	s8 =	smul.u32 $0x60, s6  }
0x9: {  	s3 =	sadd.s32 $0x49FC00, s0;
	s6 =	smul.u32 $0xC, s6;
	s1 =	smax.u32 s1, $0x1  }
0xa: {  	s4 =	sadd.s32 $0x626600, s0;
	[dreg:$0x7] =	wrdreg s1;
	s1 =	simm.s32 $0x5  }
0xb: {  	s0 =	sadd.s32 s5, s0;
	s5 =	simm.s32 $0x1B;
	s6 =	sadd.s32 s7, s6  }
0xc: {  	s8 =	sshrl.u32 s8, $0x3;
	s5 =	simm.s32 @!p0 $0xD;
	[dreg:$0x3] =	wrdreg s6  }
0xd: {  	s24 =	sadd.s32 s7, s8;
	s26 =	sadd.s32 $0xCF9A00, s0;
	s28 =	sadd.s32 $0xDE9A00, s0  }
0xe: {  	s30 =	sadd.s32 $0xED9A00, s0;
	s13 =	sadd.s32 $0xCFA000, s0;
	[dreg:$0x6] =	wrdreg s26  }
0xf: {  	s14 =	sadd.s32 $0xDEA000, s0;
	s9 =	sadd.s32 $0xEDA000, s0;
	[dreg:$0x8] =	wrdreg s28  }
0x10: {  	s25 =	smul.u32 $0x180, s5;
	s8 =	sadd.s32 $0x1F80, s24;
	[dreg:$0x9] =	wrdreg s30  }
0x11: {  	s0 =	simm.s32 $0x4;
	s6 =	sadd.s32 $0x3F00, s24;
	[dreg:$0x4] =	wrdreg s8  }
0x12: {  	s24 =	simm.s32 $0x3;
	[dreg:$0x5] =	wrdreg s6;
	s29 =	sadd.s32 $0xFFFFFD00, s25  }
0x13: {  	s26 =	simm.s32 $0x0;
	s25 =	simm.s32 $0x6;
	[dreg:$0x2] =	wrdreg s29  }
.LBB2_1:
0x14: {  	s6 =	rddreg [dreg:$0x3]  }
0x15: {  	[tilespmem:s2], [sflag:$0x7] =	stream.linear.gather [hbm4b:s6+s2], $0xA20, $0x38;
	[tilespmem:$0x13F80] =	vst v63  }
0x16: {  	_ =	swait.ge [sflag:s16], $0xA20  }
0x17: {  	[sflag:s16] =	ssyncset.done $0x0  }
0x18: {  	s7 =	simm.s32 $0xA80;
	s11 =	rddreg [dreg:$0x4];
	[sflag:s16] =	ssyncadd.s32 $0xFFFFF5E0  }
0x19: {  	[tilespmem:s7], [sflag:$0x7] =	stream.linear.gather [hbm4b:s11+s2], $0xA20, $0x38;
	[tilespmem:$0x13F80] =	vst v63  }
0x1a: {  	_ =	swait.ge [sflag:s16], $0xA20  }
0x1b: {  	[sflag:s16] =	ssyncset.done $0x0  }
0x1c: {  	s8 =	simm.s32 $0x1500;
	s12 =	rddreg [dreg:$0x5];
	[sflag:s16] =	ssyncadd.s32 $0xFFFFF5E0  }
0x1d: {  	[tilespmem:s8], [sflag:$0x7] =	stream.linear.gather [hbm4b:s12+s2], $0xA20, $0x38;
	[tilespmem:$0x13F80] =	vst v63  }
0x1e: {  	_ =	swait.ge [sflag:s16], $0xA20  }
0x1f: {  	[sflag:s16] =	ssyncset.done $0x0  }
0x20: {  	s10 =	simm.s32 $0x1F80;
	[sflag:s16] =	ssyncadd.s32 $0xFFFFF5E0  }
0x21: {  	[tilespmem:s10], [sflag:$0x1] =	stream.indirect.gather [hbm4b:s3+s19], $0x80, s2, s19, $0xb8;
	[tilespmem:$0x13F80] =	vst v63  }
0x22: {  	s11 =	simm.s32 $0x7F80  }
0x23: {  	[tilespmem:s11], [sflag:$0x2] =	stream.indirect.gather [hbm4b:s4+s19], $0x80, s7, s19, $0xb8;
	[tilespmem:$0x13F80] =	vst v63  }
0x24: {  	_ = 	snop  }
0x25: {  	[tilespmem:s22], [sflag:$0x3] =	stream.indirect.gather [hbm4b:s3+s19], $0x80, s8, s19, $0xb8;
	[tilespmem:$0x13F80] =	vst v63  }
0x26: {  	_ =	swait.ge [sflag:s23], $0x3000  }
0x27: {  	[sflag:s23] =	ssyncset.done $0x0  }
0x28: {  	[sflag:s23] =	ssyncadd.s32 $0xFFFFD000  }
0x29: {  	_ =	swait.ge [sflag:s31], $0x3000  }
0x2a: {  	[sflag:s31] =	ssyncset.done $0x0  }
0x2b: {  	[sflag:s31] =	ssyncadd.s32 $0xFFFFD000  }
0x2c: {  	_ =	swait.ge [sflag:s24], $0x3000  }
0x2d: {  	[sflag:s24] =	ssyncset.done $0x0  }
0x2e: {  	s15 =	simm.s32 $0x4F80;
	[sflag:s24] =	ssyncadd.s32 $0xFFFFD000  }
0x2f: {  	[tilespmem:s15], [sflag:$0x1] =	stream.indirect.gather [hbm4b:s3+s19], $0x80, s19, s19, $0xb8;
	[tilespmem:$0x13F80] =	vst v63  }
0x30: {  	s17 =	simm.s32 $0xAE0;
	s18 =	simm.s32 $0xAF80  }
0x31: {  	[tilespmem:s18], [sflag:$0x2] =	stream.indirect.gather [hbm4b:s4+s19], $0x80, s17, s19, $0xb8;
	[tilespmem:$0x13F80] =	vst v63  }
0x32: {  	s20 =	simm.s32 $0x1560;
	s21 =	simm.s32 $0x10F80  }
0x33: {  	[tilespmem:s21], [sflag:$0x3] =	stream.indirect.gather [hbm4b:s3+s19], $0x80, s20, s19, $0xb8;
	[tilespmem:$0x13F80] =	vst v63  }
0x34: {  	s8 =	rddreg [dreg:$0x6]  }
0x35: {  	[hbm4b:s8+s2] =	stream.linear.scatter [tilespmem:s10], [sflag:$0x4], $0x3000, $0x38;
	[tilespmem:$0x13F80] =	vst v63  }
0x36: {  	s12 =	rddreg [dreg:$0x8]  }
0x37: {  	[hbm4b:s12+s2] =	stream.linear.scatter [tilespmem:s11], [sflag:$0x5], $0x3000, $0x38;
	[tilespmem:$0x13F80] =	vst v63  }
0x38: {  	s15 =	rddreg [dreg:$0x9]  }
0x39: {  	[hbm4b:s15+s2] =	stream.linear.scatter [tilespmem:s22], [sflag:$0x6], $0x3000, $0x38;
	[tilespmem:$0x13F80] =	vst v63  }
0x3a: {  	_ =	swait.ge [sflag:s23], $0x3000  }
0x3b: {  	[sflag:s23] =	ssyncset.done $0x0  }
0x3c: {  	[sflag:s23] =	ssyncadd.s32 $0xFFFFD000  }
0x3d: {  	_ =	swait.ge [sflag:s31], $0x3000  }
0x3e: {  	[sflag:s31] =	ssyncset.done $0x0  }
0x3f: {  	[sflag:s31] =	ssyncadd.s32 $0xFFFFD000  }
0x40: {  	_ =	swait.ge [sflag:s24], $0x3000  }
0x41: {  	[sflag:s24] =	ssyncset.done $0x0  }
0x42: {  	[sflag:s24] =	ssyncadd.s32 $0xFFFFD000  }
0x43: {  	_ =	swait.ge [sflag:s0], $0x3000  }
0x44: {  	[sflag:s0] =	ssyncset.done $0x0  }
0x45: {  	[sflag:s0] =	ssyncadd.s32 $0xFFFFD000  }
0x46: {  	s17 =	simm.s32 $0x1;
	_ =	swait.ge [sflag:s1], $0x3000  }
0x47: {  	s6 =	sand.u32 $0x1, s17;
	[sflag:s1] =	ssyncset.done $0x0  }
0x48: {  	s18 =	sxor.u32 $0x1, s6;
	[sflag:s1] =	ssyncadd.s32 $0xFFFFD000  }
0x49: {  	s29 =	sadd.s32 $0x600, s14;
	s7 =	smul.u32 $0x3000, s18;
	_ =	swait.ge [sflag:s25], $0x3000  }
0x4a: {  	s28 =	sadd.s32 $0x600, s9;
	s21 =	simm.s32 $0xC0;
	[sflag:s25] =	ssyncset.done $0x0  }
0x4b: {  	s18 =	simm.s32 $0x15C0;
	s20 =	sadd.s32 $0x1F80, s7;
	[sflag:s25] =	ssyncadd.s32 $0xFFFFD000  }
0x4c: {  	[tilespmem:s20], [sflag:$0x1] =	stream.indirect.gather [hbm4b:s3+s19], $0x80, s21, s19, $0xb8;
	[tilespmem:$0x13F80] =	vst v63  }
0x4d: {  	s11 =	sadd.s32 $0x7F80, s7;
	s12 =	simm.s32 $0xB40;
	s15 =	rddreg [dreg:$0x2]  }
0x4e: {  	[tilespmem:s11], [sflag:$0x2] =	stream.indirect.gather [hbm4b:s4+s19], $0x80, s12, s19, $0xb8;
	[tilespmem:$0x13F80] =	vst v63  }
0x4f: {  	s8 =	smul.u32 $0x3000, s6;
	s17 =	sadd.s32 $0xDF80, s7;
	p0 =	sne.s32 s15, $0x180  }
0x50: {  	[tilespmem:s17], [sflag:$0x3] =	stream.indirect.gather [hbm4b:s3+s19], $0x80, s18, s19, $0xb8;
	[tilespmem:$0x13F80] =	vst v63  }
.Ltmp0:
0x51: {  	s30 =	sadd.s32 $0x600, s13;
	s6 =	simm.s32 $0x180;
	(pc) =	sbr.rel @!p0 .LBB2_3-.Ltmp0, $4  }
0x52: {  	s10 =	sadd.s32 $0xDF80, s8;
	s7 =	simm.s32 $0x3;
	s20 =	sadd.s32 $0x1F80, s8  }
0x53: {  	[hbm4b:s13+s2] =	stream.linear.scatter [tilespmem:s20], [sflag:$0x4], $0x3000, $0x38;
	[tilespmem:$0x13F80] =	vst v63  }
0x54: {  	s15 =	smov.u32 s9;
	s21 =	sadd.s32 $0x7F80, s8;
	s8 =	simm.s32 $0x2  }
0x55: {  	[hbm4b:s14+s2] =	stream.linear.scatter [tilespmem:s21], [sflag:$0x5], $0x3000, $0x38;
	[tilespmem:$0x13F80] =	vst v63  }
.LBB2_2:
0x56: {  	[hbm4b:s15+s2] =	stream.linear.scatter [tilespmem:s10], [sflag:$0x6], $0x3000, $0x38;
	[tilespmem:$0x13F80] =	vst v63  }
0x57: {  	_ =	swait.ge [sflag:s23], $0x3000  }
0x58: {  	[sflag:s23] =	ssyncset.done $0x0  }
0x59: {  	[sflag:s23] =	ssyncadd.s32 $0xFFFFD000  }
0x5a: {  	_ =	swait.ge [sflag:s31], $0x3000  }
0x5b: {  	[sflag:s31] =	ssyncset.done $0x0  }
0x5c: {  	[sflag:s31] =	ssyncadd.s32 $0xFFFFD000  }
0x5d: {  	_ =	swait.ge [sflag:s24], $0x3000  }
0x5e: {  	[sflag:s24] =	ssyncset.done $0x0  }
0x5f: {  	[sflag:s24] =	ssyncadd.s32 $0xFFFFD000  }
0x60: {  	_ =	swait.ge [sflag:s0], $0x3000  }
0x61: {  	[sflag:s0] =	ssyncset.done $0x0  }
0x62: {  	[sflag:s0] =	ssyncadd.s32 $0xFFFFD000  }
0x63: {  	s8 =	smov.u32 s7;
	s12 =	sadd.s32 $0xFFFFFFFF, s7;
	_ =	swait.ge [sflag:s1], $0x3000  }
0x64: {  	s11 =	smov.u32 s6;
	s12 =	sand.u32 $0x1, s12;
	[sflag:s1] =	ssyncset.done $0x0  }
0x65: {  	s17 =	smul.u32 $0x3000, s12;
	s12 =	sxor.u32 $0x1, s12;
	[sflag:s1] =	ssyncadd.s32 $0xFFFFD000  }
0x66: {  	s6 =	sadd.s32 $0x180, s6;
	s12 =	smul.u32 $0x3000, s12;
	_ =	swait.ge [sflag:s25], $0x3000  }
0x67: {  	s10 =	smov.u32 s29;
	s11 =	sshra.s32 s11, $0x2;
	[sflag:s25] =	ssyncset.done $0x0  }
0x68: {  	s21 =	sadd.s32 $0xC0, s11;
	s20 =	sadd.s32 $0x1F80, s12;
	[sflag:s25] =	ssyncadd.s32 $0xFFFFD000  }
0x69: {  	[tilespmem:s20], [sflag:$0x1] =	stream.indirect.gather [hbm4b:s3+s19], $0x80, s21, s19, $0xb8;
	[tilespmem:$0x13F80] =	vst v63  }
0x6a: {  	s18 =	rddreg [dreg:$0x2];
	s20 =	sadd.s32 $0x7F80, s12;
	s21 =	sadd.s32 $0xB40, s11  }
0x6b: {  	[tilespmem:s20], [sflag:$0x2] =	stream.indirect.gather [hbm4b:s4+s19], $0x80, s21, s19, $0xb8;
	[tilespmem:$0x13F80] =	vst v63  }
0x6c: {  	p0 =	sne.s32 s18, s6;
	s12 =	sadd.s32 $0xDF80, s12;
	s11 =	sadd.s32 $0x15C0, s11  }
0x6d: {  	[tilespmem:s12], [sflag:$0x3] =	stream.indirect.gather [hbm4b:s3+s19], $0x80, s11, s19, $0xb8;
	[tilespmem:$0x13F80] =	vst v63  }
.Ltmp1:
0x6e: {  	s15 =	smov.u32 s28;
	s20 =	sadd.s32 $0x1F80, s17;
	(pc) =	sbr.rel @p0 .LBB2_2-.Ltmp1, $4  }
0x6f: {  	[hbm4b:s30+s2] =	stream.linear.scatter [tilespmem:s20], [sflag:$0x4], $0x3000, $0x38;
	[tilespmem:$0x13F80] =	vst v63  }
0x70: {  	s29 =	sadd.s32 $0x600, s29;
	s28 =	sadd.s32 $0x600, s28;
	s21 =	sadd.s32 $0x7F80, s17  }
0x71: {  	[hbm4b:s10+s2] =	stream.linear.scatter [tilespmem:s21], [sflag:$0x5], $0x3000, $0x38;
	[tilespmem:$0x13F80] =	vst v63  }
0x72: {  	s7 =	sadd.s32 $0x1, s7;
	s30 =	sadd.s32 $0x600, s30;
	s10 =	sadd.s32 $0xDF80, s17  }
.LBB2_3:
0x73: {  	[hbm4b:s15+s2] =	stream.linear.scatter [tilespmem:s10], [sflag:$0x6], $0x3000, $0x38;
	[tilespmem:$0x13F80] =	vst v63  }
0x74: {  	_ =	swait.ge [sflag:s23], $0x3000  }
0x75: {  	[sflag:s23] =	ssyncset.done $0x0  }
0x76: {  	[sflag:s23] =	ssyncadd.s32 $0xFFFFD000  }
0x77: {  	_ =	swait.ge [sflag:s31], $0x3000  }
0x78: {  	[sflag:s31] =	ssyncset.done $0x0  }
0x79: {  	[sflag:s31] =	ssyncadd.s32 $0xFFFFD000  }
0x7a: {  	_ =	swait.ge [sflag:s24], $0x3000  }
0x7b: {  	[sflag:s24] =	ssyncset.done $0x0  }
0x7c: {  	[sflag:s24] =	ssyncadd.s32 $0xFFFFD000  }
0x7d: {  	_ =	swait.ge [sflag:s0], $0x3000  }
0x7e: {  	[sflag:s0] =	ssyncset.done $0x0  }
0x7f: {  	[sflag:s0] =	ssyncadd.s32 $0xFFFFD000  }
0x80: {  	_ =	swait.ge [sflag:s1], $0x3000  }
0x81: {  	s8 =	sand.u32 $0x1, s8;
	p0 =	sge.u32 s7, s5;
	[sflag:s1] =	ssyncset.done $0x0  }
0x82: {  	s7 =	sxor.u32 @!p0 $0x1, s8;
	[sflag:s1] =	ssyncadd.s32 $0xFFFFD000  }
0x83: {  	s7 =	smul.u32 @!p0 $0x3000, s7;
	_ =	swait.ge [sflag:s25], $0x3000  }
0x84: {  	s6 =	sshra.s32 @!p0 s6, $0x2;
	s12 =	simm.s32 @!p0 $0x60;
	[sflag:s25] =	ssyncset.done $0x0  }
0x85: {  	s11 =	sadd.s32 @!p0 $0xC0, s6;
	s10 =	sadd.s32 @!p0 $0x1F80, s7;
	[sflag:s25] =	ssyncadd.s32 $0xFFFFD000  }
0x86: {  	[tilespmem:s10], [sflag:$0x1] =	stream.indirect.gather @!p0 [hbm4b:s3+s12], $0x80, s11, s12, $0xb8;
	[tilespmem:$0x13F80] =	vst v63  }
0x87: {  	s10 =	sadd.s32 @!p0 $0x7F80, s7;
	s11 =	sadd.s32 @!p0 $0xB40, s6  }
0x88: {  	[tilespmem:s10], [sflag:$0x2] =	stream.indirect.gather @!p0 [hbm4b:s4+s12], $0x80, s11, s12, $0xb8;
	[tilespmem:$0x13F80] =	vst v63  }
0x89: {  	s8 =	smul.u32 $0x3000, s8;
	s7 =	sadd.s32 @!p0 $0xDF80, s7;
	s6 =	sadd.s32 @!p0 $0x15C0, s6  }
0x8a: {  	[tilespmem:s7], [sflag:$0x3] =	stream.indirect.gather @!p0 [hbm4b:s3+s12], $0x80, s6, s12, $0xb8;
	[tilespmem:$0x13F80] =	vst v63  }
0x8b: {  	s20 =	sadd.s32 $0x1F80, s8  }
0x8c: {  	[hbm4b:s30+s2] =	stream.linear.scatter [tilespmem:s20], [sflag:$0x4], $0x3000, $0x38;
	[tilespmem:$0x13F80] =	vst v63  }
0x8d: {  	s21 =	sadd.s32 $0x7F80, s8  }
0x8e: {  	[hbm4b:s29+s2] =	stream.linear.scatter [tilespmem:s21], [sflag:$0x5], $0x3000, $0x38;
	[tilespmem:$0x13F80] =	vst v63  }
0x8f: {  	s29 =	sadd.s32 $0xDF80, s8  }
0x90: {  	[hbm4b:s28+s2] =	stream.linear.scatter [tilespmem:s29], [sflag:$0x6], $0x3000, $0x38;
	[tilespmem:$0x13F80] =	vst v63  }
0x91: {  	_ =	swait.ge [sflag:s0], $0x3000  }
0x92: {  	[sflag:s0] =	ssyncset.done $0x0  }
0x93: {  	[sflag:s0] =	ssyncadd.s32 $0xFFFFD000  }
0x94: {  	_ =	swait.ge [sflag:s1], $0x3000  }
0x95: {  	[sflag:s1] =	ssyncset.done $0x0  }
0x96: {  	[sflag:s1] =	ssyncadd.s32 $0xFFFFD000  }
0x97: {  	_ =	swait.ge [sflag:s25], $0x3000  }
0x98: {  	s26 =	sadd.s32 $0x1, s26;
	s30 =	rddreg [dreg:$0x7]  }
0x99: {  	p0 =	sne.s32 s26, s30  }
.Ltmp2:
0x9a: {  	_ = 	snop;
	(pc) =	sbr.rel @p0 .LBB2_1-.Ltmp2, $3  }
0x9b: {  	_ =	sdelay $0x1  }
0x9c: {  	[sflag:s25] =	ssyncset.done $0x0  }
0x9d: {  	[sflag:s25] =	ssyncadd.s32 $0xFFFFD000  }
0x9e: {  	_ =	sfence.sel $0x180000  }
0x9f: {  	[bflag:$0x0] =	sbarrier.arrive $0xFFFF  }
0xa0: {  	_ =	strace $0x9000004A  }
0xa1: {  	s0 =	stileid.u32;
	[bflag:$0x2] =	sbarrier.arrive $0xFFFF  }
0xa2: {  	p0 =	sne.s32 s0, $0x0;
	s0 =	rddreg [dreg:$0x1]  }
0xa3: {  	s0 =	sadd.s32 @!p0 $0x100000, s0  }
0xa4: {  	[sflag:s0] =	ssyncadd.tile.s32 @!p0 $0x1;
	_ =	shalt  }
.Lfunc_end2:
_tile_overlayer_lowered:
.L_overlay_start_2:
0xa5: {  	(tag) =	ssettag $0x2  }
0xa6: {  	s0 =	rddreg [dreg:$0x0];
	s2 =	stileid.u32  }
0xa7: {  	s1 =	rddreg [dreg:$0x1];
	p0 =	sne.s32 s2, $0x0  }
0xa8: {  	s3 =	rddreg [dreg:$0x2];
	[bflag:$0x3] =	sbarrier.arrive $0xFFFF;
	s2 =	simm.s32 @!p0 $0x1C07  }
0xa9: {  	[timem:s3], [sflag:s2] =	dma.local @!p0 [hbm:s0], s1  }
0xaa: {  	s0 =	simm.s32 @!p0 $0x7  }
0xab: {  	_ =	swait.ge @!p0 [sflag:s0], s1  }
0xac: {  	s1 =	ssub.s32 @!p0 $0x0, s1;
	[sflag:s0] =	ssyncset.done @!p0 $0x0  }
0xad: {  	[sflag:s0] =	ssyncadd.s32 @!p0 s1  }
0xae: {  	[bflag:$0x3] =	sbarrier.arrive $0xFFFF  }
0xaf: {  	_ =	shalt  }

// kernel: sc_gather_l4.3.cloned.1.call-start
scs
__scs_entry_jumppad:
0x0: {  	(pc) =	sbr.rel $0x88, $3  }
0x1: {  	(tag) =	ssettag $0x0;
	lr =	simm.s32 $0x1  }
0x2: {  	[smem:$0x3F83] =	sst lr;
	_ =	strace $0xD0000000  }
0x3: {  	_ = 	snop  }
0x4: {  	_ = 	snop  }
0x5: {  	_ = 	snop  }
0x6: {  	_ = 	snop  }
0x7: {  	_ = 	snop  }
__scs_overlays_trampoline_lowered:
0x8: {  	[smem:$0x3F92] =	sst s0  }
0x9: {  	[smem:$0x3F93] =	sst s1  }
0xa: {  	[smem:$0x3F94] =	sst s2  }
0xb: {  	[smem:$0x3F95] =	sst s3  }
0xc: {  	[smem:$0x3F96] =	sst s4  }
0xd: {  	[smem:$0x3F97] =	sst s5  }
0xe: {  	[smem:$0x3F98] =	sst s6  }
0xf: {  	[smem:$0x3F99] =	sst s7  }
0x10: {  	[smem:$0x3F9A] =	sst s8  }
0x11: {  	[smem:$0x3F9B] =	sst s9;
	s0 =	simm.s32 @!p0 $0x0  }
0x12: {  	s1 =	sld [smem:$0x3F81];
	s0 =	simm.s32 @p0 $0x1  }
0x13: {  	[smem:$0x3F9C] =	sst s0;
	s0 =	simm.s32 @!p1 $0x0  }
0x14: {  	s2 =	sld [smem:$0x3F80];
	s0 =	simm.s32 @p1 $0x1  }
0x15: {  	[smem:$0x3F9D] =	sst s0;
	s0 =	simm.s32 @!p2 $0x0  }
0x16: {  	s3 =	sld [smem:$0x3FDB];
	s0 =	simm.s32 @p2 $0x1  }
0x17: {  	s4 =	simm.s32 $0x1BF5;
	[smem:$0x3F9F] =	sst s0  }
0x18: {  	s0 =	sld [smem:$0x3F82];
	_ =	swait.ge [sflag:s4], $0x0  }
0x19: {  	s7 =	sld [smem:$0x3F83]  }
0x1a: {  	s8 =	sadd.s32 $0xFFFFE003, lr  }
0x1b: {  	s9 =	sadd.s32 $0xFFFFFEF7, lr;
	s5 =	simm.s32 $0xFFFFFFFF;
	p2 =	slt.u32 s8, $0xFFFFF086  }
0x1c: {  	p1 =	slt.u32 s9, $0xF7A;
	s5 =	simm.s32 @!p2 $0x0  }
0x1d: {  	s5 =	simm.s32 @p1 $0x1;
	p0 =	seq.s32 s7, s2  }
0x1e: {  	s7 =	smul.u32 @!p0 $0xF7A, s2;
	p2 =	seq.s32 @!p0 s5, $0x0  }
0x1f: {  	s9 =	smul.u32 $0xF7A, s1;
	s8 =	simm.s32 @!p0 $0x1BF5;
	p2 =	por !p2, p0  }
0x20: {  	[sflag:s8] =	ssyncset.s32 @!p0 $0xFFFFF086;
	s6 =	sadd.s32 @!p0 s3, s7;
	s7 =	simm.s32 @!p0 $0x108  }
0x21: {  	s3 =	sadd.s32 s3, s9;
	s6 =	sadd.s32 @!p0 $0x88, s6;
	s7 =	simm.s32 @p2 $0x1082  }
0x22: {  	[simem:s7], [sflag:s8] =	dma.local @!p0 [hbm:s6], $0xF7A  }
0x23: {  	s9 =	sor.u32 $0xD0000000, s2;
	s6 =	simm.s32 $0x108;
	_ =	swait.ge @!p0 [sflag:s8], $0x0  }
0x24: {  	s3 =	sadd.s32 $0x88, s3;
	s6 =	simm.s32 @!p1 $0x1082;
	[sflag:s4] =	ssyncset.s32 $0xFFFFF086  }
0x25: {  	[simem:s6], [sflag:s4] =	dma.local [hbm:s3], $0xF7A  }
0x26: {  	[smem:$0x3F83] =	sst s1;
	(tag) =	ssettag s2;
	_ =	strace s9  }
0x27: {  	s1 =	sld [smem:$0x3F93]  }
0x28: {  	s2 =	sld [smem:$0x3F94]  }
0x29: {  	s4 =	sld [smem:$0x3F96]  }
0x2a: {  	p0 =	seq.s32 s5, $0x0;
	s5 =	sld [smem:$0x3F97]  }
0x2b: {  	s6 =	sld [smem:$0x3F98]  }
0x2c: {  	s7 =	sld [smem:$0x3F99]  }
0x2d: {  	s3 =	simm.s32 $0x108;
	s8 =	sld [smem:$0x3F9A]  }
0x2e: {  	s3 =	simm.s32 @!p0 $0x1082;
	s9 =	sld [smem:$0x3F9B]  }
0x2f: {  	lr =	sadd.s32 s0, s3;
	s0 =	sld [smem:$0x3F92]  }
0x30: {  	s3 =	sld [smem:$0x3F95]  }
0x31: {  	[smem:$0x3F9E] =	sst s10  }
0x32: {  	s10 =	sld [smem:$0x3F9C];
	_ =	sdelay $0x3  }
0x33: {  	p0 =	seq.s32 s10, $0x1;
	s10 =	sld [smem:$0x3F9E];
	_ =	sdelay $0x3  }
0x34: {  	[smem:$0x3F9E] =	sst s10  }
0x35: {  	s10 =	sld [smem:$0x3F9D];
	_ =	sdelay $0x3  }
0x36: {  	p1 =	seq.s32 s10, $0x1;
	s10 =	sld [smem:$0x3F9E];
	_ =	sdelay $0x3  }
0x37: {  	[smem:$0x3F9E] =	sst s10  }
0x38: {  	s10 =	sld [smem:$0x3F9F]  }
0x39: {  	_ = 	snop;
	(pc) =	sbr.ind lr, $3  }
0x3a: {  	_ = 	snop  }
0x3b: {  	_ = 	snop  }
0x3c: {  	p2 =	seq.s32 s10, $0x1;
	s10 =	sld [smem:$0x3F9E]  }
0x3d: {  	_ =	shalt  }
0x3e: {  	_ =	shalt  }
0x3f: {  	_ =	shalt  }
0x40: {  	_ =	shalt  }
0x41: {  	_ =	shalt  }
0x42: {  	_ =	shalt  }
0x43: {  	_ =	shalt  }
0x44: {  	_ =	shalt  }
0x45: {  	_ =	shalt  }
0x46: {  	_ =	shalt  }
0x47: {  	_ =	shalt  }
0x48: {  	_ =	shalt  }
0x49: {  	_ =	shalt  }
0x4a: {  	_ =	shalt  }
0x4b: {  	_ =	shalt  }
0x4c: {  	_ =	shalt  }
0x4d: {  	_ =	shalt  }
0x4e: {  	_ =	shalt  }
0x4f: {  	_ =	shalt  }
0x50: {  	_ =	shalt  }
0x51: {  	_ =	shalt  }
0x52: {  	_ =	shalt  }
0x53: {  	_ =	shalt  }
0x54: {  	_ =	shalt  }
0x55: {  	_ =	shalt  }
0x56: {  	_ =	shalt  }
0x57: {  	_ =	shalt  }
0x58: {  	_ =	shalt  }
0x59: {  	_ =	shalt  }
0x5a: {  	_ =	shalt  }
0x5b: {  	_ =	shalt  }
0x5c: {  	_ =	shalt  }
0x5d: {  	_ =	shalt  }
0x5e: {  	_ =	shalt  }
0x5f: {  	_ =	shalt  }
0x60: {  	_ =	shalt  }
0x61: {  	_ =	shalt  }
0x62: {  	_ =	shalt  }
0x63: {  	_ =	shalt  }
0x64: {  	_ =	shalt  }
0x65: {  	_ =	shalt  }
0x66: {  	_ =	shalt  }
0x67: {  	_ =	shalt  }
0x68: {  	_ =	shalt  }
0x69: {  	_ =	shalt  }
0x6a: {  	_ =	shalt  }
0x6b: {  	_ =	shalt  }
0x6c: {  	_ =	shalt  }
0x6d: {  	_ =	shalt  }
0x6e: {  	_ =	shalt  }
0x6f: {  	_ =	shalt  }
0x70: {  	_ =	shalt  }
0x71: {  	_ =	shalt  }
0x72: {  	_ =	shalt  }
0x73: {  	_ =	shalt  }
0x74: {  	_ =	shalt  }
0x75: {  	_ =	shalt  }
0x76: {  	_ =	shalt  }
0x77: {  	_ =	shalt  }
0x78: {  	_ =	shalt  }
0x79: {  	_ =	shalt  }
0x7a: {  	_ =	shalt  }
0x7b: {  	_ =	shalt  }
0x7c: {  	_ =	shalt  }
0x7d: {  	_ =	shalt  }
0x7e: {  	_ =	shalt  }
0x7f: {  	_ =	shalt  }
0x80: {  	_ =	shalt  }
0x81: {  	_ =	shalt  }
0x82: {  	_ =	shalt  }
0x83: {  	_ =	shalt  }
0x84: {  	_ =	shalt  }
0x85: {  	_ =	shalt  }
0x86: {  	_ =	shalt  }
0x87: {  	_ =	shalt  }
.Lfunc_end0:
.L_simem_size_0:
called_computation.2_lowered:
.L_overlay_start_0:
0x88: {  	s2 =	sld [smem:$0x3FD9]  }
0x89: {  	s3 =	sld [smem:$0x3FFE];
	_ =	sdelay $0x1  }
0x8a: {  	s1 =	srdreg.scid  }
0x8b: {  	s0 =	sand.u32 $0x1, s1  }
0x8c: {  	s16 =	sshll.u32 s0, $0xA;
	s2 =	sadd.s32 s3, s2  }
0x8d: {  	s2 =	sadd.s32 s2, s16  }
0x8e: {  	[smem:$0x3FAA] =	sst s2  }
0x8f: {  	_ = 	snop  }
0x90: {  	(tm) =	ssettm $0x1  }
0x91: {  	s17 =	sld [smem:$0x3FFB];
	_ =	sdelay $0x3  }
0x92: {  	_ =	strace s17  }
0x93: {  	s2 =	sld [smem:$0x3FFC];
	_ =	sdelay $0x3  }
0x94: {  	_ =	strace s2  }
0x95: {  	s2 =	sld [smem:$0x3FFD];
	_ =	sdelay $0x3  }
0x96: {  	_ =	strace s2  }
0x97: {  	_ =	strace $0x8FFFFFFF  }
0x98: {  	s18 =	sld [smem:$0x3FDB];
	_ =	sdelay $0x1  }
0x99: {  	s19 =	simm.s32 $_scs_section_size  }
0x9a: {  	s4 =	simm.s32 $_size__tile_overlayer_lowered;
	s5 =	simm.s32 $_tile_overlayer_lowered  }
0x9b: {  	s22 =	simm.s32 $0x1BFF;
	s21 =	sshll.u32 s5, $0x1;
	s2 =	sadd.s32 s19, s18  }
0x9c: {  	s6 =	simm.s32 $0x0;
	s20 =	sshll.u32 s4, $0x1;
	s4 =	sadd.s32 s21, s2  }
0x9d: {  	[timem:s6], [sflag:s22] =	dma.local [hbm:s4], s20  }
0x9e: {  	_ =	swait.ge [sflag:s22], s20  }
0x9f: {  	s3 =	ssub.s32 $0x0, s20;
	[sflag:s22] =	ssyncset.done $0x0  }
0xa0: {  	[sflag:s22] =	ssyncadd.s32 s3;
	_ =	sdelay $0x1  }
0xa1: {  	s23 =	simm.s32 $0x1B8B  }
0xa2: {  	_ =	swait.ge [sflag:s23], $0x1  }
0xa3: {  	[sflag:s23] =	ssyncset.done $0x0  }
0xa4: {  	s25 =	simm.s32 $0x1B8E;
	s24 =	sld [smem:$0x3FFE];
	[sflag:s23] =	ssyncadd.s32 $0xFFFFFFFF  }
0xa5: {  	s26 =	simm.s32 $execute0_lowered;
	[smem:$0x3FD2] =	sst s25  }
0xa6: {  	s4 =	sshll.u32 s26, $0x1;
	_ =	strace $0x80000046;
	[dreg:$0x1] =	wrdreg $0xFFFFFFFF  }
0xa7: {  	s28 =	simm.s32 $_size_execute0_lowered;
	s2 =	sadd.s32 s2, s4;
	[dreg:$0x0] =	wrdreg $0x0  }
0xa8: {  	s4 =	sshll.u32 s28, $0x1;
	[dreg:$0x2] =	wrdreg s2  }
0xa9: {  	[dreg:$0x3] =	wrdreg s4  }
0xaa: {  	[dreg:$0x4] =	wrdreg $0xC0  }
0xab: {  	_ =	task [dreg:s6], $0x5FFFF  }
0xac: {  	[dreg:$0x1] =	wrdreg $0xFFFFFFFF  }
0xad: {  	[dreg:$0x0] =	wrdreg $0x60  }
0xae: {  	[dreg:$0x2] =	wrdreg s24  }
0xaf: {  	[dreg:$0x3] =	wrdreg $0xB  }
0xb0: {  	_ =	task.clear_ibuf [dreg:s6], $0x4FFFF;
	_ =	strace $0x90000046  }
0xb1: {  	s29 =	simm.s32 $0xB;
	_ =	strace $0x80000048  }
0xb2: {  	_ =	swait.ge [sflag:s29], $0x1  }
0xb3: {  	[sflag:s29] =	ssyncadd.s32 $0xFFFFFFFF  }
0xb4: {  	_ =	strace $0x90000048  }
0xb5: {  	_ =	sfence  }
0xb6: {  	s30 =	sld [smem:$0x0];
	_ =	sdelay $0x2  }
0xb7: {  	s31 =	sshll.u32 s1, $0xD;
	s1 =	sshrl.u32 s1, $0x2  }
0xb8: {  	s3 =	sand.u32 $0x4000, s31;
	s1 =	sadd.s32 s1, s30  }
0xb9: {  	s0 =	sor.u32 s3, s0;
	s1 =	sshll.u32 s1, $0x11  }
0xba: {  	s0 =	sor.u32 s1, s0  }
0xbb: {  	s0 =	sadd.s32 $0x8F2B, s0  }
0xbc: {  	[sflag:s0] =	ssyncadd.remote.s32 $0x1  }
0xbd: {  	_ =	sfence.sel $0xFFFF  }
0xbe: {  	[dreg:$0x0] =	wrdreg $0xFFFFFFFF;
	(pc) =	sbr.abs _section_cstart, $3  }
0xbf: {  	[dreg:$0x1] =	wrdreg $0xFFFFFFFF  }
0xc0: {  	_ =	task.clear_ibuf [dreg:s6], $0x2FFFF;
	_ =	strace $0x9FFFFFFF  }
0xc1: {  	(tm) =	ssettm $0x7FFFFFFF  }
tec
execute0_lowered:
.L_overlay_start_1:
0x0: {  	(tag) =	ssettag $0x1  }
0x1: {  	s0 =	rddreg [dreg:$0x0]  }
0x2: {  	s2 =	stileid.u32;
	s1 =	srdreg.scid  }
0x3: {  	s14 =	simm.s32 $0x1F80;
	s19 =	simm.s32 $0x1;
	s3 =	smul.u32 $0xD, s2  }
0x4: {  	s20 =	simm.s32 $0x2;
	s1 =	sand.u32 $0x1, s1;
	s4 =	smul.u32 $0x1B, s2  }
0x5: {  	s21 =	simm.s32 $0x3;
	p0 =	seq.s32 s1, $0x0;
	s6 =	sadd.s32 $0x1B0, s3  }
0x6: {  	s22 =	simm.s32 $0x4;
	s2 =	simm.s32 $0x0;
	s6 =	smov.u32 @p0 s4  }
0x7: {  	s7 =	sadd.s32 $0x4000, s0;
	s1 =	ssub.s32 $0x2, s1;
	s5 =	smul.u32 $0x600, s6  }
0x8: {  	[smem:$0x7FF] =	sst s2;
	s9 =	sshrl.u32 s1, $0x1;
	s8 =	smul.u32 $0x60, s6  }
0x9: {  	_ =	strace $0x80000047;
	s1 =	ssub.s32 s1, s9;
	s6 =	smul.u32 $0xC, s6  }
0xa: {  	s3 =	sadd.s32 $0x192800, s0;
	s4 =	sadd.s32 $0x319200, s0;
	s1 =	smax.u32 s1, $0x1  }
0xb: {  	[dreg:$0xb] =	wrdreg s1;
	s0 =	sadd.s32 s5, s0;
	s6 =	sadd.s32 s7, s6  }
0xc: {  	s23 =	simm.s32 $0x5;
	[dreg:$0x7] =	wrdreg s6;
	s25 =	sadd.s32 $0x933A00, s0  }
0xd: {  	s28 =	simm.s32 $0x0;
	s10 =	sadd.s32 $0xA23A00, s0;
	[dreg:$0x2] =	wrdreg s25  }
0xe: {  	s8 =	sshrl.u32 s8, $0x3;
	s30 =	sadd.s32 $0xB13A00, s0;
	[dreg:$0x3] =	wrdreg s10  }
0xf: {  	s24 =	sadd.s32 s7, s8;
	s0 =	sadd.s32 $0xC03A00, s0;
	[dreg:$0x4] =	wrdreg s30  }
0x10: {  	s5 =	simm.s32 $0x1B;
	s26 =	sadd.s32 $0x1F80, s24;
	[dreg:$0x5] =	wrdreg s0  }
0x11: {  	s5 =	simm.s32 @!p0 $0xD;
	s29 =	sadd.s32 $0x3F00, s24;
	[dreg:$0x8] =	wrdreg s26  }
0x12: {  	s11 =	smul.u32 $0x600, s5;
	s31 =	sadd.s32 $0x5E80, s24;
	[dreg:$0x9] =	wrdreg s29  }
0x13: {  	s24 =	simm.s32 $0x6;
	s25 =	simm.s32 $0x7;
	[dreg:$0xa] =	wrdreg s31  }
0x14: {  	s26 =	simm.s32 $0x8;
	[dreg:$0x6] =	wrdreg s11;
	s11 =	simm.s32 $0x9  }
.LBB2_1:
0x15: {  	s0 =	rddreg [dreg:$0x7]  }
0x16: {  	[tilespmem:s2], [sflag:$0x9] =	stream.linear.gather [hbm4b:s0+s2], $0xA20, $0x38;
	[tilespmem:$0x1AA00] =	vst v63  }
0x17: {  	_ =	swait.ge [sflag:s11], $0xA20  }
0x18: {  	[sflag:s11] =	ssyncset.done $0x0  }
0x19: {  	s1 =	simm.s32 $0xA80;
	s13 =	rddreg [dreg:$0x8];
	[sflag:s11] =	ssyncadd.s32 $0xFFFFF5E0  }
0x1a: {  	[tilespmem:s1], [sflag:$0x9] =	stream.linear.gather [hbm4b:s13+s2], $0xA20, $0x38;
	[tilespmem:$0x1AA00] =	vst v63  }
0x1b: {  	_ =	swait.ge [sflag:s11], $0xA20  }
0x1c: {  	[sflag:s11] =	ssyncset.done $0x0  }
0x1d: {  	s6 =	simm.s32 $0x1500;
	s15 =	rddreg [dreg:$0x9];
	[sflag:s11] =	ssyncadd.s32 $0xFFFFF5E0  }
0x1e: {  	[tilespmem:s6], [sflag:$0x9] =	stream.linear.gather [hbm4b:s15+s2], $0xA20, $0x38;
	[tilespmem:$0x1AA00] =	vst v63  }
0x1f: {  	_ =	swait.ge [sflag:s11], $0xA20  }
0x20: {  	[sflag:s11] =	ssyncset.done $0x0  }
0x21: {  	s16 =	rddreg [dreg:$0xa];
	[sflag:s11] =	ssyncadd.s32 $0xFFFFF5E0  }
0x22: {  	[tilespmem:s14], [sflag:$0x9] =	stream.linear.gather [hbm4b:s16+s2], $0xA20, $0x38;
	[tilespmem:$0x1AA00] =	vst v63  }
0x23: {  	_ =	swait.ge [sflag:s11], $0xA20  }
0x24: {  	[sflag:s11] =	ssyncset.done $0x0  }
0x25: {  	s7 =	simm.s32 $0x2A00;
	s0 =	simm.s32 $0x60;
	[sflag:s11] =	ssyncadd.s32 $0xFFFFF5E0  }
0x26: {  	[tilespmem:s7], [sflag:$0x1] =	stream.indirect.gather [hbm4b:s3+s0], $0x80, s2, s0, $0xb8;
	[tilespmem:$0x1AA00] =	vst v63  }
0x27: {  	s17 =	simm.s32 $0x8A00  }
0x28: {  	[tilespmem:s17], [sflag:$0x2] =	stream.indirect.gather [hbm4b:s4+s0], $0x80, s1, s0, $0xb8;
	[tilespmem:$0x1AA00] =	vst v63  }
0x29: {  	s18 =	simm.s32 $0xEA00  }
0x2a: {  	[tilespmem:s18], [sflag:$0x3] =	stream.indirect.gather [hbm4b:s4+s0], $0x80, s6, s0, $0xb8;
	[tilespmem:$0x1AA00] =	vst v63  }
0x2b: {  	s6 =	simm.s32 $0x14A00  }
0x2c: {  	[tilespmem:s6], [sflag:$0x4] =	stream.indirect.gather [hbm4b:s3+s0], $0x80, s14, s0, $0xb8;
	[tilespmem:$0x1AA00] =	vst v63  }
0x2d: {  	_ =	swait.ge [sflag:s19], $0x3000  }
0x2e: {  	[sflag:s19] =	ssyncset.done $0x0  }
0x2f: {  	[sflag:s19] =	ssyncadd.s32 $0xFFFFD000  }
0x30: {  	_ =	swait.ge [sflag:s20], $0x3000  }
0x31: {  	[sflag:s20] =	ssyncset.done $0x0  }
0x32: {  	[sflag:s20] =	ssyncadd.s32 $0xFFFFD000  }
0x33: {  	_ =	swait.ge [sflag:s21], $0x3000  }
0x34: {  	[sflag:s21] =	ssyncset.done $0x0  }
0x35: {  	[sflag:s21] =	ssyncadd.s32 $0xFFFFD000  }
0x36: {  	_ =	swait.ge [sflag:s22], $0x3000  }
0x37: {  	p0 =	por $0x1, $0x1;
	[sflag:s22] =	ssyncset.done $0x0  }
0x38: {  	s1 =	simm.s32 @!p0 $0x5;
	[sflag:s22] =	ssyncadd.s32 $0xFFFFD000  }
0x39: {  	_ =	swait.ge @!p0 [sflag:s1], $0x3000  }
0x3a: {  	[sflag:s1] =	ssyncset.done @!p0 $0x0  }
0x3b: {  	[sflag:s1] =	ssyncadd.s32 @!p0 $0xFFFFD000;
	s1 =	simm.s32 @!p0 $0x6  }
0x3c: {  	_ =	swait.ge @!p0 [sflag:s1], $0x3000  }
0x3d: {  	[sflag:s1] =	ssyncset.done @!p0 $0x0  }
0x3e: {  	s15 =	simm.s32 $0x0;
	[sflag:s1] =	ssyncadd.s32 @!p0 $0xFFFFD000;
	s1 =	simm.s32 @!p0 $0x7  }
0x3f: {  	p1 =	sle.u32 s5, $0x1;
	s15 =	sand.u32 $0x1, s15;
	_ =	swait.ge @!p0 [sflag:s1], $0x3000  }
0x40: {  	s16 =	sxor.u32 @!p1 $0x1, s15;
	[sflag:s1] =	ssyncset.done @!p0 $0x0  }
0x41: {  	s15 =	smul.u32 $0x3000, s15;
	[sflag:s1] =	ssyncadd.s32 @!p0 $0xFFFFD000;
	s1 =	simm.s32 @!p0 $0x8  }
0x42: {  	s29 =	simm.s32 @!p1 $0x60;
	s16 =	smul.u32 @!p1 $0x3000, s16;
	_ =	swait.ge @!p0 [sflag:s1], $0x3000  }
0x43: {  	s9 =	sadd.s32 $0x2A00, s15;
	s12 =	sor.u32 $0x8A00, s15;
	s7 =	rddreg [dreg:$0x2]  }
0x44: {  	s30 =	sor.u32 @!p1 $0x8A00, s16;
	[sflag:s1] =	ssyncset.done @!p0 $0x0;
	s31 =	rddreg [dreg:$0x3]  }
0x45: {  	s8 =	rddreg [dreg:$0x4];
	[sflag:s1] =	ssyncadd.s32 @!p0 $0xFFFFD000;
	s1 =	sadd.s32 @!p1 $0x2A00, s16  }
0x46: {  	[tilespmem:s1], [sflag:$0x1] =	stream.indirect.gather @!p1 [hbm4b:s3+s29], $0x80, s0, s29, $0xb8;
	[tilespmem:$0x1AA00] =	vst v63  }
0x47: {  	s17 =	simm.s32 $0x1FE0;
	s18 =	rddreg [dreg:$0x5];
	s0 =	simm.s32 $0xAE0  }
0x48: {  	[tilespmem:s30], [sflag:$0x2] =	stream.indirect.gather @!p1 [hbm4b:s4+s29], $0x80, s0, s29, $0xb8;
	[tilespmem:$0x1AA00] =	vst v63  }
0x49: {  	s10 =	rddreg [dreg:$0x6];
	s0 =	simm.s32 $0x1560;
	s30 =	sadd.s32 @!p1 $0xEA00, s16  }
0x4a: {  	[tilespmem:s30], [sflag:$0x3] =	stream.indirect.gather @!p1 [hbm4b:s4+s29], $0x80, s0, s29, $0xb8;
	[tilespmem:$0x1AA00] =	vst v63  }
0x4b: {  	s13 =	sadd.s32 $0x0, s31;
	s31 =	simm.s32 $0xB40;
	s0 =	sor.u32 @!p1 $0x14A00, s16  }
0x4c: {  	[tilespmem:s0], [sflag:$0x4] =	stream.indirect.gather @!p1 [hbm4b:s3+s29], $0x80, s17, s29, $0xb8;
	[tilespmem:$0x1AA00] =	vst v63  }
0x4d: {  	p0 =	sne.s32 s10, $0x600;
	s1 =	sadd.s32 $0x0, s7;
	s30 =	simm.s32 $0x2  }
0x4e: {  	[hbm4b:s1+s2] =	stream.linear.scatter [tilespmem:s9], [sflag:$0x5], $0x3000, $0x38;
	[tilespmem:$0x1AA00] =	vst v63  }
.Ltmp0:
0x4f: {  	s16 =	sadd.s32 $0x0, s8;
	s29 =	simm.s32 $0x600;
	(pc) =	sbr.rel @!p0 .LBB2_3-.Ltmp0, $4  }
0x50: {  	[hbm4b:s13+s2] =	stream.linear.scatter [tilespmem:s12], [sflag:$0x6], $0x3000, $0x38;
	[tilespmem:$0x1AA00] =	vst v63  }
0x51: {  	s17 =	sadd.s32 $0xEA00, s15;
	s0 =	simm.s32 $0x15C0;
	s1 =	simm.s32 $0xC0  }
0x52: {  	[hbm4b:s16+s2] =	stream.linear.scatter [tilespmem:s17], [sflag:$0x7], $0x3000, $0x38;
	[tilespmem:$0x1AA00] =	vst v63  }
0x53: {  	s17 =	sor.u32 $0x14A00, s15;
	s16 =	sadd.s32 $0x0, s18;
	s15 =	simm.s32 $0x2040  }
.LBB2_2:
0x54: {  	[hbm4b:s16+s2] =	stream.linear.scatter [tilespmem:s17], [sflag:$0x8], $0x3000, $0x38;
	[tilespmem:$0x1AA00] =	vst v63  }
0x55: {  	_ =	swait.ge [sflag:s19], $0x3000  }
0x56: {  	[sflag:s19] =	ssyncset.done $0x0  }
0x57: {  	[sflag:s19] =	ssyncadd.s32 $0xFFFFD000  }
0x58: {  	_ =	swait.ge [sflag:s20], $0x3000  }
0x59: {  	[sflag:s20] =	ssyncset.done $0x0  }
0x5a: {  	[sflag:s20] =	ssyncadd.s32 $0xFFFFD000  }
0x5b: {  	_ =	swait.ge [sflag:s21], $0x3000  }
0x5c: {  	[sflag:s21] =	ssyncset.done $0x0  }
0x5d: {  	[sflag:s21] =	ssyncadd.s32 $0xFFFFD000  }
0x5e: {  	s16 =	smov.u32 s29;
	_ =	swait.ge [sflag:s22], $0x3000  }
0x5f: {  	p0 =	seq.s32 s16, $0x0;
	[sflag:s22] =	ssyncset.done $0x0  }
0x60: {  	s17 =	simm.s32 @!p0 $0x5;
	[sflag:s22] =	ssyncadd.s32 $0xFFFFD000  }
0x61: {  	_ =	swait.ge @!p0 [sflag:s17], $0x3000  }
0x62: {  	[sflag:s17] =	ssyncset.done @!p0 $0x0  }
0x63: {  	[sflag:s17] =	ssyncadd.s32 @!p0 $0xFFFFD000;
	s17 =	simm.s32 @!p0 $0x6  }
0x64: {  	_ =	swait.ge @!p0 [sflag:s17], $0x3000  }
0x65: {  	[sflag:s17] =	ssyncset.done @!p0 $0x0  }
0x66: {  	[sflag:s17] =	ssyncadd.s32 @!p0 $0xFFFFD000;
	s17 =	simm.s32 @!p0 $0x7  }
0x67: {  	s29 =	sadd.s32 $0x600, s29;
	s18 =	sadd.s32 $0xFFFFFFFF, s30;
	_ =	swait.ge @!p0 [sflag:s17], $0x3000  }
0x68: {  	p1 =	sge.u32 s30, s5;
	s18 =	sand.u32 $0x1, s18;
	[sflag:s17] =	ssyncset.done @!p0 $0x0  }
0x69: {  	s6 =	sxor.u32 @!p1 $0x1, s18;
	[sflag:s17] =	ssyncadd.s32 @!p0 $0xFFFFD000;
	s17 =	simm.s32 @!p0 $0x8  }
0x6a: {  	s30 =	sadd.s32 $0x1, s30;
	s6 =	smul.u32 @!p1 $0x3000, s6;
	_ =	swait.ge @!p0 [sflag:s17], $0x3000  }
0x6b: {  	s7 =	simm.s32 @!p1 $0x60;
	[sflag:s17] =	ssyncset.done @!p0 $0x0;
	s8 =	rddreg [dreg:$0x2]  }
0x6c: {  	s9 =	rddreg [dreg:$0x3];
	[sflag:s17] =	ssyncadd.s32 @!p0 $0xFFFFD000;
	s17 =	sadd.s32 @!p1 $0x2A00, s6  }
0x6d: {  	[tilespmem:s17], [sflag:$0x1] =	stream.indirect.gather @!p1 [hbm4b:s3+s7], $0x80, s1, s7, $0xb8;
	[tilespmem:$0x1AA00] =	vst v63  }
0x6e: {  	s18 =	smul.u32 $0x3000, s18;
	s10 =	rddreg [dreg:$0x4];
	s17 =	sor.u32 @!p1 $0x8A00, s6  }
0x6f: {  	[tilespmem:s17], [sflag:$0x2] =	stream.indirect.gather @!p1 [hbm4b:s4+s7], $0x80, s31, s7, $0xb8;
	[tilespmem:$0x1AA00] =	vst v63  }
0x70: {  	s12 =	sor.u32 @!p1 $0x14A00, s6;
	s13 =	rddreg [dreg:$0x5];
	s6 =	sadd.s32 @!p1 $0xEA00, s6  }
0x71: {  	[tilespmem:s6], [sflag:$0x3] =	stream.indirect.gather @!p1 [hbm4b:s4+s7], $0x80, s0, s7, $0xb8;
	[tilespmem:$0x1AA00] =	vst v63  }
0x72: {  	s8 =	sadd.s32 s16, s8;
	s9 =	sadd.s32 s16, s9;
	s6 =	rddreg [dreg:$0x6]  }
0x73: {  	[tilespmem:s12], [sflag:$0x4] =	stream.indirect.gather @!p1 [hbm4b:s3+s7], $0x80, s15, s7, $0xb8;
	[tilespmem:$0x1AA00] =	vst v63  }
0x74: {  	s1 =	sadd.s32 $0x60, s1;
	p0 =	sne.s32 s6, s29;
	s12 =	sadd.s32 $0x2A00, s18  }
0x75: {  	[hbm4b:s8+s2] =	stream.linear.scatter [tilespmem:s12], [sflag:$0x5], $0x3000, $0x38;
	[tilespmem:$0x1AA00] =	vst v63  }
.Ltmp1:
0x76: {  	s31 =	sadd.s32 $0x60, s31;
	s17 =	sor.u32 $0x8A00, s18;
	(pc) =	sbr.rel @p0 .LBB2_2-.Ltmp1, $4  }
0x77: {  	[hbm4b:s9+s2] =	stream.linear.scatter [tilespmem:s17], [sflag:$0x6], $0x3000, $0x38;
	[tilespmem:$0x1AA00] =	vst v63  }
0x78: {  	s0 =	sadd.s32 $0x60, s0;
	s12 =	sadd.s32 $0xEA00, s18;
	s17 =	sadd.s32 s16, s10  }
0x79: {  	[hbm4b:s17+s2] =	stream.linear.scatter [tilespmem:s12], [sflag:$0x7], $0x3000, $0x38;
	[tilespmem:$0x1AA00] =	vst v63  }
0x7a: {  	s15 =	sadd.s32 $0x60, s15;
	s16 =	sadd.s32 s16, s13;
	s17 =	sor.u32 $0x14A00, s18  }
.LBB2_3:
0x7b: {  	[hbm4b:s16+s2] =	stream.linear.scatter [tilespmem:s17], [sflag:$0x8], $0x3000, $0x38;
	[tilespmem:$0x1AA00] =	vst v63  }
0x7c: {  	_ =	swait.ge [sflag:s23], $0x3000  }
0x7d: {  	[sflag:s23] =	ssyncset.done $0x0  }
0x7e: {  	[sflag:s23] =	ssyncadd.s32 $0xFFFFD000  }
0x7f: {  	_ =	swait.ge [sflag:s24], $0x3000  }
0x80: {  	[sflag:s24] =	ssyncset.done $0x0  }
0x81: {  	[sflag:s24] =	ssyncadd.s32 $0xFFFFD000  }
0x82: {  	_ =	swait.ge [sflag:s25], $0x3000  }
0x83: {  	[sflag:s25] =	ssyncset.done $0x0  }
0x84: {  	[sflag:s25] =	ssyncadd.s32 $0xFFFFD000  }
0x85: {  	_ =	swait.ge [sflag:s26], $0x3000  }
0x86: {  	s28 =	sadd.s32 $0x1, s28;
	s0 =	rddreg [dreg:$0xb]  }
0x87: {  	p0 =	sne.s32 s28, s0  }
.Ltmp2:
0x88: {  	_ = 	snop;
	(pc) =	sbr.rel @p0 .LBB2_1-.Ltmp2, $3  }
0x89: {  	_ =	sdelay $0x1  }
0x8a: {  	[sflag:s26] =	ssyncset.done $0x0  }
0x8b: {  	[sflag:s26] =	ssyncadd.s32 $0xFFFFD000  }
0x8c: {  	_ =	sfence.sel $0x180000  }
0x8d: {  	[bflag:$0x0] =	sbarrier.arrive $0xFFFF  }
0x8e: {  	_ =	strace $0x90000047  }
0x8f: {  	s0 =	stileid.u32;
	[bflag:$0x2] =	sbarrier.arrive $0xFFFF  }
0x90: {  	p0 =	sne.s32 s0, $0x0;
	s0 =	rddreg [dreg:$0x1]  }
0x91: {  	s0 =	sadd.s32 @!p0 $0x100000, s0  }
0x92: {  	[sflag:s0] =	ssyncadd.tile.s32 @!p0 $0x1;
	_ =	shalt  }
.Lfunc_end2:
_tile_overlayer_lowered:
.L_overlay_start_2:
0x93: {  	(tag) =	ssettag $0x2  }
0x94: {  	s0 =	rddreg [dreg:$0x0];
	s2 =	stileid.u32  }
0x95: {  	s1 =	rddreg [dreg:$0x1];
	p0 =	sne.s32 s2, $0x0  }
0x96: {  	s3 =	rddreg [dreg:$0x2];
	[bflag:$0x3] =	sbarrier.arrive $0xFFFF;
	s2 =	simm.s32 @!p0 $0x1C09  }
0x97: {  	[timem:s3], [sflag:s2] =	dma.local @!p0 [hbm:s0], s1  }
0x98: {  	s0 =	simm.s32 @!p0 $0x9  }
0x99: {  	_ =	swait.ge @!p0 [sflag:s0], s1  }
0x9a: {  	s1 =	ssub.s32 @!p0 $0x0, s1;
	[sflag:s0] =	ssyncset.done @!p0 $0x0  }
0x9b: {  	[sflag:s0] =	ssyncadd.s32 @!p0 s1  }
0x9c: {  	[bflag:$0x3] =	sbarrier.arrive $0xFFFF  }
0x9d: {  	_ =	shalt  }

</sc_bundles>
